<compile_context>
chip_gen: v7x
topology: tpu7x:2x2x1
jax: 0.10.2.dev20260603
libtpu: 0.0.44.dev20260713+nightly
codegen_flags: <defaults>
</compile_context>

<pallas_src>
import functools

import jax
import jax.numpy as jnp
from jax import lax
from jax.experimental import pallas as pl
from jax.experimental.pallas import tpu as pltpu
from jax.experimental.pallas import tpu_sc as plsc

NU = 2048; NI = 2048; N = NU + NI; D = 128; T = 64; E = 131072
MINV = 1e-06
SCALE = (D // 4) ** -0.5
EPS = 1e-05

NC = 2
NS = 16
NW = NC * NS
EW = E // NW
CHUNK = 128
NCH = EW // CHUNK
ROWS_PER_TILE = N // NS
NBUF = 4


def _segsum_partials(x, src_w, dst_w):
    mesh = plsc.VectorSubcoreMesh(core_axis_name="c", subcore_axis_name="s")

    @functools.partial(
        pl.kernel,
        out_type=jax.ShapeDtypeStruct((NC, N, D), jnp.float32),
        mesh=mesh,
        scratch_types=[
            pltpu.VMEM((NCH, CHUNK), jnp.int32),
            pltpu.VMEM((NCH, CHUNK), jnp.int32),
            pltpu.VMEM((NBUF, CHUNK, D), jnp.float32),
            pltpu.VMEM_SHARED((N, D), jnp.float32),
        ] + [pltpu.SemaphoreType.DMA] * (2 * NBUF),
    )
    def seg(x_hbm, src_hbm, dst_hbm, out_hbm, src_v, dst_v, ring, acc, *sems):
        gsems, ssems = sems[:NBUF], sems[NBUF:]
        c = lax.axis_index("c")
        s = lax.axis_index("s")
        wid = c * NS + s
        pltpu.sync_copy(src_hbm.at[wid], src_v)
        pltpu.sync_copy(dst_hbm.at[wid], dst_v)

        def zrow(i, carry):
            for j in range(D // 16):
                ring[0, i, pl.ds(j * 16, 16)] = jnp.zeros((16,), jnp.float32)
            return carry
        lax.fori_loop(0, CHUNK, zrow, 0)
        for r in range(ROWS_PER_TILE // CHUNK):
            pltpu.sync_copy(
                ring.at[0], acc.at[pl.ds(s * ROWS_PER_TILE + r * CHUNK, CHUNK)])
        plsc.subcore_barrier()

        for b in range(NBUF - 1):
            pltpu.async_copy(x_hbm.at[src_v.at[b]], ring.at[b], gsems[b])

        def body(g, carry):
            for b in range(NBUF):
                j = g * NBUF + b
                nb = (b + NBUF - 1) % NBUF

                @pl.when((j >= 1) & (j + NBUF - 1 < NCH))
                def _():
                    pltpu.make_async_copy(ring.at[nb], acc.at[dst_v.at[j - 1]],
                                          ssems[nb]).wait()

                @pl.when(j + NBUF - 1 < NCH)
                def _():
                    pltpu.async_copy(x_hbm.at[src_v.at[j + NBUF - 1]],
                                     ring.at[nb], gsems[nb])
                pltpu.make_async_copy(x_hbm.at[src_v.at[j]], ring.at[b],
                                      gsems[b]).wait()
                pltpu.async_copy(ring.at[b], acc.at[dst_v.at[j]], ssems[b],
                                 add=True)
            return carry
        lax.fori_loop(0, NCH // NBUF, body, 0)
        for b in range(NBUF):
            pltpu.make_async_copy(ring.at[b], acc.at[dst_v.at[NCH - NBUF + b]],
                                  ssems[b]).wait()
        plsc.subcore_barrier()

        pltpu.sync_copy(
            acc.at[pl.ds(s * ROWS_PER_TILE, ROWS_PER_TILE)],
            out_hbm.at[c, pl.ds(s * ROWS_PER_TILE, ROWS_PER_TILE)])

    return seg(x, src_w, dst_w)


def _assemble_body(u_ref, i_ref, causal_ref, temp_ref, tid_ref, o_ref):
    tid = tid_ref[...]
    on = (tid == lax.broadcasted_iota(jnp.int32, (N, T), 1)).astype(jnp.float32)
    emb = jnp.concatenate([u_ref[...], i_ref[...]], axis=0)
    o_ref[...] = (emb + causal_ref[...] +
                  jnp.dot(on, temp_ref[...], preferred_element_type=jnp.float32))


def _assemble(user_emb, item_emb, causal, temp, tid2d):
    return pl.pallas_call(
        _assemble_body,
        out_shape=jax.ShapeDtypeStruct((N, D), jnp.float32),
    )(user_emb, item_emb, causal, temp, tid2d)


def _ln(h, g, b):
    m = jnp.mean(h, axis=-1, keepdims=True)
    v = jnp.mean((h - m) ** 2, axis=-1, keepdims=True)
    return (h - m) / jnp.sqrt(v + EPS) * g + b


def _layer_body(final_ln, p_ref, w_ref, b_ref, g_ref, bn_ref, fg_ref, fb_ref, o_ref):
    agg = p_ref[0] + p_ref[1]
    h = lax.dot_general(agg, w_ref[...], (((1,), (1,)), ((), ())),
                        preferred_element_type=jnp.float32) + b_ref[...]
    h = _ln(h, g_ref[...], bn_ref[...])
    if final_ln:
        h = _ln(h, fg_ref[...], fb_ref[...])
    o_ref[...] = h


def _layer(parts, w, b, g, bn, fg, fb, final_ln):
    return pl.pallas_call(
        functools.partial(_layer_body, final_ln),
        out_shape=jax.ShapeDtypeStruct((N, D), jnp.float32),
    )(parts, w, b, g, bn, fg, fb)


RB = 1024


def _attn_body(p_ref, w1_ref, b1_ref, g1_ref, bn1_ref, fg_ref, fb_ref,
               wq_ref, bq_ref, wk_ref, bk_ref, wv_ref, bv_ref,
               wo_ref, bo_ref, wom_ref, bom_ref, wolv_ref, bolv_ref,
               wc1_ref, bc1_ref, wc2_ref, bc2_ref,
               om_ref, ov_ref, cf_ref, xf_s, k_s, v_s):
    i = pl.program_id(0)

    @pl.when(i == 0)
    def _():
        agg = p_ref[0] + p_ref[1]
        h = lax.dot_general(agg, w1_ref[...], (((1,), (1,)), ((), ())),
                            preferred_element_type=jnp.float32) + b1_ref[...]
        xf = _ln(_ln(h, g1_ref[...], bn1_ref[...]), fg_ref[...], fb_ref[...])
        xf_s[...] = xf
        k_s[...] = (lax.dot_general(xf, wk_ref[...], (((1,), (1,)), ((), ())),
                                    preferred_element_type=jnp.float32)
                    + bk_ref[...]).astype(jnp.bfloat16)
        v_s[:, :D] = (lax.dot_general(xf, wv_ref[...], (((1,), (1,)), ((), ())),
                                      preferred_element_type=jnp.float32)
                      + bv_ref[...]).astype(jnp.bfloat16)
        v_s[:, D:] = (lax.broadcasted_iota(jnp.int32, (N, D), 1)
                      == 0).astype(jnp.bfloat16)

    xb = xf_s[pl.ds(i * RB, RB), :]
    q = ((lax.dot_general(xb, wq_ref[...], (((1,), (1,)), ((), ())),
                          preferred_element_type=jnp.float32)
          + bq_ref[...]) * SCALE).astype(jnp.bfloat16)
    s = lax.dot_general(q, k_s[...], (((1,), (1,)), ((), ())),
                        preferred_element_type=jnp.float32)
    p = jnp.exp(s).astype(jnp.bfloat16)
    of = jnp.dot(p, v_s[...], preferred_element_type=jnp.float32)
    o = of[:, :D] * (1.0 / of[:, D:D + 1])
    ao = lax.dot_general(o, wo_ref[...], (((1,), (1,)), ((), ())),
                         preferred_element_type=jnp.float32) + bo_ref[...]
    om = lax.dot_general(ao, wom_ref[...], (((1,), (1,)), ((), ())),
                         preferred_element_type=jnp.float32) + bom_ref[...]
    olv = lax.dot_general(ao, wolv_ref[...], (((1,), (1,)), ((), ())),
                          preferred_element_type=jnp.float32) + bolv_ref[...]
    ov = jnp.exp(olv) + MINV
    ci = jnp.concatenate([om, jnp.sqrt(ov)], axis=-1)
    h = jax.nn.relu(
        lax.dot_general(ci, wc1_ref[...], (((1,), (1,)), ((), ())),
                        preferred_element_type=jnp.float32) + bc1_ref[...])
    cf = jax.nn.sigmoid(
        jnp.sum(h * wc2_ref[...], axis=-1, keepdims=True) + bc2_ref[0, 0])
    om_ref[...] = om
    ov_ref[...] = ov
    cf_ref[...] = cf


def _attention(parts, w1, b1, g1, bn1, fg, fb,
               wq, bq, wk, bk, wv, bv, wo, bo, wom, bom, wolv, bolv,
               wc1, bc1, wc2, bc2):
    full = lambda shape: pl.BlockSpec(shape, lambda i: (0,) * len(shape))
    return pl.pallas_call(
        _attn_body,
        grid=(N // RB,),
        in_specs=[
            full((2, N, D)),
            full((D, D)), full((1, D)), full((1, D)), full((1, D)),
            full((1, D)), full((1, D)),
            full((D, D)), full((1, D)), full((D, D)), full((1, D)),
            full((D, D)), full((1, D)), full((D, D)), full((1, D)),
            full((D, D)), full((1, D)), full((D, D)), full((1, D)),
            full((D, 2 * D)), full((1, D)), full((1, D)), full((1, 1)),
        ],
        out_specs=[
            pl.BlockSpec((RB, D), lambda i: (i, 0)),
            pl.BlockSpec((RB, D), lambda i: (i, 0)),
            pl.BlockSpec((RB, 1), lambda i: (i, 0)),
        ],
        out_shape=[
            jax.ShapeDtypeStruct((N, D), jnp.float32),
            jax.ShapeDtypeStruct((N, D), jnp.float32),
            jax.ShapeDtypeStruct((N, 1), jnp.float32),
        ],
        scratch_shapes=[
            pltpu.VMEM((N, D), jnp.float32),
            pltpu.VMEM((N, D), jnp.bfloat16),
            pltpu.VMEM((N, 2 * D), jnp.bfloat16),
        ],
    )(parts, w1, b1, g1, bn1, fg, fb,
      wq, bq, wk, bk, wv, bv, wo, bo, wom, bom, wolv, bolv,
      wc1, bc1, wc2, bc2)


def kernel(user_emb, item_emb, user_lv, item_lv, temp_emb, temp_lv, causal_emb,
           W0, b0, W1, b1, ln0_g, ln0_b, ln1_g, ln1_b, fln_g, fln_b,
           Wq, bq, Wk, bk, Wv, bv, Wo, bo, Wvar, bvar,
           Wom, bom, Wolv, bolv, Wc1, bc1, Wc2, bc2,
           edge_index, edge_timestamps, time_indices):
    r = lambda v: v.reshape(1, -1)

    tid2d = time_indices.astype(jnp.int32).reshape(N, 1)
    src_w = edge_index[0].astype(jnp.int32).reshape(NW, NCH, CHUNK)
    dst_w = edge_index[1].astype(jnp.int32).reshape(NW, NCH, CHUNK)

    x = _assemble(user_emb, item_emb, causal_emb, temp_emb, tid2d)

    parts = _segsum_partials(x, src_w, dst_w)
    x = _layer(parts, W0, r(b0), r(ln0_g), r(ln0_b), r(fln_g), r(fln_b), False)
    parts = _segsum_partials(x, src_w, dst_w)

    out_mean, out_var, conf = _attention(
        parts, W1, r(b1), r(ln1_g), r(ln1_b), r(fln_g), r(fln_b),
        Wq, r(bq), Wk, r(bk), Wv, r(bv), Wo, r(bo),
        Wom, r(bom), Wolv, r(bolv), Wc1, r(bc1), Wc2, bc2.reshape(1, 1))

    return (out_mean, out_mean[:NU], out_mean[NU:], out_var, conf)

# --- scband reference (transcript-rebuilt; emitter-appended) ---
"""Pipeline reference for scband-uncertainty-aware-causal-temporal-gnn-68693706932586 (READ-ONLY COPY).

The authoritative reference and input builder live on the scoring server;
editing this copy changes nothing except your own understanding.
"""

import jax, jax.numpy as jnp
import numpy as np

NU = 2048; NI = 2048; N = NU + NI; D = 128; T = 64; E = 131072
MINV = 1e-06
SCALE = (D // 4) ** -0.5

def layer_norm(x, g, b, eps=1e-05):
    m = jnp.mean(x, axis=-1, keepdims=True)
    v = jnp.var(x, axis=-1, keepdims=True)
    return (x - m) / jnp.sqrt(v + eps) * g + b

def _forward(user_emb, item_emb, user_lv, item_lv, temp_emb, temp_lv, causal_emb,
             W0, b0, W1, b1, ln0_g, ln0_b, ln1_g, ln1_b, fln_g, fln_b,
             Wq, bq, Wk, bk, Wv, bv, Wo, bo, Wvar, bvar,
             Wom, bom, Wolv, bolv, Wc1, bc1, Wc2, bc2,
             edge_index, edge_timestamps, time_indices):
    all_mean = jnp.concatenate([user_emb, item_emb], axis=0)
    all_var = jnp.concatenate([jnp.exp(user_lv) + MINV, jnp.exp(item_lv) + MINV], axis=0)
    all_mean = all_mean + jnp.take(temp_emb, time_indices, axis=0) + causal_emb
    all_var = all_var + jnp.exp(jnp.take(temp_lv, time_indices, axis=0)) + MINV
    ew_mean = jnp.ones((E,), jnp.float32)
    ew_var = jnp.ones((E,), jnp.float32) * 0.01
    src = edge_index[0]; dst = edge_index[1]
    h_mean = all_mean; h_var = all_var
    for (W, b, g, bn) in ((W0, b0, ln0_g, ln0_b), (W1, b1, ln1_g, ln1_b)):
        gathered = jnp.take(h_mean, src, axis=0)
        agg_m = jax.ops.segment_sum(gathered * ew_mean[:, None], dst, num_segments=N)
        agg_v = jax.ops.segment_sum((gathered ** 2) * ew_var[:, None], dst, num_segments=N)
        h_mean = agg_m @ W.T + b
        h_var = agg_v @ (W.T ** 2)
        h_mean = layer_norm(h_mean, g, bn)
    h_mean = layer_norm(h_mean, fln_g, fln_b)
    q = h_mean @ Wq.T + bq
    k = h_mean @ Wk.T + bk
    v = h_mean @ Wv.T + bv
    attn = jax.nn.softmax((q @ k.T) * SCALE, axis=-1)
    att_out = (attn @ v) @ Wo.T + bo
    v_var = h_var @ Wvar.T + bvar
    att_var = (attn ** 2) @ v_var  # faithful to torch forward; unused downstream
    out_mean = att_out @ Wom.T + bom
    out_log_var = att_out @ Wolv.T + bolv
    out_var = jnp.exp(out_log_var) + MINV
    user_m = out_mean[:NU]; item_m = out_mean[NU:]
    conf_in = jnp.concatenate([out_mean, jnp.sqrt(out_var)], axis=-1)
    h = jax.nn.relu(conf_in @ Wc1.T + bc1)
    conf = jax.nn.sigmoid(h @ Wc2.T + bc2)
    return (out_mean, user_m, item_m, out_var, conf)

def setup_inputs(seed: int = 0):
    key = jax.random.key(seed)
    ks = jax.random.split(key, 32)
    def nrm(i, shape, std=0.05):
        return jax.random.normal(ks[i], shape, dtype=jnp.float32) * std
    z = lambda *s: jnp.zeros(s, jnp.float32)
    o = lambda *s: jnp.ones(s, jnp.float32)
    inp = {
        "user_emb": nrm(0, (NU, D), 0.1), "item_emb": nrm(1, (NI, D), 0.1),
        "user_lv": jnp.full((NU, D), -2.0, jnp.float32), "item_lv": jnp.full((NI, D), -2.0, jnp.float32),
        "temp_emb": nrm(2, (T, D), 0.1), "temp_lv": jnp.full((T, D), -2.0, jnp.float32),
        "causal_emb": nrm(3, (N, D), 0.1),
        "W0": nrm(4, (D, D)), "b0": z(D), "W1": nrm(5, (D, D)), "b1": z(D),
        "ln0_g": o(D), "ln0_b": z(D), "ln1_g": o(D), "ln1_b": z(D), "fln_g": o(D), "fln_b": z(D),
        "Wq": nrm(6, (D, D)), "bq": z(D), "Wk": nrm(7, (D, D)), "bk": z(D),
        "Wv": nrm(8, (D, D)), "bv": z(D), "Wo": nrm(9, (D, D)), "bo": z(D),
        "Wvar": nrm(10, (D, D)), "bvar": z(D),
        "Wom": nrm(11, (D, D)), "bom": z(D), "Wolv": nrm(12, (D, D)), "bolv": z(D),
        "Wc1": nrm(13, (D, 2 * D)), "bc1": z(D), "Wc2": nrm(14, (1, D)), "bc2": z(1),
        "edge_index": jax.random.randint(ks[20], (2, E), 0, N),
        "edge_timestamps": jax.random.randint(ks[21], (E,), 0, T),
        "time_indices": jax.random.randint(ks[22], (N,), 0, T),
    }
    return inp

def reference(user_emb, item_emb, user_lv, item_lv, temp_emb, temp_lv, causal_emb,
              W0, b0, W1, b1, ln0_g, ln0_b, ln1_g, ln1_b, fln_g, fln_b,
              Wq, bq, Wk, bk, Wv, bv, Wo, bo, Wvar, bvar,
              Wom, bom, Wolv, bolv, Wc1, bc1, Wc2, bc2,
              edge_index, edge_timestamps, time_indices):
    return _forward(user_emb, item_emb, user_lv, item_lv, temp_emb, temp_lv, causal_emb,
                    W0, b0, W1, b1, ln0_g, ln0_b, ln1_g, ln1_b, fln_g, fln_b,
                    Wq, bq, Wk, bk, Wv, bv, Wo, bo, Wvar, bvar,
                    Wom, bom, Wolv, bolv, Wc1, bc1, Wc2, bc2,
                    edge_index, edge_timestamps, time_indices)

if __name__ == "__main__":
    import jax
    _d = setup_inputs()
    print(jax.jit(kernel)(*tuple(_d.values())))

</pallas_src>

<mosaic_0001>
#map = affine_map<(d0, d1) -> (0, 0)>
#map1 = affine_map<(d0, d1) -> (0, 0, 0)>
module attributes {stable_mosaic.version = 14 : i64} {
  func.func @seg(%arg0: i32, %arg1: i32, %arg2: memref<4096x128xf32, #tpu.memory_space<hbm>>, %arg3: memref<32x32x128xi32, #tpu.memory_space<hbm>>, %arg4: memref<32x32x128xi32, #tpu.memory_space<hbm>>, %arg5: memref<2x4096x128xf32, #tpu.memory_space<hbm>>, %arg6: memref<32x128xi32, #tpu.memory_space<vmem>>, %arg7: memref<32x128xi32, #tpu.memory_space<vmem>>, %arg8: memref<4x128x128xf32, #tpu.memory_space<vmem>>, %arg9: memref<4096x128xf32, #tpu.memory_space<vmem_shared>>, %arg10: memref<!tpu.dma_semaphore, #tpu.memory_space<semaphore_mem>>, %arg11: memref<!tpu.dma_semaphore, #tpu.memory_space<semaphore_mem>>, %arg12: memref<!tpu.dma_semaphore, #tpu.memory_space<semaphore_mem>>, %arg13: memref<!tpu.dma_semaphore, #tpu.memory_space<semaphore_mem>>, %arg14: memref<!tpu.dma_semaphore, #tpu.memory_space<semaphore_mem>>, %arg15: memref<!tpu.dma_semaphore, #tpu.memory_space<semaphore_mem>>, %arg16: memref<!tpu.dma_semaphore, #tpu.memory_space<semaphore_mem>>, %arg17: memref<!tpu.dma_semaphore, #tpu.memory_space<semaphore_mem>>) attributes {dimension_semantics = [#tpu.dimension_semantics<core_parallel>, #tpu.dimension_semantics<subcore_parallel>], iteration_bounds = array<i64: 2, 16>, scalar_prefetch = 0 : i64, scratch_operands = 12 : i64, tpu.core_type = #tpu.core_type<sc_vector_subcore>, window_params = [{transform_indices = #map}, {transform_indices = #map1}, {transform_indices = #map1}, {transform_indices = #map1}]} {
    %mul3A = arith.constant 16 : i32
    %mul3A_0 = arith.muli %arg0, %mul3A : i32
    %add3A = arith.addi %mul3A_0, %arg1 : i32
    "tpu.region"() ({
      %run_scoped3A_108 = tpu.sem_alloc : memref<!tpu.dma_semaphore, #tpu.memory_space<semaphore_mem>>
      %dma_start3A_109 = arith.constant 0 : i32
      %dma_start3A_110 = arith.constant 0 : i32
      %dma_start3A_111 = tpu.memref_slice %arg3[%add3A, %dma_start3A_109, %dma_start3A_110] : memref<32x32x128xi32, #tpu.memory_space<hbm>> -> memref<1x32x128xi32, #tpu.memory_space<hbm>>
      %dma_start3A_112 = tpu.memref_squeeze %dma_start3A_111 : memref<1x32x128xi32, #tpu.memory_space<hbm>> -> memref<32x128xi32, #tpu.memory_space<hbm>>
      %dma_start3A_113 = arith.constant 0 : i32
      %dma_start3A_114 = arith.constant 0 : i32
      %dma_start3A_115 = tpu.memref_slice %arg3[%add3A, %dma_start3A_113, %dma_start3A_114] : memref<32x32x128xi32, #tpu.memory_space<hbm>> -> memref<1x32x128xi32, #tpu.memory_space<hbm>>
      %dma_start3A_116 = tpu.memref_squeeze %dma_start3A_115 : memref<1x32x128xi32, #tpu.memory_space<hbm>> -> memref<32x128xi32, #tpu.memory_space<hbm>>
      tpu.enqueue_dma source(%dma_start3A_116 : memref<32x128xi32, #tpu.memory_space<hbm>>) target(%arg6 : memref<32x128xi32, #tpu.memory_space<vmem>>) target_semaphore(%run_scoped3A_108 : memref<!tpu.dma_semaphore, #tpu.memory_space<semaphore_mem>>)
      %dma_wait3A_117 = arith.constant 0 : i32
      %dma_wait3A_118 = arith.constant 0 : i32
      %dma_wait3A_119 = tpu.memref_slice %arg3[%add3A, %dma_wait3A_117, %dma_wait3A_118] : memref<32x32x128xi32, #tpu.memory_space<hbm>> -> memref<1x32x128xi32, #tpu.memory_space<hbm>>
      %dma_wait3A_120 = tpu.memref_squeeze %dma_wait3A_119 : memref<1x32x128xi32, #tpu.memory_space<hbm>> -> memref<32x128xi32, #tpu.memory_space<hbm>>
      %dma_wait3A_121 = arith.constant 0 : i32
      %dma_wait3A_122 = arith.constant 0 : i32
      %dma_wait3A_123 = tpu.memref_slice %arg3[%add3A, %dma_wait3A_121, %dma_wait3A_122] : memref<32x32x128xi32, #tpu.memory_space<hbm>> -> memref<1x32x128xi32, #tpu.memory_space<hbm>>
      %dma_wait3A_124 = tpu.memref_squeeze %dma_wait3A_123 : memref<1x32x128xi32, #tpu.memory_space<hbm>> -> memref<32x128xi32, #tpu.memory_space<hbm>>
      tpu.wait_dma2 semaphore(%run_scoped3A_108 : memref<!tpu.dma_semaphore, #tpu.memory_space<semaphore_mem>>) src(%dma_wait3A_124 : memref<32x128xi32, #tpu.memory_space<hbm>>) dst(%arg6 : memref<32x128xi32, #tpu.memory_space<vmem>>)
      tpu.yield
    }) : () -> ()
    "tpu.region"() ({
      %run_scoped3A_108 = tpu.sem_alloc : memref<!tpu.dma_semaphore, #tpu.memory_space<semaphore_mem>>
      %dma_start3A_109 = arith.constant 0 : i32
      %dma_start3A_110 = arith.constant 0 : i32
      %dma_start3A_111 = tpu.memref_slice %arg4[%add3A, %dma_start3A_109, %dma_start3A_110] : memref<32x32x128xi32, #tpu.memory_space<hbm>> -> memref<1x32x128xi32, #tpu.memory_space<hbm>>
      %dma_start3A_112 = tpu.memref_squeeze %dma_start3A_111 : memref<1x32x128xi32, #tpu.memory_space<hbm>> -> memref<32x128xi32, #tpu.memory_space<hbm>>
      %dma_start3A_113 = arith.constant 0 : i32
      %dma_start3A_114 = arith.constant 0 : i32
      %dma_start3A_115 = tpu.memref_slice %arg4[%add3A, %dma_start3A_113, %dma_start3A_114] : memref<32x32x128xi32, #tpu.memory_space<hbm>> -> memref<1x32x128xi32, #tpu.memory_space<hbm>>
      %dma_start3A_116 = tpu.memref_squeeze %dma_start3A_115 : memref<1x32x128xi32, #tpu.memory_space<hbm>> -> memref<32x128xi32, #tpu.memory_space<hbm>>
      tpu.enqueue_dma source(%dma_start3A_116 : memref<32x128xi32, #tpu.memory_space<hbm>>) target(%arg7 : memref<32x128xi32, #tpu.memory_space<vmem>>) target_semaphore(%run_scoped3A_108 : memref<!tpu.dma_semaphore, #tpu.memory_space<semaphore_mem>>)
      %dma_wait3A_117 = arith.constant 0 : i32
      %dma_wait3A_118 = arith.constant 0 : i32
      %dma_wait3A_119 = tpu.memref_slice %arg4[%add3A, %dma_wait3A_117, %dma_wait3A_118] : memref<32x32x128xi32, #tpu.memory_space<hbm>> -> memref<1x32x128xi32, #tpu.memory_space<hbm>>
      %dma_wait3A_120 = tpu.memref_squeeze %dma_wait3A_119 : memref<1x32x128xi32, #tpu.memory_space<hbm>> -> memref<32x128xi32, #tpu.memory_space<hbm>>
      %dma_wait3A_121 = arith.constant 0 : i32
      %dma_wait3A_122 = arith.constant 0 : i32
      %dma_wait3A_123 = tpu.memref_slice %arg4[%add3A, %dma_wait3A_121, %dma_wait3A_122] : memref<32x32x128xi32, #tpu.memory_space<hbm>> -> memref<1x32x128xi32, #tpu.memory_space<hbm>>
      %dma_wait3A_124 = tpu.memref_squeeze %dma_wait3A_123 : memref<1x32x128xi32, #tpu.memory_space<hbm>> -> memref<32x128xi32, #tpu.memory_space<hbm>>
      tpu.wait_dma2 semaphore(%run_scoped3A_108 : memref<!tpu.dma_semaphore, #tpu.memory_space<semaphore_mem>>) src(%dma_wait3A_124 : memref<32x128xi32, #tpu.memory_space<hbm>>) dst(%arg7 : memref<32x128xi32, #tpu.memory_space<vmem>>)
      tpu.yield
    }) : () -> ()
    %scan3A = arith.constant 0 : i32
    %scan3A_1 = arith.constant 0 : i32
    %scan3A_2 = arith.constant 128 : i32
    %scan3A_3 = arith.addi %scan3A_1, %scan3A_2 : i32
    %scan3A_4 = arith.constant 1 : i32
    scf.for %scan3A_108 = %scan3A_1 to %scan3A_3 step %scan3A_4  : i32 {
      %broadcast_in_dim3A = arith.constant 0.000000e+00 : f32
      %broadcast_in_dim3A_109 = vector.broadcast %broadcast_in_dim3A : f32 to vector<16xf32>
      %swap3A = arith.constant 0 : i32
      %swap3A_110 = arith.index_cast %swap3A : i32 to index
      %swap3A_111 = arith.index_cast %scan3A_108 : i32 to index
      %swap3A_112 = arith.constant 0 : index
      %swap3A_113 = tpu.vector_load %arg8[%swap3A_110, %swap3A_111, %swap3A_112] {strides = array<i32>} : memref<4x128x128xf32, #tpu.memory_space<vmem>>, vector<1x1x16xf32>,
      %swap3A_114 = vector.shape_cast %swap3A_113 : vector<1x1x16xf32> to vector<16xf32>
      %swap3A_115 = vector.shape_cast %broadcast_in_dim3A_109 : vector<16xf32> to vector<1x1x16xf32>
      tpu.vector_store %arg8[%swap3A_110, %swap3A_111, %swap3A_112], %swap3A_115 {strides = array<i32>} : memref<4x128x128xf32, #tpu.memory_space<vmem>>, vector<1x1x16xf32>,
      %broadcast_in_dim3A_116 = arith.constant 0.000000e+00 : f32
      %broadcast_in_dim3A_117 = vector.broadcast %broadcast_in_dim3A_116 : f32 to vector<16xf32>
      %swap3A_118 = arith.constant 0 : i32
      %swap3A_119 = arith.index_cast %swap3A_118 : i32 to index
      %swap3A_120 = arith.index_cast %scan3A_108 : i32 to index
      %swap3A_121 = arith.constant 16 : index
      %swap3A_122 = tpu.vector_load %arg8[%swap3A_119, %swap3A_120, %swap3A_121] {strides = array<i32>} : memref<4x128x128xf32, #tpu.memory_space<vmem>>, vector<1x1x16xf32>,
      %swap3A_123 = vector.shape_cast %swap3A_122 : vector<1x1x16xf32> to vector<16xf32>
      %swap3A_124 = vector.shape_cast %broadcast_in_dim3A_117 : vector<16xf32> to vector<1x1x16xf32>
      tpu.vector_store %arg8[%swap3A_119, %swap3A_120, %swap3A_121], %swap3A_124 {strides = array<i32>} : memref<4x128x128xf32, #tpu.memory_space<vmem>>, vector<1x1x16xf32>,
      %broadcast_in_dim3A_125 = arith.constant 0.000000e+00 : f32
      %broadcast_in_dim3A_126 = vector.broadcast %broadcast_in_dim3A_125 : f32 to vector<16xf32>
      %swap3A_127 = arith.constant 0 : i32
      %swap3A_128 = arith.index_cast %swap3A_127 : i32 to index
      %swap3A_129 = arith.index_cast %scan3A_108 : i32 to index
      %swap3A_130 = arith.constant 32 : index
      %swap3A_131 = tpu.vector_load %arg8[%swap3A_128, %swap3A_129, %swap3A_130] {strides = array<i32>} : memref<4x128x128xf32, #tpu.memory_space<vmem>>, vector<1x1x16xf32>,
      %swap3A_132 = vector.shape_cast %swap3A_131 : vector<1x1x16xf32> to vector<16xf32>
      %swap3A_133 = vector.shape_cast %broadcast_in_dim3A_126 : vector<16xf32> to vector<1x1x16xf32>
      tpu.vector_store %arg8[%swap3A_128, %swap3A_129, %swap3A_130], %swap3A_133 {strides = array<i32>} : memref<4x128x128xf32, #tpu.memory_space<vmem>>, vector<1x1x16xf32>,
      %broadcast_in_dim3A_134 = arith.constant 0.000000e+00 : f32
      %broadcast_in_dim3A_135 = vector.broadcast %broadcast_in_dim3A_134 : f32 to vector<16xf32>
      %swap3A_136 = arith.constant 0 : i32
      %swap3A_137 = arith.index_cast %swap3A_136 : i32 to index
      %swap3A_138 = arith.index_cast %scan3A_108 : i32 to index
      %swap3A_139 = arith.constant 48 : index
      %swap3A_140 = tpu.vector_load %arg8[%swap3A_137, %swap3A_138, %swap3A_139] {strides = array<i32>} : memref<4x128x128xf32, #tpu.memory_space<vmem>>, vector<1x1x16xf32>,
      %swap3A_141 = vector.shape_cast %swap3A_140 : vector<1x1x16xf32> to vector<16xf32>
      %swap3A_142 = vector.shape_cast %broadcast_in_dim3A_135 : vector<16xf32> to vector<1x1x16xf32>
      tpu.vector_store %arg8[%swap3A_137, %swap3A_138, %swap3A_139], %swap3A_142 {strides = array<i32>} : memref<4x128x128xf32, #tpu.memory_space<vmem>>, vector<1x1x16xf32>,
      %broadcast_in_dim3A_143 = arith.constant 0.000000e+00 : f32
      %broadcast_in_dim3A_144 = vector.broadcast %broadcast_in_dim3A_143 : f32 to vector<16xf32>
      %swap3A_145 = arith.constant 0 : i32
      %swap3A_146 = arith.index_cast %swap3A_145 : i32 to index
      %swap3A_147 = arith.index_cast %scan3A_108 : i32 to index
      %swap3A_148 = arith.constant 64 : index
      %swap3A_149 = tpu.vector_load %arg8[%swap3A_146, %swap3A_147, %swap3A_148] {strides = array<i32>} : memref<4x128x128xf32, #tpu.memory_space<vmem>>, vector<1x1x16xf32>,
      %swap3A_150 = vector.shape_cast %swap3A_149 : vector<1x1x16xf32> to vector<16xf32>
      %swap3A_151 = vector.shape_cast %broadcast_in_dim3A_144 : vector<16xf32> to vector<1x1x16xf32>
      tpu.vector_store %arg8[%swap3A_146, %swap3A_147, %swap3A_148], %swap3A_151 {strides = array<i32>} : memref<4x128x128xf32, #tpu.memory_space<vmem>>, vector<1x1x16xf32>,
      %broadcast_in_dim3A_152 = arith.constant 0.000000e+00 : f32
      %broadcast_in_dim3A_153 = vector.broadcast %broadcast_in_dim3A_152 : f32 to vector<16xf32>
      %swap3A_154 = arith.constant 0 : i32
      %swap3A_155 = arith.index_cast %swap3A_154 : i32 to index
      %swap3A_156 = arith.index_cast %scan3A_108 : i32 to index
      %swap3A_157 = arith.constant 80 : index
      %swap3A_158 = tpu.vector_load %arg8[%swap3A_155, %swap3A_156, %swap3A_157] {strides = array<i32>} : memref<4x128x128xf32, #tpu.memory_space<vmem>>, vector<1x1x16xf32>,
      %swap3A_159 = vector.shape_cast %swap3A_158 : vector<1x1x16xf32> to vector<16xf32>
      %swap3A_160 = vector.shape_cast %broadcast_in_dim3A_153 : vector<16xf32> to vector<1x1x16xf32>
      tpu.vector_store %arg8[%swap3A_155, %swap3A_156, %swap3A_157], %swap3A_160 {strides = array<i32>} : memref<4x128x128xf32, #tpu.memory_space<vmem>>, vector<1x1x16xf32>,
      %broadcast_in_dim3A_161 = arith.constant 0.000000e+00 : f32
      %broadcast_in_dim3A_162 = vector.broadcast %broadcast_in_dim3A_161 : f32 to vector<16xf32>
      %swap3A_163 = arith.constant 0 : i32
      %swap3A_164 = arith.index_cast %swap3A_163 : i32 to index
      %swap3A_165 = arith.index_cast %scan3A_108 : i32 to index
      %swap3A_166 = arith.constant 96 : index
      %swap3A_167 = tpu.vector_load %arg8[%swap3A_164, %swap3A_165, %swap3A_166] {strides = array<i32>} : memref<4x128x128xf32, #tpu.memory_space<vmem>>, vector<1x1x16xf32>,
      %swap3A_168 = vector.shape_cast %swap3A_167 : vector<1x1x16xf32> to vector<16xf32>
      %swap3A_169 = vector.shape_cast %broadcast_in_dim3A_162 : vector<16xf32> to vector<1x1x16xf32>
      tpu.vector_store %arg8[%swap3A_164, %swap3A_165, %swap3A_166], %swap3A_169 {strides = array<i32>} : memref<4x128x128xf32, #tpu.memory_space<vmem>>, vector<1x1x16xf32>,
      %broadcast_in_dim3A_170 = arith.constant 0.000000e+00 : f32
      %broadcast_in_dim3A_171 = vector.broadcast %broadcast_in_dim3A_170 : f32 to vector<16xf32>
      %swap3A_172 = arith.constant 0 : i32
      %swap3A_173 = arith.index_cast %swap3A_172 : i32 to index
      %swap3A_174 = arith.index_cast %scan3A_108 : i32 to index
      %swap3A_175 = arith.constant 112 : index
      %swap3A_176 = tpu.vector_load %arg8[%swap3A_173, %swap3A_174, %swap3A_175] {strides = array<i32>} : memref<4x128x128xf32, #tpu.memory_space<vmem>>, vector<1x1x16xf32>,
      %swap3A_177 = vector.shape_cast %swap3A_176 : vector<1x1x16xf32> to vector<16xf32>
      %swap3A_178 = vector.shape_cast %broadcast_in_dim3A_171 : vector<16xf32> to vector<1x1x16xf32>
      tpu.vector_store %arg8[%swap3A_173, %swap3A_174, %swap3A_175], %swap3A_178 {strides = array<i32>} : memref<4x128x128xf32, #tpu.memory_space<vmem>>, vector<1x1x16xf32>,
    }
    %scan3A_5 = arith.constant 128 : i32
    %mul3A_6 = arith.constant 256 : i32
    %mul3A_7 = arith.muli %arg1, %mul3A_6 : i32
    %add3A_8 = arith.constant 0 : i32
    %add3A_9 = arith.addi %mul3A_7, %add3A_8 : i32
    %run_scoped3A = arith.constant 0 : i32
    "tpu.region"() ({
      %run_scoped3A_108 = tpu.sem_alloc : memref<!tpu.dma_semaphore, #tpu.memory_space<semaphore_mem>>
      %dma_start3A_109 = arith.constant 0 : i32
      %dma_start3A_110 = arith.constant 0 : i32
      %dma_start3A_111 = tpu.memref_slice %arg8[%run_scoped3A, %dma_start3A_109, %dma_start3A_110] : memref<4x128x128xf32, #tpu.memory_space<vmem>> -> memref<1x128x128xf32, #tpu.memory_space<vmem>>
      %dma_start3A_112 = tpu.memref_squeeze %dma_start3A_111 : memref<1x128x128xf32, #tpu.memory_space<vmem>> -> memref<128x128xf32, #tpu.memory_space<vmem>>
      %dma_start3A_113 = arith.constant 0 : i32
      %dma_start3A_114 = tpu.memref_slice %arg9[%add3A_9, %dma_start3A_113] : memref<4096x128xf32, #tpu.memory_space<vmem_shared>> -> memref<128x128xf32, #tpu.memory_space<vmem_shared>>
      %dma_start3A_115 = arith.constant 0 : i32
      %dma_start3A_116 = tpu.memref_slice %arg9[%add3A_9, %dma_start3A_115] : memref<4096x128xf32, #tpu.memory_space<vmem_shared>> -> memref<128x128xf32, #tpu.memory_space<vmem_shared>>
      %dma_start3A_117 = arith.constant 0 : i32
      %dma_start3A_118 = arith.constant 0 : i32
      %dma_start3A_119 = tpu.memref_slice %arg8[%run_scoped3A, %dma_start3A_117, %dma_start3A_118] : memref<4x128x128xf32, #tpu.memory_space<vmem>> -> memref<1x128x128xf32, #tpu.memory_space<vmem>>
      %dma_start3A_120 = tpu.memref_squeeze %dma_start3A_119 : memref<1x128x128xf32, #tpu.memory_space<vmem>> -> memref<128x128xf32, #tpu.memory_space<vmem>>
      tpu.enqueue_dma source(%dma_start3A_120 : memref<128x128xf32, #tpu.memory_space<vmem>>) target(%dma_start3A_116 : memref<128x128xf32, #tpu.memory_space<vmem_shared>>) target_semaphore(%run_scoped3A_108 : memref<!tpu.dma_semaphore, #tpu.memory_space<semaphore_mem>>)
      %dma_wait3A_121 = arith.constant 0 : i32
      %dma_wait3A_122 = arith.constant 0 : i32
      %dma_wait3A_123 = tpu.memref_slice %arg8[%run_scoped3A, %dma_wait3A_121, %dma_wait3A_122] : memref<4x128x128xf32, #tpu.memory_space<vmem>> -> memref<1x128x128xf32, #tpu.memory_space<vmem>>
      %dma_wait3A_124 = tpu.memref_squeeze %dma_wait3A_123 : memref<1x128x128xf32, #tpu.memory_space<vmem>> -> memref<128x128xf32, #tpu.memory_space<vmem>>
      %dma_wait3A_125 = arith.constant 0 : i32
      %dma_wait3A_126 = tpu.memref_slice %arg9[%add3A_9, %dma_wait3A_125] : memref<4096x128xf32, #tpu.memory_space<vmem_shared>> -> memref<128x128xf32, #tpu.memory_space<vmem_shared>>
      %dma_wait3A_127 = arith.constant 0 : i32
      %dma_wait3A_128 = tpu.memref_slice %arg9[%add3A_9, %dma_wait3A_127] : memref<4096x128xf32, #tpu.memory_space<vmem_shared>> -> memref<128x128xf32, #tpu.memory_space<vmem_shared>>
      %dma_wait3A_129 = arith.constant 0 : i32
      %dma_wait3A_130 = arith.constant 0 : i32
      %dma_wait3A_131 = tpu.memref_slice %arg8[%run_scoped3A, %dma_wait3A_129, %dma_wait3A_130] : memref<4x128x128xf32, #tpu.memory_space<vmem>> -> memref<1x128x128xf32, #tpu.memory_space<vmem>>
      %dma_wait3A_132 = tpu.memref_squeeze %dma_wait3A_131 : memref<1x128x128xf32, #tpu.memory_space<vmem>> -> memref<128x128xf32, #tpu.memory_space<vmem>>
      tpu.wait_dma2 semaphore(%run_scoped3A_108 : memref<!tpu.dma_semaphore, #tpu.memory_space<semaphore_mem>>) src(%dma_wait3A_132 : memref<128x128xf32, #tpu.memory_space<vmem>>) dst(%dma_wait3A_128 : memref<128x128xf32, #tpu.memory_space<vmem_shared>>)
      tpu.yield
    }) : () -> ()
    %mul3A_10 = arith.constant 256 : i32
    %mul3A_11 = arith.muli %arg1, %mul3A_10 : i32
    %add3A_12 = arith.constant 128 : i32
    %add3A_13 = arith.addi %mul3A_11, %add3A_12 : i32
    %run_scoped3A_14 = arith.constant 0 : i32
    "tpu.region"() ({
      %run_scoped3A_108 = tpu.sem_alloc : memref<!tpu.dma_semaphore, #tpu.memory_space<semaphore_mem>>
      %dma_start3A_109 = arith.constant 0 : i32
      %dma_start3A_110 = arith.constant 0 : i32
      %dma_start3A_111 = tpu.memref_slice %arg8[%run_scoped3A_14, %dma_start3A_109, %dma_start3A_110] : memref<4x128x128xf32, #tpu.memory_space<vmem>> -> memref<1x128x128xf32, #tpu.memory_space<vmem>>
      %dma_start3A_112 = tpu.memref_squeeze %dma_start3A_111 : memref<1x128x128xf32, #tpu.memory_space<vmem>> -> memref<128x128xf32, #tpu.memory_space<vmem>>
      %dma_start3A_113 = arith.constant 0 : i32
      %dma_start3A_114 = tpu.memref_slice %arg9[%add3A_13, %dma_start3A_113] : memref<4096x128xf32, #tpu.memory_space<vmem_shared>> -> memref<128x128xf32, #tpu.memory_space<vmem_shared>>
      %dma_start3A_115 = arith.constant 0 : i32
      %dma_start3A_116 = tpu.memref_slice %arg9[%add3A_13, %dma_start3A_115] : memref<4096x128xf32, #tpu.memory_space<vmem_shared>> -> memref<128x128xf32, #tpu.memory_space<vmem_shared>>
      %dma_start3A_117 = arith.constant 0 : i32
      %dma_start3A_118 = arith.constant 0 : i32
      %dma_start3A_119 = tpu.memref_slice %arg8[%run_scoped3A_14, %dma_start3A_117, %dma_start3A_118] : memref<4x128x128xf32, #tpu.memory_space<vmem>> -> memref<1x128x128xf32, #tpu.memory_space<vmem>>
      %dma_start3A_120 = tpu.memref_squeeze %dma_start3A_119 : memref<1x128x128xf32, #tpu.memory_space<vmem>> -> memref<128x128xf32, #tpu.memory_space<vmem>>
      tpu.enqueue_dma source(%dma_start3A_120 : memref<128x128xf32, #tpu.memory_space<vmem>>) target(%dma_start3A_116 : memref<128x128xf32, #tpu.memory_space<vmem_shared>>) target_semaphore(%run_scoped3A_108 : memref<!tpu.dma_semaphore, #tpu.memory_space<semaphore_mem>>)
      %dma_wait3A_121 = arith.constant 0 : i32
      %dma_wait3A_122 = arith.constant 0 : i32
      %dma_wait3A_123 = tpu.memref_slice %arg8[%run_scoped3A_14, %dma_wait3A_121, %dma_wait3A_122] : memref<4x128x128xf32, #tpu.memory_space<vmem>> -> memref<1x128x128xf32, #tpu.memory_space<vmem>>
      %dma_wait3A_124 = tpu.memref_squeeze %dma_wait3A_123 : memref<1x128x128xf32, #tpu.memory_space<vmem>> -> memref<128x128xf32, #tpu.memory_space<vmem>>
      %dma_wait3A_125 = arith.constant 0 : i32
      %dma_wait3A_126 = tpu.memref_slice %arg9[%add3A_13, %dma_wait3A_125] : memref<4096x128xf32, #tpu.memory_space<vmem_shared>> -> memref<128x128xf32, #tpu.memory_space<vmem_shared>>
      %dma_wait3A_127 = arith.constant 0 : i32
      %dma_wait3A_128 = tpu.memref_slice %arg9[%add3A_13, %dma_wait3A_127] : memref<4096x128xf32, #tpu.memory_space<vmem_shared>> -> memref<128x128xf32, #tpu.memory_space<vmem_shared>>
      %dma_wait3A_129 = arith.constant 0 : i32
      %dma_wait3A_130 = arith.constant 0 : i32
      %dma_wait3A_131 = tpu.memref_slice %arg8[%run_scoped3A_14, %dma_wait3A_129, %dma_wait3A_130] : memref<4x128x128xf32, #tpu.memory_space<vmem>> -> memref<1x128x128xf32, #tpu.memory_space<vmem>>
      %dma_wait3A_132 = tpu.memref_squeeze %dma_wait3A_131 : memref<1x128x128xf32, #tpu.memory_space<vmem>> -> memref<128x128xf32, #tpu.memory_space<vmem>>
      tpu.wait_dma2 semaphore(%run_scoped3A_108 : memref<!tpu.dma_semaphore, #tpu.memory_space<semaphore_mem>>) src(%dma_wait3A_132 : memref<128x128xf32, #tpu.memory_space<vmem>>) dst(%dma_wait3A_128 : memref<128x128xf32, #tpu.memory_space<vmem_shared>>)
      tpu.yield
    }) : () -> ()
    %barrier3A = arith.constant 0 : index
    tpu.barrier barrier_id(%barrier3A)
    %dma_start3A = arith.constant 0 : i32
    %dma_start3A_15 = arith.constant 0 : i32
    %dma_start3A_16 = arith.constant 0 : i32
    %dma_start3A_17 = arith.constant 0 : i32
    %dma_start3A_18 = tpu.memref_slice %arg8[%dma_start3A_15, %dma_start3A_16, %dma_start3A_17] : memref<4x128x128xf32, #tpu.memory_space<vmem>> -> memref<1x128x128xf32, #tpu.memory_space<vmem>>
    %dma_start3A_19 = tpu.memref_squeeze %dma_start3A_18 : memref<1x128x128xf32, #tpu.memory_space<vmem>> -> memref<128x128xf32, #tpu.memory_space<vmem>>
    %dma_start3A_20 = arith.constant 0 : i32
    %dma_start3A_21 = tpu.memref_slice %arg6[%dma_start3A, %dma_start3A_20] : memref<32x128xi32, #tpu.memory_space<vmem>> -> memref<1x128xi32, #tpu.memory_space<vmem>>
    %dma_start3A_22 = tpu.memref_squeeze %dma_start3A_21 : memref<1x128xi32, #tpu.memory_space<vmem>> -> memref<128xi32, #tpu.memory_space<vmem>>
    %dma_start3A_23 = arith.constant 0 : i32
    %dma_start3A_24 = arith.constant 0 : i32
    %dma_start3A_25 = tpu.memref_slice %arg2[%dma_start3A_23, %dma_start3A_24] : memref<4096x128xf32, #tpu.memory_space<hbm>> -> memref<4096x128xf32, #tpu.memory_space<hbm>>
    tpu.enqueue_indirect_dma source(%dma_start3A_25 : memref<4096x128xf32, #tpu.memory_space<hbm>>) target(%dma_start3A_19 : memref<128x128xf32, #tpu.memory_space<vmem>>) offsets(%dma_start3A_22 : memref<128xi32, #tpu.memory_space<vmem>>) semaphore(%arg10 : memref<!tpu.dma_semaphore, #tpu.memory_space<semaphore_mem>>)
    %dma_start3A_26 = arith.constant 1 : i32
    %dma_start3A_27 = arith.constant 1 : i32
    %dma_start3A_28 = arith.constant 0 : i32
    %dma_start3A_29 = arith.constant 0 : i32
    %dma_start3A_30 = tpu.memref_slice %arg8[%dma_start3A_27, %dma_start3A_28, %dma_start3A_29] : memref<4x128x128xf32, #tpu.memory_space<vmem>> -> memref<1x128x128xf32, #tpu.memory_space<vmem>>
    %dma_start3A_31 = tpu.memref_squeeze %dma_start3A_30 : memref<1x128x128xf32, #tpu.memory_space<vmem>> -> memref<128x128xf32, #tpu.memory_space<vmem>>
    %dma_start3A_32 = arith.constant 0 : i32
    %dma_start3A_33 = tpu.memref_slice %arg6[%dma_start3A_26, %dma_start3A_32] : memref<32x128xi32, #tpu.memory_space<vmem>> -> memref<1x128xi32, #tpu.memory_space<vmem>>
    %dma_start3A_34 = tpu.memref_squeeze %dma_start3A_33 : memref<1x128xi32, #tpu.memory_space<vmem>> -> memref<128xi32, #tpu.memory_space<vmem>>
    %dma_start3A_35 = arith.constant 0 : i32
    %dma_start3A_36 = arith.constant 0 : i32
    %dma_start3A_37 = tpu.memref_slice %arg2[%dma_start3A_35, %dma_start3A_36] : memref<4096x128xf32, #tpu.memory_space<hbm>> -> memref<4096x128xf32, #tpu.memory_space<hbm>>
    tpu.enqueue_indirect_dma source(%dma_start3A_37 : memref<4096x128xf32, #tpu.memory_space<hbm>>) target(%dma_start3A_31 : memref<128x128xf32, #tpu.memory_space<vmem>>) offsets(%dma_start3A_34 : memref<128xi32, #tpu.memory_space<vmem>>) semaphore(%arg11 : memref<!tpu.dma_semaphore, #tpu.memory_space<semaphore_mem>>)
    %dma_start3A_38 = arith.constant 2 : i32
    %dma_start3A_39 = arith.constant 2 : i32
    %dma_start3A_40 = arith.constant 0 : i32
    %dma_start3A_41 = arith.constant 0 : i32
    %dma_start3A_42 = tpu.memref_slice %arg8[%dma_start3A_39, %dma_start3A_40, %dma_start3A_41] : memref<4x128x128xf32, #tpu.memory_space<vmem>> -> memref<1x128x128xf32, #tpu.memory_space<vmem>>
    %dma_start3A_43 = tpu.memref_squeeze %dma_start3A_42 : memref<1x128x128xf32, #tpu.memory_space<vmem>> -> memref<128x128xf32, #tpu.memory_space<vmem>>
    %dma_start3A_44 = arith.constant 0 : i32
    %dma_start3A_45 = tpu.memref_slice %arg6[%dma_start3A_38, %dma_start3A_44] : memref<32x128xi32, #tpu.memory_space<vmem>> -> memref<1x128xi32, #tpu.memory_space<vmem>>
    %dma_start3A_46 = tpu.memref_squeeze %dma_start3A_45 : memref<1x128xi32, #tpu.memory_space<vmem>> -> memref<128xi32, #tpu.memory_space<vmem>>
    %dma_start3A_47 = arith.constant 0 : i32
    %dma_start3A_48 = arith.constant 0 : i32
    %dma_start3A_49 = tpu.memref_slice %arg2[%dma_start3A_47, %dma_start3A_48] : memref<4096x128xf32, #tpu.memory_space<hbm>> -> memref<4096x128xf32, #tpu.memory_space<hbm>>
    tpu.enqueue_indirect_dma source(%dma_start3A_49 : memref<4096x128xf32, #tpu.memory_space<hbm>>) target(%dma_start3A_43 : memref<128x128xf32, #tpu.memory_space<vmem>>) offsets(%dma_start3A_46 : memref<128xi32, #tpu.memory_space<vmem>>) semaphore(%arg12 : memref<!tpu.dma_semaphore, #tpu.memory_space<semaphore_mem>>)
    %scan3A_50 = arith.constant 0 : i32
    %scan3A_51 = arith.constant 0 : i32
    %scan3A_52 = arith.constant 8 : i32
    %scan3A_53 = arith.addi %scan3A_51, %scan3A_52 : i32
    %scan3A_54 = arith.constant 1 : i32
    scf.for %scan3A_108 = %scan3A_51 to %scan3A_53 step %scan3A_54  : i32 {
      %mul3A_109 = arith.constant 4 : i32
      %mul3A_110 = arith.muli %scan3A_108, %mul3A_109 : i32
      %add3A_111 = arith.constant 0 : i32
      %add3A_112 = arith.addi %mul3A_110, %add3A_111 : i32
      %ge3A = arith.constant 1 : i32
      %ge3A_113 = arith.cmpi sge, %add3A_112, %ge3A : i32
      %add3A_114 = arith.constant 4 : i32
      %add3A_115 = arith.addi %add3A_112, %add3A_114 : i32
      %sub3A = arith.constant 1 : i32
      %sub3A_116 = arith.subi %add3A_115, %sub3A : i32
      %lt3A = arith.constant 32 : i32
      %lt3A_117 = arith.cmpi slt, %sub3A_116, %lt3A : i32
      %and3A = arith.andi %ge3A_113, %lt3A_117 : i1
      %convert_element_type3A = arith.extui %and3A : i1 to i32
      %cond3A = arith.constant 0 : i32
      %cond3A_118 = arith.cmpi ne, %convert_element_type3A, %cond3A : i32
      scf.if %cond3A_118 {
        %sub3A_291 = arith.constant 1 : i32
        %sub3A_292 = arith.subi %add3A_112, %sub3A_291 : i32
        %dma_wait3A_293 = arith.constant 3 : i32
        %dma_wait3A_294 = arith.constant 0 : i32
        %dma_wait3A_295 = arith.constant 0 : i32
        %dma_wait3A_296 = tpu.memref_slice %arg8[%dma_wait3A_293, %dma_wait3A_294, %dma_wait3A_295] : memref<4x128x128xf32, #tpu.memory_space<vmem>> -> memref<1x128x128xf32, #tpu.memory_space<vmem>>
        %dma_wait3A_297 = tpu.memref_squeeze %dma_wait3A_296 : memref<1x128x128xf32, #tpu.memory_space<vmem>> -> memref<128x128xf32, #tpu.memory_space<vmem>>
        %dma_wait3A_298 = arith.constant 0 : i32
        %dma_wait3A_299 = tpu.memref_slice %arg7[%sub3A_292, %dma_wait3A_298] : memref<32x128xi32, #tpu.memory_space<vmem>> -> memref<1x128xi32, #tpu.memory_space<vmem>>
        %dma_wait3A_300 = tpu.memref_squeeze %dma_wait3A_299 : memref<1x128xi32, #tpu.memory_space<vmem>> -> memref<128xi32, #tpu.memory_space<vmem>>
        %dma_wait3A_301 = arith.constant 0 : i32
        %dma_wait3A_302 = arith.constant 0 : i32
        %dma_wait3A_303 = tpu.memref_slice %arg9[%dma_wait3A_301, %dma_wait3A_302] : memref<4096x128xf32, #tpu.memory_space<vmem_shared>> -> memref<4096x128xf32, #tpu.memory_space<vmem_shared>>
        tpu.wait_indirect_dma semaphore(%arg17 : memref<!tpu.dma_semaphore, #tpu.memory_space<semaphore_mem>>) src(%dma_wait3A_297 : memref<128x128xf32, #tpu.memory_space<vmem>>) dst(%dma_wait3A_303 : memref<4096x128xf32, #tpu.memory_space<vmem_shared>>)
      } else {
      }
      %add3A_119 = arith.constant 4 : i32
      %add3A_120 = arith.addi %add3A_112, %add3A_119 : i32
      %sub3A_121 = arith.constant 1 : i32
      %sub3A_122 = arith.subi %add3A_120, %sub3A_121 : i32
      %lt3A_123 = arith.constant 32 : i32
      %lt3A_124 = arith.cmpi slt, %sub3A_122, %lt3A_123 : i32
      %convert_element_type3A_125 = arith.extui %lt3A_124 : i1 to i32
      %cond3A_126 = arith.constant 0 : i32
      %cond3A_127 = arith.cmpi ne, %convert_element_type3A_125, %cond3A_126 : i32
      scf.if %cond3A_127 {
        %add3A_291 = arith.constant 4 : i32
        %add3A_292 = arith.addi %add3A_112, %add3A_291 : i32
        %sub3A_293 = arith.constant 1 : i32
        %sub3A_294 = arith.subi %add3A_292, %sub3A_293 : i32
        %dma_start3A_295 = arith.constant 3 : i32
        %dma_start3A_296 = arith.constant 0 : i32
        %dma_start3A_297 = arith.constant 0 : i32
        %dma_start3A_298 = tpu.memref_slice %arg8[%dma_start3A_295, %dma_start3A_296, %dma_start3A_297] : memref<4x128x128xf32, #tpu.memory_space<vmem>> -> memref<1x128x128xf32, #tpu.memory_space<vmem>>
        %dma_start3A_299 = tpu.memref_squeeze %dma_start3A_298 : memref<1x128x128xf32, #tpu.memory_space<vmem>> -> memref<128x128xf32, #tpu.memory_space<vmem>>
        %dma_start3A_300 = arith.constant 0 : i32
        %dma_start3A_301 = tpu.memref_slice %arg6[%sub3A_294, %dma_start3A_300] : memref<32x128xi32, #tpu.memory_space<vmem>> -> memref<1x128xi32, #tpu.memory_space<vmem>>
        %dma_start3A_302 = tpu.memref_squeeze %dma_start3A_301 : memref<1x128xi32, #tpu.memory_space<vmem>> -> memref<128xi32, #tpu.memory_space<vmem>>
        %dma_start3A_303 = arith.constant 0 : i32
        %dma_start3A_304 = arith.constant 0 : i32
        %dma_start3A_305 = tpu.memref_slice %arg2[%dma_start3A_303, %dma_start3A_304] : memref<4096x128xf32, #tpu.memory_space<hbm>> -> memref<4096x128xf32, #tpu.memory_space<hbm>>
        tpu.enqueue_indirect_dma source(%dma_start3A_305 : memref<4096x128xf32, #tpu.memory_space<hbm>>) target(%dma_start3A_299 : memref<128x128xf32, #tpu.memory_space<vmem>>) offsets(%dma_start3A_302 : memref<128xi32, #tpu.memory_space<vmem>>) semaphore(%arg13 : memref<!tpu.dma_semaphore, #tpu.memory_space<semaphore_mem>>)
      } else {
      }
      %dma_wait3A_128 = arith.constant 0 : i32
      %dma_wait3A_129 = arith.constant 0 : i32
      %dma_wait3A_130 = arith.constant 0 : i32
      %dma_wait3A_131 = tpu.memref_slice %arg8[%dma_wait3A_128, %dma_wait3A_129, %dma_wait3A_130] : memref<4x128x128xf32, #tpu.memory_space<vmem>> -> memref<1x128x128xf32, #tpu.memory_space<vmem>>
      %dma_wait3A_132 = tpu.memref_squeeze %dma_wait3A_131 : memref<1x128x128xf32, #tpu.memory_space<vmem>> -> memref<128x128xf32, #tpu.memory_space<vmem>>
      %dma_wait3A_133 = arith.constant 0 : i32
      %dma_wait3A_134 = tpu.memref_slice %arg6[%add3A_112, %dma_wait3A_133] : memref<32x128xi32, #tpu.memory_space<vmem>> -> memref<1x128xi32, #tpu.memory_space<vmem>>
      %dma_wait3A_135 = tpu.memref_squeeze %dma_wait3A_134 : memref<1x128xi32, #tpu.memory_space<vmem>> -> memref<128xi32, #tpu.memory_space<vmem>>
      %dma_wait3A_136 = arith.constant 0 : i32
      %dma_wait3A_137 = arith.constant 0 : i32
      %dma_wait3A_138 = tpu.memref_slice %arg2[%dma_wait3A_136, %dma_wait3A_137] : memref<4096x128xf32, #tpu.memory_space<hbm>> -> memref<4096x128xf32, #tpu.memory_space<hbm>>
      tpu.wait_indirect_dma semaphore(%arg10 : memref<!tpu.dma_semaphore, #tpu.memory_space<semaphore_mem>>) src(%dma_wait3A_138 : memref<4096x128xf32, #tpu.memory_space<hbm>>) dst(%dma_wait3A_132 : memref<128x128xf32, #tpu.memory_space<vmem>>)
      %dma_start3A_139 = arith.constant 0 : i32
      %dma_start3A_140 = arith.constant 0 : i32
      %dma_start3A_141 = arith.constant 0 : i32
      %dma_start3A_142 = tpu.memref_slice %arg8[%dma_start3A_139, %dma_start3A_140, %dma_start3A_141] : memref<4x128x128xf32, #tpu.memory_space<vmem>> -> memref<1x128x128xf32, #tpu.memory_space<vmem>>
      %dma_start3A_143 = tpu.memref_squeeze %dma_start3A_142 : memref<1x128x128xf32, #tpu.memory_space<vmem>> -> memref<128x128xf32, #tpu.memory_space<vmem>>
      %dma_start3A_144 = arith.constant 0 : i32
      %dma_start3A_145 = tpu.memref_slice %arg7[%add3A_112, %dma_start3A_144] : memref<32x128xi32, #tpu.memory_space<vmem>> -> memref<1x128xi32, #tpu.memory_space<vmem>>
      %dma_start3A_146 = tpu.memref_squeeze %dma_start3A_145 : memref<1x128xi32, #tpu.memory_space<vmem>> -> memref<128xi32, #tpu.memory_space<vmem>>
      %dma_start3A_147 = arith.constant 0 : i32
      %dma_start3A_148 = arith.constant 0 : i32
      %dma_start3A_149 = tpu.memref_slice %arg9[%dma_start3A_147, %dma_start3A_148] : memref<4096x128xf32, #tpu.memory_space<vmem_shared>> -> memref<4096x128xf32, #tpu.memory_space<vmem_shared>>
      tpu.enqueue_indirect_dma source(%dma_start3A_143 : memref<128x128xf32, #tpu.memory_space<vmem>>) target(%dma_start3A_149 : memref<4096x128xf32, #tpu.memory_space<vmem_shared>>) offsets(%dma_start3A_146 : memref<128xi32, #tpu.memory_space<vmem>>) semaphore(%arg14 : memref<!tpu.dma_semaphore, #tpu.memory_space<semaphore_mem>>) {add = true}
      %mul3A_150 = arith.constant 4 : i32
      %mul3A_151 = arith.muli %scan3A_108, %mul3A_150 : i32
      %add3A_152 = arith.constant 1 : i32
      %add3A_153 = arith.addi %mul3A_151, %add3A_152 : i32
      %ge3A_154 = arith.constant 1 : i32
      %ge3A_155 = arith.cmpi sge, %add3A_153, %ge3A_154 : i32
      %add3A_156 = arith.constant 4 : i32
      %add3A_157 = arith.addi %add3A_153, %add3A_156 : i32
      %sub3A_158 = arith.constant 1 : i32
      %sub3A_159 = arith.subi %add3A_157, %sub3A_158 : i32
      %lt3A_160 = arith.constant 32 : i32
      %lt3A_161 = arith.cmpi slt, %sub3A_159, %lt3A_160 : i32
      %and3A_162 = arith.andi %ge3A_155, %lt3A_161 : i1
      %convert_element_type3A_163 = arith.extui %and3A_162 : i1 to i32
      %cond3A_164 = arith.constant 0 : i32
      %cond3A_165 = arith.cmpi ne, %convert_element_type3A_163, %cond3A_164 : i32
      scf.if %cond3A_165 {
        %sub3A_291 = arith.constant 1 : i32
        %sub3A_292 = arith.subi %add3A_153, %sub3A_291 : i32
        %dma_wait3A_293 = arith.constant 0 : i32
        %dma_wait3A_294 = arith.constant 0 : i32
        %dma_wait3A_295 = arith.constant 0 : i32
        %dma_wait3A_296 = tpu.memref_slice %arg8[%dma_wait3A_293, %dma_wait3A_294, %dma_wait3A_295] : memref<4x128x128xf32, #tpu.memory_space<vmem>> -> memref<1x128x128xf32, #tpu.memory_space<vmem>>
        %dma_wait3A_297 = tpu.memref_squeeze %dma_wait3A_296 : memref<1x128x128xf32, #tpu.memory_space<vmem>> -> memref<128x128xf32, #tpu.memory_space<vmem>>
        %dma_wait3A_298 = arith.constant 0 : i32
        %dma_wait3A_299 = tpu.memref_slice %arg7[%sub3A_292, %dma_wait3A_298] : memref<32x128xi32, #tpu.memory_space<vmem>> -> memref<1x128xi32, #tpu.memory_space<vmem>>
        %dma_wait3A_300 = tpu.memref_squeeze %dma_wait3A_299 : memref<1x128xi32, #tpu.memory_space<vmem>> -> memref<128xi32, #tpu.memory_space<vmem>>
        %dma_wait3A_301 = arith.constant 0 : i32
        %dma_wait3A_302 = arith.constant 0 : i32
        %dma_wait3A_303 = tpu.memref_slice %arg9[%dma_wait3A_301, %dma_wait3A_302] : memref<4096x128xf32, #tpu.memory_space<vmem_shared>> -> memref<4096x128xf32, #tpu.memory_space<vmem_shared>>
        tpu.wait_indirect_dma semaphore(%arg14 : memref<!tpu.dma_semaphore, #tpu.memory_space<semaphore_mem>>) src(%dma_wait3A_297 : memref<128x128xf32, #tpu.memory_space<vmem>>) dst(%dma_wait3A_303 : memref<4096x128xf32, #tpu.memory_space<vmem_shared>>)
      } else {
      }
      %add3A_166 = arith.constant 4 : i32
      %add3A_167 = arith.addi %add3A_153, %add3A_166 : i32
      %sub3A_168 = arith.constant 1 : i32
      %sub3A_169 = arith.subi %add3A_167, %sub3A_168 : i32
      %lt3A_170 = arith.constant 32 : i32
      %lt3A_171 = arith.cmpi slt, %sub3A_169, %lt3A_170 : i32
      %convert_element_type3A_172 = arith.extui %lt3A_171 : i1 to i32
      %cond3A_173 = arith.constant 0 : i32
      %cond3A_174 = arith.cmpi ne, %convert_element_type3A_172, %cond3A_173 : i32
      scf.if %cond3A_174 {
        %add3A_291 = arith.constant 4 : i32
        %add3A_292 = arith.addi %add3A_153, %add3A_291 : i32
        %sub3A_293 = arith.constant 1 : i32
        %sub3A_294 = arith.subi %add3A_292, %sub3A_293 : i32
        %dma_start3A_295 = arith.constant 0 : i32
        %dma_start3A_296 = arith.constant 0 : i32
        %dma_start3A_297 = arith.constant 0 : i32
        %dma_start3A_298 = tpu.memref_slice %arg8[%dma_start3A_295, %dma_start3A_296, %dma_start3A_297] : memref<4x128x128xf32, #tpu.memory_space<vmem>> -> memref<1x128x128xf32, #tpu.memory_space<vmem>>
        %dma_start3A_299 = tpu.memref_squeeze %dma_start3A_298 : memref<1x128x128xf32, #tpu.memory_space<vmem>> -> memref<128x128xf32, #tpu.memory_space<vmem>>
        %dma_start3A_300 = arith.constant 0 : i32
        %dma_start3A_301 = tpu.memref_slice %arg6[%sub3A_294, %dma_start3A_300] : memref<32x128xi32, #tpu.memory_space<vmem>> -> memref<1x128xi32, #tpu.memory_space<vmem>>
        %dma_start3A_302 = tpu.memref_squeeze %dma_start3A_301 : memref<1x128xi32, #tpu.memory_space<vmem>> -> memref<128xi32, #tpu.memory_space<vmem>>
        %dma_start3A_303 = arith.constant 0 : i32
        %dma_start3A_304 = arith.constant 0 : i32
        %dma_start3A_305 = tpu.memref_slice %arg2[%dma_start3A_303, %dma_start3A_304] : memref<4096x128xf32, #tpu.memory_space<hbm>> -> memref<4096x128xf32, #tpu.memory_space<hbm>>
        tpu.enqueue_indirect_dma source(%dma_start3A_305 : memref<4096x128xf32, #tpu.memory_space<hbm>>) target(%dma_start3A_299 : memref<128x128xf32, #tpu.memory_space<vmem>>) offsets(%dma_start3A_302 : memref<128xi32, #tpu.memory_space<vmem>>) semaphore(%arg10 : memref<!tpu.dma_semaphore, #tpu.memory_space<semaphore_mem>>)
      } else {
      }
      %dma_wait3A_175 = arith.constant 1 : i32
      %dma_wait3A_176 = arith.constant 0 : i32
      %dma_wait3A_177 = arith.constant 0 : i32
      %dma_wait3A_178 = tpu.memref_slice %arg8[%dma_wait3A_175, %dma_wait3A_176, %dma_wait3A_177] : memref<4x128x128xf32, #tpu.memory_space<vmem>> -> memref<1x128x128xf32, #tpu.memory_space<vmem>>
      %dma_wait3A_179 = tpu.memref_squeeze %dma_wait3A_178 : memref<1x128x128xf32, #tpu.memory_space<vmem>> -> memref<128x128xf32, #tpu.memory_space<vmem>>
      %dma_wait3A_180 = arith.constant 0 : i32
      %dma_wait3A_181 = tpu.memref_slice %arg6[%add3A_153, %dma_wait3A_180] : memref<32x128xi32, #tpu.memory_space<vmem>> -> memref<1x128xi32, #tpu.memory_space<vmem>>
      %dma_wait3A_182 = tpu.memref_squeeze %dma_wait3A_181 : memref<1x128xi32, #tpu.memory_space<vmem>> -> memref<128xi32, #tpu.memory_space<vmem>>
      %dma_wait3A_183 = arith.constant 0 : i32
      %dma_wait3A_184 = arith.constant 0 : i32
      %dma_wait3A_185 = tpu.memref_slice %arg2[%dma_wait3A_183, %dma_wait3A_184] : memref<4096x128xf32, #tpu.memory_space<hbm>> -> memref<4096x128xf32, #tpu.memory_space<hbm>>
      tpu.wait_indirect_dma semaphore(%arg11 : memref<!tpu.dma_semaphore, #tpu.memory_space<semaphore_mem>>) src(%dma_wait3A_185 : memref<4096x128xf32, #tpu.memory_space<hbm>>) dst(%dma_wait3A_179 : memref<128x128xf32, #tpu.memory_space<vmem>>)
      %dma_start3A_186 = arith.constant 1 : i32
      %dma_start3A_187 = arith.constant 0 : i32
      %dma_start3A_188 = arith.constant 0 : i32
      %dma_start3A_189 = tpu.memref_slice %arg8[%dma_start3A_186, %dma_start3A_187, %dma_start3A_188] : memref<4x128x128xf32, #tpu.memory_space<vmem>> -> memref<1x128x128xf32, #tpu.memory_space<vmem>>
      %dma_start3A_190 = tpu.memref_squeeze %dma_start3A_189 : memref<1x128x128xf32, #tpu.memory_space<vmem>> -> memref<128x128xf32, #tpu.memory_space<vmem>>
      %dma_start3A_191 = arith.constant 0 : i32
      %dma_start3A_192 = tpu.memref_slice %arg7[%add3A_153, %dma_start3A_191] : memref<32x128xi32, #tpu.memory_space<vmem>> -> memref<1x128xi32, #tpu.memory_space<vmem>>
      %dma_start3A_193 = tpu.memref_squeeze %dma_start3A_192 : memref<1x128xi32, #tpu.memory_space<vmem>> -> memref<128xi32, #tpu.memory_space<vmem>>
      %dma_start3A_194 = arith.constant 0 : i32
      %dma_start3A_195 = arith.constant 0 : i32
      %dma_start3A_196 = tpu.memref_slice %arg9[%dma_start3A_194, %dma_start3A_195] : memref<4096x128xf32, #tpu.memory_space<vmem_shared>> -> memref<4096x128xf32, #tpu.memory_space<vmem_shared>>
      tpu.enqueue_indirect_dma source(%dma_start3A_190 : memref<128x128xf32, #tpu.memory_space<vmem>>) target(%dma_start3A_196 : memref<4096x128xf32, #tpu.memory_space<vmem_shared>>) offsets(%dma_start3A_193 : memref<128xi32, #tpu.memory_space<vmem>>) semaphore(%arg15 : memref<!tpu.dma_semaphore, #tpu.memory_space<semaphore_mem>>) {add = true}
      %mul3A_197 = arith.constant 4 : i32
      %mul3A_198 = arith.muli %scan3A_108, %mul3A_197 : i32
      %add3A_199 = arith.constant 2 : i32
      %add3A_200 = arith.addi %mul3A_198, %add3A_199 : i32
      %ge3A_201 = arith.constant 1 : i32
      %ge3A_202 = arith.cmpi sge, %add3A_200, %ge3A_201 : i32
      %add3A_203 = arith.constant 4 : i32
      %add3A_204 = arith.addi %add3A_200, %add3A_203 : i32
      %sub3A_205 = arith.constant 1 : i32
      %sub3A_206 = arith.subi %add3A_204, %sub3A_205 : i32
      %lt3A_207 = arith.constant 32 : i32
      %lt3A_208 = arith.cmpi slt, %sub3A_206, %lt3A_207 : i32
      %and3A_209 = arith.andi %ge3A_202, %lt3A_208 : i1
      %convert_element_type3A_210 = arith.extui %and3A_209 : i1 to i32
      %cond3A_211 = arith.constant 0 : i32
      %cond3A_212 = arith.cmpi ne, %convert_element_type3A_210, %cond3A_211 : i32
      scf.if %cond3A_212 {
        %sub3A_291 = arith.constant 1 : i32
        %sub3A_292 = arith.subi %add3A_200, %sub3A_291 : i32
        %dma_wait3A_293 = arith.constant 1 : i32
        %dma_wait3A_294 = arith.constant 0 : i32
        %dma_wait3A_295 = arith.constant 0 : i32
        %dma_wait3A_296 = tpu.memref_slice %arg8[%dma_wait3A_293, %dma_wait3A_294, %dma_wait3A_295] : memref<4x128x128xf32, #tpu.memory_space<vmem>> -> memref<1x128x128xf32, #tpu.memory_space<vmem>>
        %dma_wait3A_297 = tpu.memref_squeeze %dma_wait3A_296 : memref<1x128x128xf32, #tpu.memory_space<vmem>> -> memref<128x128xf32, #tpu.memory_space<vmem>>
        %dma_wait3A_298 = arith.constant 0 : i32
        %dma_wait3A_299 = tpu.memref_slice %arg7[%sub3A_292, %dma_wait3A_298] : memref<32x128xi32, #tpu.memory_space<vmem>> -> memref<1x128xi32, #tpu.memory_space<vmem>>
        %dma_wait3A_300 = tpu.memref_squeeze %dma_wait3A_299 : memref<1x128xi32, #tpu.memory_space<vmem>> -> memref<128xi32, #tpu.memory_space<vmem>>
        %dma_wait3A_301 = arith.constant 0 : i32
        %dma_wait3A_302 = arith.constant 0 : i32
        %dma_wait3A_303 = tpu.memref_slice %arg9[%dma_wait3A_301, %dma_wait3A_302] : memref<4096x128xf32, #tpu.memory_space<vmem_shared>> -> memref<4096x128xf32, #tpu.memory_space<vmem_shared>>
        tpu.wait_indirect_dma semaphore(%arg15 : memref<!tpu.dma_semaphore, #tpu.memory_space<semaphore_mem>>) src(%dma_wait3A_297 : memref<128x128xf32, #tpu.memory_space<vmem>>) dst(%dma_wait3A_303 : memref<4096x128xf32, #tpu.memory_space<vmem_shared>>)
      } else {
      }
      %add3A_213 = arith.constant 4 : i32
      %add3A_214 = arith.addi %add3A_200, %add3A_213 : i32
      %sub3A_215 = arith.constant 1 : i32
      %sub3A_216 = arith.subi %add3A_214, %sub3A_215 : i32
      %lt3A_217 = arith.constant 32 : i32
      %lt3A_218 = arith.cmpi slt, %sub3A_216, %lt3A_217 : i32
      %convert_element_type3A_219 = arith.extui %lt3A_218 : i1 to i32
      %cond3A_220 = arith.constant 0 : i32
      %cond3A_221 = arith.cmpi ne, %convert_element_type3A_219, %cond3A_220 : i32
      scf.if %cond3A_221 {
        %add3A_291 = arith.constant 4 : i32
        %add3A_292 = arith.addi %add3A_200, %add3A_291 : i32
        %sub3A_293 = arith.constant 1 : i32
        %sub3A_294 = arith.subi %add3A_292, %sub3A_293 : i32
        %dma_start3A_295 = arith.constant 1 : i32
        %dma_start3A_296 = arith.constant 0 : i32
        %dma_start3A_297 = arith.constant 0 : i32
        %dma_start3A_298 = tpu.memref_slice %arg8[%dma_start3A_295, %dma_start3A_296, %dma_start3A_297] : memref<4x128x128xf32, #tpu.memory_space<vmem>> -> memref<1x128x128xf32, #tpu.memory_space<vmem>>
        %dma_start3A_299 = tpu.memref_squeeze %dma_start3A_298 : memref<1x128x128xf32, #tpu.memory_space<vmem>> -> memref<128x128xf32, #tpu.memory_space<vmem>>
        %dma_start3A_300 = arith.constant 0 : i32
        %dma_start3A_301 = tpu.memref_slice %arg6[%sub3A_294, %dma_start3A_300] : memref<32x128xi32, #tpu.memory_space<vmem>> -> memref<1x128xi32, #tpu.memory_space<vmem>>
        %dma_start3A_302 = tpu.memref_squeeze %dma_start3A_301 : memref<1x128xi32, #tpu.memory_space<vmem>> -> memref<128xi32, #tpu.memory_space<vmem>>
        %dma_start3A_303 = arith.constant 0 : i32
        %dma_start3A_304 = arith.constant 0 : i32
        %dma_start3A_305 = tpu.memref_slice %arg2[%dma_start3A_303, %dma_start3A_304] : memref<4096x128xf32, #tpu.memory_space<hbm>> -> memref<4096x128xf32, #tpu.memory_space<hbm>>
        tpu.enqueue_indirect_dma source(%dma_start3A_305 : memref<4096x128xf32, #tpu.memory_space<hbm>>) target(%dma_start3A_299 : memref<128x128xf32, #tpu.memory_space<vmem>>) offsets(%dma_start3A_302 : memref<128xi32, #tpu.memory_space<vmem>>) semaphore(%arg11 : memref<!tpu.dma_semaphore, #tpu.memory_space<semaphore_mem>>)
      } else {
      }
      %dma_wait3A_222 = arith.constant 2 : i32
      %dma_wait3A_223 = arith.constant 0 : i32
      %dma_wait3A_224 = arith.constant 0 : i32
      %dma_wait3A_225 = tpu.memref_slice %arg8[%dma_wait3A_222, %dma_wait3A_223, %dma_wait3A_224] : memref<4x128x128xf32, #tpu.memory_space<vmem>> -> memref<1x128x128xf32, #tpu.memory_space<vmem>>
      %dma_wait3A_226 = tpu.memref_squeeze %dma_wait3A_225 : memref<1x128x128xf32, #tpu.memory_space<vmem>> -> memref<128x128xf32, #tpu.memory_space<vmem>>
      %dma_wait3A_227 = arith.constant 0 : i32
      %dma_wait3A_228 = tpu.memref_slice %arg6[%add3A_200, %dma_wait3A_227] : memref<32x128xi32, #tpu.memory_space<vmem>> -> memref<1x128xi32, #tpu.memory_space<vmem>>
      %dma_wait3A_229 = tpu.memref_squeeze %dma_wait3A_228 : memref<1x128xi32, #tpu.memory_space<vmem>> -> memref<128xi32, #tpu.memory_space<vmem>>
      %dma_wait3A_230 = arith.constant 0 : i32
      %dma_wait3A_231 = arith.constant 0 : i32
      %dma_wait3A_232 = tpu.memref_slice %arg2[%dma_wait3A_230, %dma_wait3A_231] : memref<4096x128xf32, #tpu.memory_space<hbm>> -> memref<4096x128xf32, #tpu.memory_space<hbm>>
      tpu.wait_indirect_dma semaphore(%arg12 : memref<!tpu.dma_semaphore, #tpu.memory_space<semaphore_mem>>) src(%dma_wait3A_232 : memref<4096x128xf32, #tpu.memory_space<hbm>>) dst(%dma_wait3A_226 : memref<128x128xf32, #tpu.memory_space<vmem>>)
      %dma_start3A_233 = arith.constant 2 : i32
      %dma_start3A_234 = arith.constant 0 : i32
      %dma_start3A_235 = arith.constant 0 : i32
      %dma_start3A_236 = tpu.memref_slice %arg8[%dma_start3A_233, %dma_start3A_234, %dma_start3A_235] : memref<4x128x128xf32, #tpu.memory_space<vmem>> -> memref<1x128x128xf32, #tpu.memory_space<vmem>>
      %dma_start3A_237 = tpu.memref_squeeze %dma_start3A_236 : memref<1x128x128xf32, #tpu.memory_space<vmem>> -> memref<128x128xf32, #tpu.memory_space<vmem>>
      %dma_start3A_238 = arith.constant 0 : i32
      %dma_start3A_239 = tpu.memref_slice %arg7[%add3A_200, %dma_start3A_238] : memref<32x128xi32, #tpu.memory_space<vmem>> -> memref<1x128xi32, #tpu.memory_space<vmem>>
      %dma_start3A_240 = tpu.memref_squeeze %dma_start3A_239 : memref<1x128xi32, #tpu.memory_space<vmem>> -> memref<128xi32, #tpu.memory_space<vmem>>
      %dma_start3A_241 = arith.constant 0 : i32
      %dma_start3A_242 = arith.constant 0 : i32
      %dma_start3A_243 = tpu.memref_slice %arg9[%dma_start3A_241, %dma_start3A_242] : memref<4096x128xf32, #tpu.memory_space<vmem_shared>> -> memref<4096x128xf32, #tpu.memory_space<vmem_shared>>
      tpu.enqueue_indirect_dma source(%dma_start3A_237 : memref<128x128xf32, #tpu.memory_space<vmem>>) target(%dma_start3A_243 : memref<4096x128xf32, #tpu.memory_space<vmem_shared>>) offsets(%dma_start3A_240 : memref<128xi32, #tpu.memory_space<vmem>>) semaphore(%arg16 : memref<!tpu.dma_semaphore, #tpu.memory_space<semaphore_mem>>) {add = true}
      %mul3A_244 = arith.constant 4 : i32
      %mul3A_245 = arith.muli %scan3A_108, %mul3A_244 : i32
      %add3A_246 = arith.constant 3 : i32
      %add3A_247 = arith.addi %mul3A_245, %add3A_246 : i32
      %ge3A_248 = arith.constant 1 : i32
      %ge3A_249 = arith.cmpi sge, %add3A_247, %ge3A_248 : i32
      %add3A_250 = arith.constant 4 : i32
      %add3A_251 = arith.addi %add3A_247, %add3A_250 : i32
      %sub3A_252 = arith.constant 1 : i32
      %sub3A_253 = arith.subi %add3A_251, %sub3A_252 : i32
      %lt3A_254 = arith.constant 32 : i32
      %lt3A_255 = arith.cmpi slt, %sub3A_253, %lt3A_254 : i32
      %and3A_256 = arith.andi %ge3A_249, %lt3A_255 : i1
      %convert_element_type3A_257 = arith.extui %and3A_256 : i1 to i32
      %cond3A_258 = arith.constant 0 : i32
      %cond3A_259 = arith.cmpi ne, %convert_element_type3A_257, %cond3A_258 : i32
      scf.if %cond3A_259 {
        %sub3A_291 = arith.constant 1 : i32
        %sub3A_292 = arith.subi %add3A_247, %sub3A_291 : i32
        %dma_wait3A_293 = arith.constant 2 : i32
        %dma_wait3A_294 = arith.constant 0 : i32
        %dma_wait3A_295 = arith.constant 0 : i32
        %dma_wait3A_296 = tpu.memref_slice %arg8[%dma_wait3A_293, %dma_wait3A_294, %dma_wait3A_295] : memref<4x128x128xf32, #tpu.memory_space<vmem>> -> memref<1x128x128xf32, #tpu.memory_space<vmem>>
        %dma_wait3A_297 = tpu.memref_squeeze %dma_wait3A_296 : memref<1x128x128xf32, #tpu.memory_space<vmem>> -> memref<128x128xf32, #tpu.memory_space<vmem>>
        %dma_wait3A_298 = arith.constant 0 : i32
        %dma_wait3A_299 = tpu.memref_slice %arg7[%sub3A_292, %dma_wait3A_298] : memref<32x128xi32, #tpu.memory_space<vmem>> -> memref<1x128xi32, #tpu.memory_space<vmem>>
        %dma_wait3A_300 = tpu.memref_squeeze %dma_wait3A_299 : memref<1x128xi32, #tpu.memory_space<vmem>> -> memref<128xi32, #tpu.memory_space<vmem>>
        %dma_wait3A_301 = arith.constant 0 : i32
        %dma_wait3A_302 = arith.constant 0 : i32
        %dma_wait3A_303 = tpu.memref_slice %arg9[%dma_wait3A_301, %dma_wait3A_302] : memref<4096x128xf32, #tpu.memory_space<vmem_shared>> -> memref<4096x128xf32, #tpu.memory_space<vmem_shared>>
        tpu.wait_indirect_dma semaphore(%arg16 : memref<!tpu.dma_semaphore, #tpu.memory_space<semaphore_mem>>) src(%dma_wait3A_297 : memref<128x128xf32, #tpu.memory_space<vmem>>) dst(%dma_wait3A_303 : memref<4096x128xf32, #tpu.memory_space<vmem_shared>>)
      } else {
      }
      %add3A_260 = arith.constant 4 : i32
      %add3A_261 = arith.addi %add3A_247, %add3A_260 : i32
      %sub3A_262 = arith.constant 1 : i32
      %sub3A_263 = arith.subi %add3A_261, %sub3A_262 : i32
      %lt3A_264 = arith.constant 32 : i32
      %lt3A_265 = arith.cmpi slt, %sub3A_263, %lt3A_264 : i32
      %convert_element_type3A_266 = arith.extui %lt3A_265 : i1 to i32
      %cond3A_267 = arith.constant 0 : i32
      %cond3A_268 = arith.cmpi ne, %convert_element_type3A_266, %cond3A_267 : i32
      scf.if %cond3A_268 {
        %add3A_291 = arith.constant 4 : i32
        %add3A_292 = arith.addi %add3A_247, %add3A_291 : i32
        %sub3A_293 = arith.constant 1 : i32
        %sub3A_294 = arith.subi %add3A_292, %sub3A_293 : i32
        %dma_start3A_295 = arith.constant 2 : i32
        %dma_start3A_296 = arith.constant 0 : i32
        %dma_start3A_297 = arith.constant 0 : i32
        %dma_start3A_298 = tpu.memref_slice %arg8[%dma_start3A_295, %dma_start3A_296, %dma_start3A_297] : memref<4x128x128xf32, #tpu.memory_space<vmem>> -> memref<1x128x128xf32, #tpu.memory_space<vmem>>
        %dma_start3A_299 = tpu.memref_squeeze %dma_start3A_298 : memref<1x128x128xf32, #tpu.memory_space<vmem>> -> memref<128x128xf32, #tpu.memory_space<vmem>>
        %dma_start3A_300 = arith.constant 0 : i32
        %dma_start3A_301 = tpu.memref_slice %arg6[%sub3A_294, %dma_start3A_300] : memref<32x128xi32, #tpu.memory_space<vmem>> -> memref<1x128xi32, #tpu.memory_space<vmem>>
        %dma_start3A_302 = tpu.memref_squeeze %dma_start3A_301 : memref<1x128xi32, #tpu.memory_space<vmem>> -> memref<128xi32, #tpu.memory_space<vmem>>
        %dma_start3A_303 = arith.constant 0 : i32
        %dma_start3A_304 = arith.constant 0 : i32
        %dma_start3A_305 = tpu.memref_slice %arg2[%dma_start3A_303, %dma_start3A_304] : memref<4096x128xf32, #tpu.memory_space<hbm>> -> memref<4096x128xf32, #tpu.memory_space<hbm>>
        tpu.enqueue_indirect_dma source(%dma_start3A_305 : memref<4096x128xf32, #tpu.memory_space<hbm>>) target(%dma_start3A_299 : memref<128x128xf32, #tpu.memory_space<vmem>>) offsets(%dma_start3A_302 : memref<128xi32, #tpu.memory_space<vmem>>) semaphore(%arg12 : memref<!tpu.dma_semaphore, #tpu.memory_space<semaphore_mem>>)
      } else {
      }
      %dma_wait3A_269 = arith.constant 3 : i32
      %dma_wait3A_270 = arith.constant 0 : i32
      %dma_wait3A_271 = arith.constant 0 : i32
      %dma_wait3A_272 = tpu.memref_slice %arg8[%dma_wait3A_269, %dma_wait3A_270, %dma_wait3A_271] : memref<4x128x128xf32, #tpu.memory_space<vmem>> -> memref<1x128x128xf32, #tpu.memory_space<vmem>>
      %dma_wait3A_273 = tpu.memref_squeeze %dma_wait3A_272 : memref<1x128x128xf32, #tpu.memory_space<vmem>> -> memref<128x128xf32, #tpu.memory_space<vmem>>
      %dma_wait3A_274 = arith.constant 0 : i32
      %dma_wait3A_275 = tpu.memref_slice %arg6[%add3A_247, %dma_wait3A_274] : memref<32x128xi32, #tpu.memory_space<vmem>> -> memref<1x128xi32, #tpu.memory_space<vmem>>
      %dma_wait3A_276 = tpu.memref_squeeze %dma_wait3A_275 : memref<1x128xi32, #tpu.memory_space<vmem>> -> memref<128xi32, #tpu.memory_space<vmem>>
      %dma_wait3A_277 = arith.constant 0 : i32
      %dma_wait3A_278 = arith.constant 0 : i32
      %dma_wait3A_279 = tpu.memref_slice %arg2[%dma_wait3A_277, %dma_wait3A_278] : memref<4096x128xf32, #tpu.memory_space<hbm>> -> memref<4096x128xf32, #tpu.memory_space<hbm>>
      tpu.wait_indirect_dma semaphore(%arg13 : memref<!tpu.dma_semaphore, #tpu.memory_space<semaphore_mem>>) src(%dma_wait3A_279 : memref<4096x128xf32, #tpu.memory_space<hbm>>) dst(%dma_wait3A_273 : memref<128x128xf32, #tpu.memory_space<vmem>>)
      %dma_start3A_280 = arith.constant 3 : i32
      %dma_start3A_281 = arith.constant 0 : i32
      %dma_start3A_282 = arith.constant 0 : i32
      %dma_start3A_283 = tpu.memref_slice %arg8[%dma_start3A_280, %dma_start3A_281, %dma_start3A_282] : memref<4x128x128xf32, #tpu.memory_space<vmem>> -> memref<1x128x128xf32, #tpu.memory_space<vmem>>
      %dma_start3A_284 = tpu.memref_squeeze %dma_start3A_283 : memref<1x128x128xf32, #tpu.memory_space<vmem>> -> memref<128x128xf32, #tpu.memory_space<vmem>>
      %dma_start3A_285 = arith.constant 0 : i32
      %dma_start3A_286 = tpu.memref_slice %arg7[%add3A_247, %dma_start3A_285] : memref<32x128xi32, #tpu.memory_space<vmem>> -> memref<1x128xi32, #tpu.memory_space<vmem>>
      %dma_start3A_287 = tpu.memref_squeeze %dma_start3A_286 : memref<1x128xi32, #tpu.memory_space<vmem>> -> memref<128xi32, #tpu.memory_space<vmem>>
      %dma_start3A_288 = arith.constant 0 : i32
      %dma_start3A_289 = arith.constant 0 : i32
      %dma_start3A_290 = tpu.memref_slice %arg9[%dma_start3A_288, %dma_start3A_289] : memref<4096x128xf32, #tpu.memory_space<vmem_shared>> -> memref<4096x128xf32, #tpu.memory_space<vmem_shared>>
      tpu.enqueue_indirect_dma source(%dma_start3A_284 : memref<128x128xf32, #tpu.memory_space<vmem>>) target(%dma_start3A_290 : memref<4096x128xf32, #tpu.memory_space<vmem_shared>>) offsets(%dma_start3A_287 : memref<128xi32, #tpu.memory_space<vmem>>) semaphore(%arg17 : memref<!tpu.dma_semaphore, #tpu.memory_space<semaphore_mem>>) {add = true}
    }
    %scan3A_55 = arith.constant 8 : i32
    %dma_wait3A = arith.constant 0 : i32
    %dma_wait3A_56 = arith.constant 28 : i32
    %dma_wait3A_57 = arith.constant 0 : i32
    %dma_wait3A_58 = arith.constant 0 : i32
    %dma_wait3A_59 = tpu.memref_slice %arg8[%dma_wait3A, %dma_wait3A_57, %dma_wait3A_58] : memref<4x128x128xf32, #tpu.memory_space<vmem>> -> memref<1x128x128xf32, #tpu.memory_space<vmem>>
    %dma_wait3A_60 = tpu.memref_squeeze %dma_wait3A_59 : memref<1x128x128xf32, #tpu.memory_space<vmem>> -> memref<128x128xf32, #tpu.memory_space<vmem>>
    %dma_wait3A_61 = arith.constant 0 : i32
    %dma_wait3A_62 = tpu.memref_slice %arg7[%dma_wait3A_56, %dma_wait3A_61] : memref<32x128xi32, #tpu.memory_space<vmem>> -> memref<1x128xi32, #tpu.memory_space<vmem>>
    %dma_wait3A_63 = tpu.memref_squeeze %dma_wait3A_62 : memref<1x128xi32, #tpu.memory_space<vmem>> -> memref<128xi32, #tpu.memory_space<vmem>>
    %dma_wait3A_64 = arith.constant 0 : i32
    %dma_wait3A_65 = arith.constant 0 : i32
    %dma_wait3A_66 = tpu.memref_slice %arg9[%dma_wait3A_64, %dma_wait3A_65] : memref<4096x128xf32, #tpu.memory_space<vmem_shared>> -> memref<4096x128xf32, #tpu.memory_space<vmem_shared>>
    tpu.wait_indirect_dma semaphore(%arg14 : memref<!tpu.dma_semaphore, #tpu.memory_space<semaphore_mem>>) src(%dma_wait3A_60 : memref<128x128xf32, #tpu.memory_space<vmem>>) dst(%dma_wait3A_66 : memref<4096x128xf32, #tpu.memory_space<vmem_shared>>)
    %dma_wait3A_67 = arith.constant 1 : i32
    %dma_wait3A_68 = arith.constant 29 : i32
    %dma_wait3A_69 = arith.constant 0 : i32
    %dma_wait3A_70 = arith.constant 0 : i32
    %dma_wait3A_71 = tpu.memref_slice %arg8[%dma_wait3A_67, %dma_wait3A_69, %dma_wait3A_70] : memref<4x128x128xf32, #tpu.memory_space<vmem>> -> memref<1x128x128xf32, #tpu.memory_space<vmem>>
    %dma_wait3A_72 = tpu.memref_squeeze %dma_wait3A_71 : memref<1x128x128xf32, #tpu.memory_space<vmem>> -> memref<128x128xf32, #tpu.memory_space<vmem>>
    %dma_wait3A_73 = arith.constant 0 : i32
    %dma_wait3A_74 = tpu.memref_slice %arg7[%dma_wait3A_68, %dma_wait3A_73] : memref<32x128xi32, #tpu.memory_space<vmem>> -> memref<1x128xi32, #tpu.memory_space<vmem>>
    %dma_wait3A_75 = tpu.memref_squeeze %dma_wait3A_74 : memref<1x128xi32, #tpu.memory_space<vmem>> -> memref<128xi32, #tpu.memory_space<vmem>>
    %dma_wait3A_76 = arith.constant 0 : i32
    %dma_wait3A_77 = arith.constant 0 : i32
    %dma_wait3A_78 = tpu.memref_slice %arg9[%dma_wait3A_76, %dma_wait3A_77] : memref<4096x128xf32, #tpu.memory_space<vmem_shared>> -> memref<4096x128xf32, #tpu.memory_space<vmem_shared>>
    tpu.wait_indirect_dma semaphore(%arg15 : memref<!tpu.dma_semaphore, #tpu.memory_space<semaphore_mem>>) src(%dma_wait3A_72 : memref<128x128xf32, #tpu.memory_space<vmem>>) dst(%dma_wait3A_78 : memref<4096x128xf32, #tpu.memory_space<vmem_shared>>)
    %dma_wait3A_79 = arith.constant 2 : i32
    %dma_wait3A_80 = arith.constant 30 : i32
    %dma_wait3A_81 = arith.constant 0 : i32
    %dma_wait3A_82 = arith.constant 0 : i32
    %dma_wait3A_83 = tpu.memref_slice %arg8[%dma_wait3A_79, %dma_wait3A_81, %dma_wait3A_82] : memref<4x128x128xf32, #tpu.memory_space<vmem>> -> memref<1x128x128xf32, #tpu.memory_space<vmem>>
    %dma_wait3A_84 = tpu.memref_squeeze %dma_wait3A_83 : memref<1x128x128xf32, #tpu.memory_space<vmem>> -> memref<128x128xf32, #tpu.memory_space<vmem>>
    %dma_wait3A_85 = arith.constant 0 : i32
    %dma_wait3A_86 = tpu.memref_slice %arg7[%dma_wait3A_80, %dma_wait3A_85] : memref<32x128xi32, #tpu.memory_space<vmem>> -> memref<1x128xi32, #tpu.memory_space<vmem>>
    %dma_wait3A_87 = tpu.memref_squeeze %dma_wait3A_86 : memref<1x128xi32, #tpu.memory_space<vmem>> -> memref<128xi32, #tpu.memory_space<vmem>>
    %dma_wait3A_88 = arith.constant 0 : i32
    %dma_wait3A_89 = arith.constant 0 : i32
    %dma_wait3A_90 = tpu.memref_slice %arg9[%dma_wait3A_88, %dma_wait3A_89] : memref<4096x128xf32, #tpu.memory_space<vmem_shared>> -> memref<4096x128xf32, #tpu.memory_space<vmem_shared>>
    tpu.wait_indirect_dma semaphore(%arg16 : memref<!tpu.dma_semaphore, #tpu.memory_space<semaphore_mem>>) src(%dma_wait3A_84 : memref<128x128xf32, #tpu.memory_space<vmem>>) dst(%dma_wait3A_90 : memref<4096x128xf32, #tpu.memory_space<vmem_shared>>)
    %dma_wait3A_91 = arith.constant 3 : i32
    %dma_wait3A_92 = arith.constant 31 : i32
    %dma_wait3A_93 = arith.constant 0 : i32
    %dma_wait3A_94 = arith.constant 0 : i32
    %dma_wait3A_95 = tpu.memref_slice %arg8[%dma_wait3A_91, %dma_wait3A_93, %dma_wait3A_94] : memref<4x128x128xf32, #tpu.memory_space<vmem>> -> memref<1x128x128xf32, #tpu.memory_space<vmem>>
    %dma_wait3A_96 = tpu.memref_squeeze %dma_wait3A_95 : memref<1x128x128xf32, #tpu.memory_space<vmem>> -> memref<128x128xf32, #tpu.memory_space<vmem>>
    %dma_wait3A_97 = arith.constant 0 : i32
    %dma_wait3A_98 = tpu.memref_slice %arg7[%dma_wait3A_92, %dma_wait3A_97] : memref<32x128xi32, #tpu.memory_space<vmem>> -> memref<1x128xi32, #tpu.memory_space<vmem>>
    %dma_wait3A_99 = tpu.memref_squeeze %dma_wait3A_98 : memref<1x128xi32, #tpu.memory_space<vmem>> -> memref<128xi32, #tpu.memory_space<vmem>>
    %dma_wait3A_100 = arith.constant 0 : i32
    %dma_wait3A_101 = arith.constant 0 : i32
    %dma_wait3A_102 = tpu.memref_slice %arg9[%dma_wait3A_100, %dma_wait3A_101] : memref<4096x128xf32, #tpu.memory_space<vmem_shared>> -> memref<4096x128xf32, #tpu.memory_space<vmem_shared>>
    tpu.wait_indirect_dma semaphore(%arg17 : memref<!tpu.dma_semaphore, #tpu.memory_space<semaphore_mem>>) src(%dma_wait3A_96 : memref<128x128xf32, #tpu.memory_space<vmem>>) dst(%dma_wait3A_102 : memref<4096x128xf32, #tpu.memory_space<vmem_shared>>)
    %barrier3A_103 = arith.constant 0 : index
    tpu.barrier barrier_id(%barrier3A_103)
    %mul3A_104 = arith.constant 256 : i32
    %mul3A_105 = arith.muli %arg1, %mul3A_104 : i32
    %mul3A_106 = arith.constant 256 : i32
    %mul3A_107 = arith.muli %arg1, %mul3A_106 : i32
    "tpu.region"() ({
      %run_scoped3A_108 = tpu.sem_alloc : memref<!tpu.dma_semaphore, #tpu.memory_space<semaphore_mem>>
      %dma_start3A_109 = arith.constant 0 : i32
      %dma_start3A_110 = tpu.memref_slice %arg5[%arg0, %mul3A_107, %dma_start3A_109] : memref<2x4096x128xf32, #tpu.memory_space<hbm>> -> memref<1x256x128xf32, #tpu.memory_space<hbm>>
      %dma_start3A_111 = tpu.memref_squeeze %dma_start3A_110 : memref<1x256x128xf32, #tpu.memory_space<hbm>> -> memref<256x128xf32, #tpu.memory_space<hbm>>
      %dma_start3A_112 = arith.constant 0 : i32
      %dma_start3A_113 = tpu.memref_slice %arg9[%mul3A_105, %dma_start3A_112] : memref<4096x128xf32, #tpu.memory_space<vmem_shared>> -> memref<256x128xf32, #tpu.memory_space<vmem_shared>>
      tpu.enqueue_dma source(%dma_start3A_113 : memref<256x128xf32, #tpu.memory_space<vmem_shared>>) target(%dma_start3A_111 : memref<256x128xf32, #tpu.memory_space<hbm>>) target_semaphore(%run_scoped3A_108 : memref<!tpu.dma_semaphore, #tpu.memory_space<semaphore_mem>>)
      %dma_wait3A_114 = arith.constant 0 : i32
      %dma_wait3A_115 = tpu.memref_slice %arg5[%arg0, %mul3A_107, %dma_wait3A_114] : memref<2x4096x128xf32, #tpu.memory_space<hbm>> -> memref<1x256x128xf32, #tpu.memory_space<hbm>>
      %dma_wait3A_116 = tpu.memref_squeeze %dma_wait3A_115 : memref<1x256x128xf32, #tpu.memory_space<hbm>> -> memref<256x128xf32, #tpu.memory_space<hbm>>
      %dma_wait3A_117 = arith.constant 0 : i32
      %dma_wait3A_118 = tpu.memref_slice %arg9[%mul3A_105, %dma_wait3A_117] : memref<4096x128xf32, #tpu.memory_space<vmem_shared>> -> memref<256x128xf32, #tpu.memory_space<vmem_shared>>
      tpu.wait_dma2 semaphore(%run_scoped3A_108 : memref<!tpu.dma_semaphore, #tpu.memory_space<semaphore_mem>>) src(%dma_wait3A_118 : memref<256x128xf32, #tpu.memory_space<vmem_shared>>) dst(%dma_wait3A_116 : memref<256x128xf32, #tpu.memory_space<hbm>>)
      tpu.yield
    }) : () -> ()
    return
  }
}

#map = affine_map<(d0, d1) -> (0, 0)>
#map1 = affine_map<(d0, d1) -> (0, 0, 0)>
module attributes {stable_mosaic.version = 14 : i64} {
  func.func @seg(%arg0: i32, %arg1: i32, %arg2: memref<4096x128xf32, #tpu.memory_space<hbm>>, %arg3: memref<32x32x128xi32, #tpu.memory_space<hbm>>, %arg4: memref<32x32x128xi32, #tpu.memory_space<hbm>>, %arg5: memref<2x4096x128xf32, #tpu.memory_space<hbm>>, %arg6: memref<32x128xi32, #tpu.memory_space<vmem>>, %arg7: memref<32x128xi32, #tpu.memory_space<vmem>>, %arg8: memref<4x128x128xf32, #tpu.memory_space<vmem>>, %arg9: memref<4096x128xf32, #tpu.memory_space<vmem_shared>>, %arg10: memref<!tpu.dma_semaphore, #tpu.memory_space<semaphore_mem>>, %arg11: memref<!tpu.dma_semaphore, #tpu.memory_space<semaphore_mem>>, %arg12: memref<!tpu.dma_semaphore, #tpu.memory_space<semaphore_mem>>, %arg13: memref<!tpu.dma_semaphore, #tpu.memory_space<semaphore_mem>>, %arg14: memref<!tpu.dma_semaphore, #tpu.memory_space<semaphore_mem>>, %arg15: memref<!tpu.dma_semaphore, #tpu.memory_space<semaphore_mem>>, %arg16: memref<!tpu.dma_semaphore, #tpu.memory_space<semaphore_mem>>, %arg17: memref<!tpu.dma_semaphore, #tpu.memory_space<semaphore_mem>>) attributes {dimension_semantics = [#tpu.dimension_semantics<core_parallel>, #tpu.dimension_semantics<subcore_parallel>], iteration_bounds = array<i64: 2, 16>, scalar_prefetch = 0 : i64, scratch_operands = 12 : i64, tpu.core_type = #tpu.core_type<sc_vector_subcore>, window_params = [{transform_indices = #map}, {transform_indices = #map1}, {transform_indices = #map1}, {transform_indices = #map1}]} {
    %mul3A = arith.constant 16 : i32
    %mul3A_0 = arith.muli %arg0, %mul3A : i32
    %add3A = arith.addi %mul3A_0, %arg1 : i32
    "tpu.region"() ({
      %run_scoped3A_108 = tpu.sem_alloc : memref<!tpu.dma_semaphore, #tpu.memory_space<semaphore_mem>>
      %dma_start3A_109 = arith.constant 0 : i32
      %dma_start3A_110 = arith.constant 0 : i32
      %dma_start3A_111 = tpu.memref_slice %arg3[%add3A, %dma_start3A_109, %dma_start3A_110] : memref<32x32x128xi32, #tpu.memory_space<hbm>> -> memref<1x32x128xi32, #tpu.memory_space<hbm>>
      %dma_start3A_112 = tpu.memref_squeeze %dma_start3A_111 : memref<1x32x128xi32, #tpu.memory_space<hbm>> -> memref<32x128xi32, #tpu.memory_space<hbm>>
      %dma_start3A_113 = arith.constant 0 : i32
      %dma_start3A_114 = arith.constant 0 : i32
      %dma_start3A_115 = tpu.memref_slice %arg3[%add3A, %dma_start3A_113, %dma_start3A_114] : memref<32x32x128xi32, #tpu.memory_space<hbm>> -> memref<1x32x128xi32, #tpu.memory_space<hbm>>
      %dma_start3A_116 = tpu.memref_squeeze %dma_start3A_115 : memref<1x32x128xi32, #tpu.memory_space<hbm>> -> memref<32x128xi32, #tpu.memory_space<hbm>>
      tpu.enqueue_dma source(%dma_start3A_116 : memref<32x128xi32, #tpu.memory_space<hbm>>) target(%arg6 : memref<32x128xi32, #tpu.memory_space<vmem>>) target_semaphore(%run_scoped3A_108 : memref<!tpu.dma_semaphore, #tpu.memory_space<semaphore_mem>>)
      %dma_wait3A_117 = arith.constant 0 : i32
      %dma_wait3A_118 = arith.constant 0 : i32
      %dma_wait3A_119 = tpu.memref_slice %arg3[%add3A, %dma_wait3A_117, %dma_wait3A_118] : memref<32x32x128xi32, #tpu.memory_space<hbm>> -> memref<1x32x128xi32, #tpu.memory_space<hbm>>
      %dma_wait3A_120 = tpu.memref_squeeze %dma_wait3A_119 : memref<1x32x128xi32, #tpu.memory_space<hbm>> -> memref<32x128xi32, #tpu.memory_space<hbm>>
      %dma_wait3A_121 = arith.constant 0 : i32
      %dma_wait3A_122 = arith.constant 0 : i32
      %dma_wait3A_123 = tpu.memref_slice %arg3[%add3A, %dma_wait3A_121, %dma_wait3A_122] : memref<32x32x128xi32, #tpu.memory_space<hbm>> -> memref<1x32x128xi32, #tpu.memory_space<hbm>>
      %dma_wait3A_124 = tpu.memref_squeeze %dma_wait3A_123 : memref<1x32x128xi32, #tpu.memory_space<hbm>> -> memref<32x128xi32, #tpu.memory_space<hbm>>
      tpu.wait_dma2 semaphore(%run_scoped3A_108 : memref<!tpu.dma_semaphore, #tpu.memory_space<semaphore_mem>>) src(%dma_wait3A_124 : memref<32x128xi32, #tpu.memory_space<hbm>>) dst(%arg6 : memref<32x128xi32, #tpu.memory_space<vmem>>)
      tpu.yield
    }) : () -> ()
    "tpu.region"() ({
      %run_scoped3A_108 = tpu.sem_alloc : memref<!tpu.dma_semaphore, #tpu.memory_space<semaphore_mem>>
      %dma_start3A_109 = arith.constant 0 : i32
      %dma_start3A_110 = arith.constant 0 : i32
      %dma_start3A_111 = tpu.memref_slice %arg4[%add3A, %dma_start3A_109, %dma_start3A_110] : memref<32x32x128xi32, #tpu.memory_space<hbm>> -> memref<1x32x128xi32, #tpu.memory_space<hbm>>
      %dma_start3A_112 = tpu.memref_squeeze %dma_start3A_111 : memref<1x32x128xi32, #tpu.memory_space<hbm>> -> memref<32x128xi32, #tpu.memory_space<hbm>>
      %dma_start3A_113 = arith.constant 0 : i32
      %dma_start3A_114 = arith.constant 0 : i32
      %dma_start3A_115 = tpu.memref_slice %arg4[%add3A, %dma_start3A_113, %dma_start3A_114] : memref<32x32x128xi32, #tpu.memory_space<hbm>> -> memref<1x32x128xi32, #tpu.memory_space<hbm>>
      %dma_start3A_116 = tpu.memref_squeeze %dma_start3A_115 : memref<1x32x128xi32, #tpu.memory_space<hbm>> -> memref<32x128xi32, #tpu.memory_space<hbm>>
      tpu.enqueue_dma source(%dma_start3A_116 : memref<32x128xi32, #tpu.memory_space<hbm>>) target(%arg7 : memref<32x128xi32, #tpu.memory_space<vmem>>) target_semaphore(%run_scoped3A_108 : memref<!tpu.dma_semaphore, #tpu.memory_space<semaphore_mem>>)
      %dma_wait3A_117 = arith.constant 0 : i32
      %dma_wait3A_118 = arith.constant 0 : i32
      %dma_wait3A_119 = tpu.memref_slice %arg4[%add3A, %dma_wait3A_117, %dma_wait3A_118] : memref<32x32x128xi32, #tpu.memory_space<hbm>> -> memref<1x32x128xi32, #tpu.memory_space<hbm>>
      %dma_wait3A_120 = tpu.memref_squeeze %dma_wait3A_119 : memref<1x32x128xi32, #tpu.memory_space<hbm>> -> memref<32x128xi32, #tpu.memory_space<hbm>>
      %dma_wait3A_121 = arith.constant 0 : i32
      %dma_wait3A_122 = arith.constant 0 : i32
      %dma_wait3A_123 = tpu.memref_slice %arg4[%add3A, %dma_wait3A_121, %dma_wait3A_122] : memref<32x32x128xi32, #tpu.memory_space<hbm>> -> memref<1x32x128xi32, #tpu.memory_space<hbm>>
      %dma_wait3A_124 = tpu.memref_squeeze %dma_wait3A_123 : memref<1x32x128xi32, #tpu.memory_space<hbm>> -> memref<32x128xi32, #tpu.memory_space<hbm>>
      tpu.wait_dma2 semaphore(%run_scoped3A_108 : memref<!tpu.dma_semaphore, #tpu.memory_space<semaphore_mem>>) src(%dma_wait3A_124 : memref<32x128xi32, #tpu.memory_space<hbm>>) dst(%arg7 : memref<32x128xi32, #tpu.memory_space<vmem>>)
      tpu.yield
    }) : () -> ()
    %scan3A = arith.constant 0 : i32
    %scan3A_1 = arith.constant 0 : i32
    %scan3A_2 = arith.constant 128 : i32
    %scan3A_3 = arith.addi %scan3A_1, %scan3A_2 : i32
    %scan3A_4 = arith.constant 1 : i32
    scf.for %scan3A_108 = %scan3A_1 to %scan3A_3 step %scan3A_4  : i32 {
      %broadcast_in_dim3A = arith.constant 0.000000e+00 : f32
      %broadcast_in_dim3A_109 = vector.broadcast %broadcast_in_dim3A : f32 to vector<16xf32>
      %swap3A = arith.constant 0 : i32
      %swap3A_110 = arith.index_cast %swap3A : i32 to index
      %swap3A_111 = arith.index_cast %scan3A_108 : i32 to index
      %swap3A_112 = arith.constant 0 : index
      %swap3A_113 = tpu.vector_load %arg8[%swap3A_110, %swap3A_111, %swap3A_112] {strides = array<i32>} : memref<4x128x128xf32, #tpu.memory_space<vmem>>, vector<1x1x16xf32>,
      %swap3A_114 = vector.shape_cast %swap3A_113 : vector<1x1x16xf32> to vector<16xf32>
      %swap3A_115 = vector.shape_cast %broadcast_in_dim3A_109 : vector<16xf32> to vector<1x1x16xf32>
      tpu.vector_store %arg8[%swap3A_110, %swap3A_111, %swap3A_112], %swap3A_115 {strides = array<i32>} : memref<4x128x128xf32, #tpu.memory_space<vmem>>, vector<1x1x16xf32>,
      %broadcast_in_dim3A_116 = arith.constant 0.000000e+00 : f32
      %broadcast_in_dim3A_117 = vector.broadcast %broadcast_in_dim3A_116 : f32 to vector<16xf32>
      %swap3A_118 = arith.constant 0 : i32
      %swap3A_119 = arith.index_cast %swap3A_118 : i32 to index
      %swap3A_120 = arith.index_cast %scan3A_108 : i32 to index
      %swap3A_121 = arith.constant 16 : index
      %swap3A_122 = tpu.vector_load %arg8[%swap3A_119, %swap3A_120, %swap3A_121] {strides = array<i32>} : memref<4x128x128xf32, #tpu.memory_space<vmem>>, vector<1x1x16xf32>,
      %swap3A_123 = vector.shape_cast %swap3A_122 : vector<1x1x16xf32> to vector<16xf32>
      %swap3A_124 = vector.shape_cast %broadcast_in_dim3A_117 : vector<16xf32> to vector<1x1x16xf32>
      tpu.vector_store %arg8[%swap3A_119, %swap3A_120, %swap3A_121], %swap3A_124 {strides = array<i32>} : memref<4x128x128xf32, #tpu.memory_space<vmem>>, vector<1x1x16xf32>,
      %broadcast_in_dim3A_125 = arith.constant 0.000000e+00 : f32
      %broadcast_in_dim3A_126 = vector.broadcast %broadcast_in_dim3A_125 : f32 to vector<16xf32>
      %swap3A_127 = arith.constant 0 : i32
      %swap3A_128 = arith.index_cast %swap3A_127 : i32 to index
      %swap3A_129 = arith.index_cast %scan3A_108 : i32 to index
      %swap3A_130 = arith.constant 32 : index
      %swap3A_131 = tpu.vector_load %arg8[%swap3A_128, %swap3A_129, %swap3A_130] {strides = array<i32>} : memref<4x128x128xf32, #tpu.memory_space<vmem>>, vector<1x1x16xf32>,
      %swap3A_132 = vector.shape_cast %swap3A_131 : vector<1x1x16xf32> to vector<16xf32>
      %swap3A_133 = vector.shape_cast %broadcast_in_dim3A_126 : vector<16xf32> to vector<1x1x16xf32>
      tpu.vector_store %arg8[%swap3A_128, %swap3A_129, %swap3A_130], %swap3A_133 {strides = array<i32>} : memref<4x128x128xf32, #tpu.memory_space<vmem>>, vector<1x1x16xf32>,
      %broadcast_in_dim3A_134 = arith.constant 0.000000e+00 : f32
      %broadcast_in_dim3A_135 = vector.broadcast %broadcast_in_dim3A_134 : f32 to vector<16xf32>
      %swap3A_136 = arith.constant 0 : i32
      %swap3A_137 = arith.index_cast %swap3A_136 : i32 to index
      %swap3A_138 = arith.index_cast %scan3A_108 : i32 to index
      %swap3A_139 = arith.constant 48 : index
      %swap3A_140 = tpu.vector_load %arg8[%swap3A_137, %swap3A_138, %swap3A_139] {strides = array<i32>} : memref<4x128x128xf32, #tpu.memory_space<vmem>>, vector<1x1x16xf32>,
      %swap3A_141 = vector.shape_cast %swap3A_140 : vector<1x1x16xf32> to vector<16xf32>
      %swap3A_142 = vector.shape_cast %broadcast_in_dim3A_135 : vector<16xf32> to vector<1x1x16xf32>
      tpu.vector_store %arg8[%swap3A_137, %swap3A_138, %swap3A_139], %swap3A_142 {strides = array<i32>} : memref<4x128x128xf32, #tpu.memory_space<vmem>>, vector<1x1x16xf32>,
      %broadcast_in_dim3A_143 = arith.constant 0.000000e+00 : f32
      %broadcast_in_dim3A_144 = vector.broadcast %broadcast_in_dim3A_143 : f32 to vector<16xf32>
      %swap3A_145 = arith.constant 0 : i32
      %swap3A_146 = arith.index_cast %swap3A_145 : i32 to index
      %swap3A_147 = arith.index_cast %scan3A_108 : i32 to index
      %swap3A_148 = arith.constant 64 : index
      %swap3A_149 = tpu.vector_load %arg8[%swap3A_146, %swap3A_147, %swap3A_148] {strides = array<i32>} : memref<4x128x128xf32, #tpu.memory_space<vmem>>, vector<1x1x16xf32>,
      %swap3A_150 = vector.shape_cast %swap3A_149 : vector<1x1x16xf32> to vector<16xf32>
      %swap3A_151 = vector.shape_cast %broadcast_in_dim3A_144 : vector<16xf32> to vector<1x1x16xf32>
      tpu.vector_store %arg8[%swap3A_146, %swap3A_147, %swap3A_148], %swap3A_151 {strides = array<i32>} : memref<4x128x128xf32, #tpu.memory_space<vmem>>, vector<1x1x16xf32>,
      %broadcast_in_dim3A_152 = arith.constant 0.000000e+00 : f32
      %broadcast_in_dim3A_153 = vector.broadcast %broadcast_in_dim3A_152 : f32 to vector<16xf32>
      %swap3A_154 = arith.constant 0 : i32
      %swap3A_155 = arith.index_cast %swap3A_154 : i32 to index
      %swap3A_156 = arith.index_cast %scan3A_108 : i32 to index
      %swap3A_157 = arith.constant 80 : index
      %swap3A_158 = tpu.vector_load %arg8[%swap3A_155, %swap3A_156, %swap3A_157] {strides = array<i32>} : memref<4x128x128xf32, #tpu.memory_space<vmem>>, vector<1x1x16xf32>,
      %swap3A_159 = vector.shape_cast %swap3A_158 : vector<1x1x16xf32> to vector<16xf32>
      %swap3A_160 = vector.shape_cast %broadcast_in_dim3A_153 : vector<16xf32> to vector<1x1x16xf32>
      tpu.vector_store %arg8[%swap3A_155, %swap3A_156, %swap3A_157], %swap3A_160 {strides = array<i32>} : memref<4x128x128xf32, #tpu.memory_space<vmem>>, vector<1x1x16xf32>,
      %broadcast_in_dim3A_161 = arith.constant 0.000000e+00 : f32
      %broadcast_in_dim3A_162 = vector.broadcast %broadcast_in_dim3A_161 : f32 to vector<16xf32>
      %swap3A_163 = arith.constant 0 : i32
      %swap3A_164 = arith.index_cast %swap3A_163 : i32 to index
      %swap3A_165 = arith.index_cast %scan3A_108 : i32 to index
      %swap3A_166 = arith.constant 96 : index
      %swap3A_167 = tpu.vector_load %arg8[%swap3A_164, %swap3A_165, %swap3A_166] {strides = array<i32>} : memref<4x128x128xf32, #tpu.memory_space<vmem>>, vector<1x1x16xf32>,
      %swap3A_168 = vector.shape_cast %swap3A_167 : vector<1x1x16xf32> to vector<16xf32>
      %swap3A_169 = vector.shape_cast %broadcast_in_dim3A_162 : vector<16xf32> to vector<1x1x16xf32>
      tpu.vector_store %arg8[%swap3A_164, %swap3A_165, %swap3A_166], %swap3A_169 {strides = array<i32>} : memref<4x128x128xf32, #tpu.memory_space<vmem>>, vector<1x1x16xf32>,
      %broadcast_in_dim3A_170 = arith.constant 0.000000e+00 : f32
      %broadcast_in_dim3A_171 = vector.broadcast %broadcast_in_dim3A_170 : f32 to vector<16xf32>
      %swap3A_172 = arith.constant 0 : i32
      %swap3A_173 = arith.index_cast %swap3A_172 : i32 to index
      %swap3A_174 = arith.index_cast %scan3A_108 : i32 to index
      %swap3A_175 = arith.constant 112 : index
      %swap3A_176 = tpu.vector_load %arg8[%swap3A_173, %swap3A_174, %swap3A_175] {strides = array<i32>} : memref<4x128x128xf32, #tpu.memory_space<vmem>>, vector<1x1x16xf32>,
      %swap3A_177 = vector.shape_cast %swap3A_176 : vector<1x1x16xf32> to vector<16xf32>
      %swap3A_178 = vector.shape_cast %broadcast_in_dim3A_171 : vector<16xf32> to vector<1x1x16xf32>
      tpu.vector_store %arg8[%swap3A_173, %swap3A_174, %swap3A_175], %swap3A_178 {strides = array<i32>} : memref<4x128x128xf32, #tpu.memory_space<vmem>>, vector<1x1x16xf32>,
    }
    %scan3A_5 = arith.constant 128 : i32
    %mul3A_6 = arith.constant 256 : i32
    %mul3A_7 = arith.muli %arg1, %mul3A_6 : i32
    %add3A_8 = arith.constant 0 : i32
    %add3A_9 = arith.addi %mul3A_7, %add3A_8 : i32
    %run_scoped3A = arith.constant 0 : i32
    "tpu.region"() ({
      %run_scoped3A_108 = tpu.sem_alloc : memref<!tpu.dma_semaphore, #tpu.memory_space<semaphore_mem>>
      %dma_start3A_109 = arith.constant 0 : i32
      %dma_start3A_110 = arith.constant 0 : i32
      %dma_start3A_111 = tpu.memref_slice %arg8[%run_scoped3A, %dma_start3A_109, %dma_start3A_110] : memref<4x128x128xf32, #tpu.memory_space<vmem>> -> memref<1x128x128xf32, #tpu.memory_space<vmem>>
      %dma_start3A_112 = tpu.memref_squeeze %dma_start3A_111 : memref<1x128x128xf32, #tpu.memory_space<vmem>> -> memref<128x128xf32, #tpu.memory_space<vmem>>
      %dma_start3A_113 = arith.constant 0 : i32
      %dma_start3A_114 = tpu.memref_slice %arg9[%add3A_9, %dma_start3A_113] : memref<4096x128xf32, #tpu.memory_space<vmem_shared>> -> memref<128x128xf32, #tpu.memory_space<vmem_shared>>
      %dma_start3A_115 = arith.constant 0 : i32
      %dma_start3A_116 = tpu.memref_slice %arg9[%add3A_9, %dma_start3A_115] : memref<4096x128xf32, #tpu.memory_space<vmem_shared>> -> memref<128x128xf32, #tpu.memory_space<vmem_shared>>
      %dma_start3A_117 = arith.constant 0 : i32
      %dma_start3A_118 = arith.constant 0 : i32
      %dma_start3A_119 = tpu.memref_slice %arg8[%run_scoped3A, %dma_start3A_117, %dma_start3A_118] : memref<4x128x128xf32, #tpu.memory_space<vmem>> -> memref<1x128x128xf32, #tpu.memory_space<vmem>>
      %dma_start3A_120 = tpu.memref_squeeze %dma_start3A_119 : memref<1x128x128xf32, #tpu.memory_space<vmem>> -> memref<128x128xf32, #tpu.memory_space<vmem>>
      tpu.enqueue_dma source(%dma_start3A_120 : memref<128x128xf32, #tpu.memory_space<vmem>>) target(%dma_start3A_116 : memref<128x128xf32, #tpu.memory_space<vmem_shared>>) target_semaphore(%run_scoped3A_108 : memref<!tpu.dma_semaphore, #tpu.memory_space<semaphore_mem>>)
      %dma_wait3A_121 = arith.constant 0 : i32
      %dma_wait3A_122 = arith.constant 0 : i32
      %dma_wait3A_123 = tpu.memref_slice %arg8[%run_scoped3A, %dma_wait3A_121, %dma_wait3A_122] : memref<4x128x128xf32, #tpu.memory_space<vmem>> -> memref<1x128x128xf32, #tpu.memory_space<vmem>>
      %dma_wait3A_124 = tpu.memref_squeeze %dma_wait3A_123 : memref<1x128x128xf32, #tpu.memory_space<vmem>> -> memref<128x128xf32, #tpu.memory_space<vmem>>
      %dma_wait3A_125 = arith.constant 0 : i32
      %dma_wait3A_126 = tpu.memref_slice %arg9[%add3A_9, %dma_wait3A_125] : memref<4096x128xf32, #tpu.memory_space<vmem_shared>> -> memref<128x128xf32, #tpu.memory_space<vmem_shared>>
      %dma_wait3A_127 = arith.constant 0 : i32
      %dma_wait3A_128 = tpu.memref_slice %arg9[%add3A_9, %dma_wait3A_127] : memref<4096x128xf32, #tpu.memory_space<vmem_shared>> -> memref<128x128xf32, #tpu.memory_space<vmem_shared>>
      %dma_wait3A_129 = arith.constant 0 : i32
      %dma_wait3A_130 = arith.constant 0 : i32
      %dma_wait3A_131 = tpu.memref_slice %arg8[%run_scoped3A, %dma_wait3A_129, %dma_wait3A_130] : memref<4x128x128xf32, #tpu.memory_space<vmem>> -> memref<1x128x128xf32, #tpu.memory_space<vmem>>
      %dma_wait3A_132 = tpu.memref_squeeze %dma_wait3A_131 : memref<1x128x128xf32, #tpu.memory_space<vmem>> -> memref<128x128xf32, #tpu.memory_space<vmem>>
      tpu.wait_dma2 semaphore(%run_scoped3A_108 : memref<!tpu.dma_semaphore, #tpu.memory_space<semaphore_mem>>) src(%dma_wait3A_132 : memref<128x128xf32, #tpu.memory_space<vmem>>) dst(%dma_wait3A_128 : memref<128x128xf32, #tpu.memory_space<vmem_shared>>)
      tpu.yield
    }) : () -> ()
    %mul3A_10 = arith.constant 256 : i32
    %mul3A_11 = arith.muli %arg1, %mul3A_10 : i32
    %add3A_12 = arith.constant 128 : i32
    %add3A_13 = arith.addi %mul3A_11, %add3A_12 : i32
    %run_scoped3A_14 = arith.constant 0 : i32
    "tpu.region"() ({
      %run_scoped3A_108 = tpu.sem_alloc : memref<!tpu.dma_semaphore, #tpu.memory_space<semaphore_mem>>
      %dma_start3A_109 = arith.constant 0 : i32
      %dma_start3A_110 = arith.constant 0 : i32
      %dma_start3A_111 = tpu.memref_slice %arg8[%run_scoped3A_14, %dma_start3A_109, %dma_start3A_110] : memref<4x128x128xf32, #tpu.memory_space<vmem>> -> memref<1x128x128xf32, #tpu.memory_space<vmem>>
      %dma_start3A_112 = tpu.memref_squeeze %dma_start3A_111 : memref<1x128x128xf32, #tpu.memory_space<vmem>> -> memref<128x128xf32, #tpu.memory_space<vmem>>
      %dma_start3A_113 = arith.constant 0 : i32
      %dma_start3A_114 = tpu.memref_slice %arg9[%add3A_13, %dma_start3A_113] : memref<4096x128xf32, #tpu.memory_space<vmem_shared>> -> memref<128x128xf32, #tpu.memory_space<vmem_shared>>
      %dma_start3A_115 = arith.constant 0 : i32
      %dma_start3A_116 = tpu.memref_slice %arg9[%add3A_13, %dma_start3A_115] : memref<4096x128xf32, #tpu.memory_space<vmem_shared>> -> memref<128x128xf32, #tpu.memory_space<vmem_shared>>
      %dma_start3A_117 = arith.constant 0 : i32
      %dma_start3A_118 = arith.constant 0 : i32
      %dma_start3A_119 = tpu.memref_slice %arg8[%run_scoped3A_14, %dma_start3A_117, %dma_start3A_118] : memref<4x128x128xf32, #tpu.memory_space<vmem>> -> memref<1x128x128xf32, #tpu.memory_space<vmem>>
      %dma_start3A_120 = tpu.memref_squeeze %dma_start3A_119 : memref<1x128x128xf32, #tpu.memory_space<vmem>> -> memref<128x128xf32, #tpu.memory_space<vmem>>
      tpu.enqueue_dma source(%dma_start3A_120 : memref<128x128xf32, #tpu.memory_space<vmem>>) target(%dma_start3A_116 : memref<128x128xf32, #tpu.memory_space<vmem_shared>>) target_semaphore(%run_scoped3A_108 : memref<!tpu.dma_semaphore, #tpu.memory_space<semaphore_mem>>)
      %dma_wait3A_121 = arith.constant 0 : i32
      %dma_wait3A_122 = arith.constant 0 : i32
      %dma_wait3A_123 = tpu.memref_slice %arg8[%run_scoped3A_14, %dma_wait3A_121, %dma_wait3A_122] : memref<4x128x128xf32, #tpu.memory_space<vmem>> -> memref<1x128x128xf32, #tpu.memory_space<vmem>>
      %dma_wait3A_124 = tpu.memref_squeeze %dma_wait3A_123 : memref<1x128x128xf32, #tpu.memory_space<vmem>> -> memref<128x128xf32, #tpu.memory_space<vmem>>
      %dma_wait3A_125 = arith.constant 0 : i32
      %dma_wait3A_126 = tpu.memref_slice %arg9[%add3A_13, %dma_wait3A_125] : memref<4096x128xf32, #tpu.memory_space<vmem_shared>> -> memref<128x128xf32, #tpu.memory_space<vmem_shared>>
      %dma_wait3A_127 = arith.constant 0 : i32
      %dma_wait3A_128 = tpu.memref_slice %arg9[%add3A_13, %dma_wait3A_127] : memref<4096x128xf32, #tpu.memory_space<vmem_shared>> -> memref<128x128xf32, #tpu.memory_space<vmem_shared>>
      %dma_wait3A_129 = arith.constant 0 : i32
      %dma_wait3A_130 = arith.constant 0 : i32
      %dma_wait3A_131 = tpu.memref_slice %arg8[%run_scoped3A_14, %dma_wait3A_129, %dma_wait3A_130] : memref<4x128x128xf32, #tpu.memory_space<vmem>> -> memref<1x128x128xf32, #tpu.memory_space<vmem>>
      %dma_wait3A_132 = tpu.memref_squeeze %dma_wait3A_131 : memref<1x128x128xf32, #tpu.memory_space<vmem>> -> memref<128x128xf32, #tpu.memory_space<vmem>>
      tpu.wait_dma2 semaphore(%run_scoped3A_108 : memref<!tpu.dma_semaphore, #tpu.memory_space<semaphore_mem>>) src(%dma_wait3A_132 : memref<128x128xf32, #tpu.memory_space<vmem>>) dst(%dma_wait3A_128 : memref<128x128xf32, #tpu.memory_space<vmem_shared>>)
      tpu.yield
    }) : () -> ()
    %barrier3A = arith.constant 0 : index
    tpu.barrier barrier_id(%barrier3A)
    %dma_start3A = arith.constant 0 : i32
    %dma_start3A_15 = arith.constant 0 : i32
    %dma_start3A_16 = arith.constant 0 : i32
    %dma_start3A_17 = arith.constant 0 : i32
    %dma_start3A_18 = tpu.memref_slice %arg8[%dma_start3A_15, %dma_start3A_16, %dma_start3A_17] : memref<4x128x128xf32, #tpu.memory_space<vmem>> -> memref<1x128x128xf32, #tpu.memory_space<vmem>>
    %dma_start3A_19 = tpu.memref_squeeze %dma_start3A_18 : memref<1x128x128xf32, #tpu.memory_space<vmem>> -> memref<128x128xf32, #tpu.memory_space<vmem>>
    %dma_start3A_20 = arith.constant 0 : i32
    %dma_start3A_21 = tpu.memref_slice %arg6[%dma_start3A, %dma_start3A_20] : memref<32x128xi32, #tpu.memory_space<vmem>> -> memref<1x128xi32, #tpu.memory_space<vmem>>
    %dma_start3A_22 = tpu.memref_squeeze %dma_start3A_21 : memref<1x128xi32, #tpu.memory_space<vmem>> -> memref<128xi32, #tpu.memory_space<vmem>>
    %dma_start3A_23 = arith.constant 0 : i32
    %dma_start3A_24 = arith.constant 0 : i32
    %dma_start3A_25 = tpu.memref_slice %arg2[%dma_start3A_23, %dma_start3A_24] : memref<4096x128xf32, #tpu.memory_space<hbm>> -> memref<4096x128xf32, #tpu.memory_space<hbm>>
    tpu.enqueue_indirect_dma source(%dma_start3A_25 : memref<4096x128xf32, #tpu.memory_space<hbm>>) target(%dma_start3A_19 : memref<128x128xf32, #tpu.memory_space<vmem>>) offsets(%dma_start3A_22 : memref<128xi32, #tpu.memory_space<vmem>>) semaphore(%arg10 : memref<!tpu.dma_semaphore, #tpu.memory_space<semaphore_mem>>)
    %dma_start3A_26 = arith.constant 1 : i32
    %dma_start3A_27 = arith.constant 1 : i32
    %dma_start3A_28 = arith.constant 0 : i32
    %dma_start3A_29 = arith.constant 0 : i32
    %dma_start3A_30 = tpu.memref_slice %arg8[%dma_start3A_27, %dma_start3A_28, %dma_start3A_29] : memref<4x128x128xf32, #tpu.memory_space<vmem>> -> memref<1x128x128xf32, #tpu.memory_space<vmem>>
    %dma_start3A_31 = tpu.memref_squeeze %dma_start3A_30 : memref<1x128x128xf32, #tpu.memory_space<vmem>> -> memref<128x128xf32, #tpu.memory_space<vmem>>
    %dma_start3A_32 = arith.constant 0 : i32
    %dma_start3A_33 = tpu.memref_slice %arg6[%dma_start3A_26, %dma_start3A_32] : memref<32x128xi32, #tpu.memory_space<vmem>> -> memref<1x128xi32, #tpu.memory_space<vmem>>
    %dma_start3A_34 = tpu.memref_squeeze %dma_start3A_33 : memref<1x128xi32, #tpu.memory_space<vmem>> -> memref<128xi32, #tpu.memory_space<vmem>>
    %dma_start3A_35 = arith.constant 0 : i32
    %dma_start3A_36 = arith.constant 0 : i32
    %dma_start3A_37 = tpu.memref_slice %arg2[%dma_start3A_35, %dma_start3A_36] : memref<4096x128xf32, #tpu.memory_space<hbm>> -> memref<4096x128xf32, #tpu.memory_space<hbm>>
    tpu.enqueue_indirect_dma source(%dma_start3A_37 : memref<4096x128xf32, #tpu.memory_space<hbm>>) target(%dma_start3A_31 : memref<128x128xf32, #tpu.memory_space<vmem>>) offsets(%dma_start3A_34 : memref<128xi32, #tpu.memory_space<vmem>>) semaphore(%arg11 : memref<!tpu.dma_semaphore, #tpu.memory_space<semaphore_mem>>)
    %dma_start3A_38 = arith.constant 2 : i32
    %dma_start3A_39 = arith.constant 2 : i32
    %dma_start3A_40 = arith.constant 0 : i32
    %dma_start3A_41 = arith.constant 0 : i32
    %dma_start3A_42 = tpu.memref_slice %arg8[%dma_start3A_39, %dma_start3A_40, %dma_start3A_41] : memref<4x128x128xf32, #tpu.memory_space<vmem>> -> memref<1x128x128xf32, #tpu.memory_space<vmem>>
    %dma_start3A_43 = tpu.memref_squeeze %dma_start3A_42 : memref<1x128x128xf32, #tpu.memory_space<vmem>> -> memref<128x128xf32, #tpu.memory_space<vmem>>
    %dma_start3A_44 = arith.constant 0 : i32
    %dma_start3A_45 = tpu.memref_slice %arg6[%dma_start3A_38, %dma_start3A_44] : memref<32x128xi32, #tpu.memory_space<vmem>> -> memref<1x128xi32, #tpu.memory_space<vmem>>
    %dma_start3A_46 = tpu.memref_squeeze %dma_start3A_45 : memref<1x128xi32, #tpu.memory_space<vmem>> -> memref<128xi32, #tpu.memory_space<vmem>>
    %dma_start3A_47 = arith.constant 0 : i32
    %dma_start3A_48 = arith.constant 0 : i32
    %dma_start3A_49 = tpu.memref_slice %arg2[%dma_start3A_47, %dma_start3A_48] : memref<4096x128xf32, #tpu.memory_space<hbm>> -> memref<4096x128xf32, #tpu.memory_space<hbm>>
    tpu.enqueue_indirect_dma source(%dma_start3A_49 : memref<4096x128xf32, #tpu.memory_space<hbm>>) target(%dma_start3A_43 : memref<128x128xf32, #tpu.memory_space<vmem>>) offsets(%dma_start3A_46 : memref<128xi32, #tpu.memory_space<vmem>>) semaphore(%arg12 : memref<!tpu.dma_semaphore, #tpu.memory_space<semaphore_mem>>)
    %scan3A_50 = arith.constant 0 : i32
    %scan3A_51 = arith.constant 0 : i32
    %scan3A_52 = arith.constant 8 : i32
    %scan3A_53 = arith.addi %scan3A_51, %scan3A_52 : i32
    %scan3A_54 = arith.constant 1 : i32
    scf.for %scan3A_108 = %scan3A_51 to %scan3A_53 step %scan3A_54  : i32 {
      %mul3A_109 = arith.constant 4 : i32
      %mul3A_110 = arith.muli %scan3A_108, %mul3A_109 : i32
      %add3A_111 = arith.constant 0 : i32
      %add3A_112 = arith.addi %mul3A_110, %add3A_111 : i32
      %ge3A = arith.constant 1 : i32
      %ge3A_113 = arith.cmpi sge, %add3A_112, %ge3A : i32
      %add3A_114 = arith.constant 4 : i32
      %add3A_115 = arith.addi %add3A_112, %add3A_114 : i32
      %sub3A = arith.constant 1 : i32
      %sub3A_116 = arith.subi %add3A_115, %sub3A : i32
      %lt3A = arith.constant 32 : i32
      %lt3A_117 = arith.cmpi slt, %sub3A_116, %lt3A : i32
      %and3A = arith.andi %ge3A_113, %lt3A_117 : i1
      %convert_element_type3A = arith.extui %and3A : i1 to i32
      %cond3A = arith.constant 0 : i32
      %cond3A_118 = arith.cmpi ne, %convert_element_type3A, %cond3A : i32
      scf.if %cond3A_118 {
        %sub3A_291 = arith.constant 1 : i32
        %sub3A_292 = arith.subi %add3A_112, %sub3A_291 : i32
        %dma_wait3A_293 = arith.constant 3 : i32
        %dma_wait3A_294 = arith.constant 0 : i32
        %dma_wait3A_295 = arith.constant 0 : i32
        %dma_wait3A_296 = tpu.memref_slice %arg8[%dma_wait3A_293, %dma_wait3A_294, %dma_wait3A_295] : memref<4x128x128xf32, #tpu.memory_space<vmem>> -> memref<1x128x128xf32, #tpu.memory_space<vmem>>
        %dma_wait3A_297 = tpu.memref_squeeze %dma_wait3A_296 : memref<1x128x128xf32, #tpu.memory_space<vmem>> -> memref<128x128xf32, #tpu.memory_space<vmem>>
        %dma_wait3A_298 = arith.constant 0 : i32
        %dma_wait3A_299 = tpu.memref_slice %arg7[%sub3A_292, %dma_wait3A_298] : memref<32x128xi32, #tpu.memory_space<vmem>> -> memref<1x128xi32, #tpu.memory_space<vmem>>
        %dma_wait3A_300 = tpu.memref_squeeze %dma_wait3A_299 : memref<1x128xi32, #tpu.memory_space<vmem>> -> memref<128xi32, #tpu.memory_space<vmem>>
        %dma_wait3A_301 = arith.constant 0 : i32
        %dma_wait3A_302 = arith.constant 0 : i32
        %dma_wait3A_303 = tpu.memref_slice %arg9[%dma_wait3A_301, %dma_wait3A_302] : memref<4096x128xf32, #tpu.memory_space<vmem_shared>> -> memref<4096x128xf32, #tpu.memory_space<vmem_shared>>
        tpu.wait_indirect_dma semaphore(%arg17 : memref<!tpu.dma_semaphore, #tpu.memory_space<semaphore_mem>>) src(%dma_wait3A_297 : memref<128x128xf32, #tpu.memory_space<vmem>>) dst(%dma_wait3A_303 : memref<4096x128xf32, #tpu.memory_space<vmem_shared>>)
      } else {
      }
      %add3A_119 = arith.constant 4 : i32
      %add3A_120 = arith.addi %add3A_112, %add3A_119 : i32
      %sub3A_121 = arith.constant 1 : i32
      %sub3A_122 = arith.subi %add3A_120, %sub3A_121 : i32
      %lt3A_123 = arith.constant 32 : i32
      %lt3A_124 = arith.cmpi slt, %sub3A_122, %lt3A_123 : i32
      %convert_element_type3A_125 = arith.extui %lt3A_124 : i1 to i32
      %cond3A_126 = arith.constant 0 : i32
      %cond3A_127 = arith.cmpi ne, %convert_element_type3A_125, %cond3A_126 : i32
      scf.if %cond3A_127 {
        %add3A_291 = arith.constant 4 : i32
        %add3A_292 = arith.addi %add3A_112, %add3A_291 : i32
        %sub3A_293 = arith.constant 1 : i32
        %sub3A_294 = arith.subi %add3A_292, %sub3A_293 : i32
        %dma_start3A_295 = arith.constant 3 : i32
        %dma_start3A_296 = arith.constant 0 : i32
        %dma_start3A_297 = arith.constant 0 : i32
        %dma_start3A_298 = tpu.memref_slice %arg8[%dma_start3A_295, %dma_start3A_296, %dma_start3A_297] : memref<4x128x128xf32, #tpu.memory_space<vmem>> -> memref<1x128x128xf32, #tpu.memory_space<vmem>>
        %dma_start3A_299 = tpu.memref_squeeze %dma_start3A_298 : memref<1x128x128xf32, #tpu.memory_space<vmem>> -> memref<128x128xf32, #tpu.memory_space<vmem>>
        %dma_start3A_300 = arith.constant 0 : i32
        %dma_start3A_301 = tpu.memref_slice %arg6[%sub3A_294, %dma_start3A_300] : memref<32x128xi32, #tpu.memory_space<vmem>> -> memref<1x128xi32, #tpu.memory_space<vmem>>
        %dma_start3A_302 = tpu.memref_squeeze %dma_start3A_301 : memref<1x128xi32, #tpu.memory_space<vmem>> -> memref<128xi32, #tpu.memory_space<vmem>>
        %dma_start3A_303 = arith.constant 0 : i32
        %dma_start3A_304 = arith.constant 0 : i32
        %dma_start3A_305 = tpu.memref_slice %arg2[%dma_start3A_303, %dma_start3A_304] : memref<4096x128xf32, #tpu.memory_space<hbm>> -> memref<4096x128xf32, #tpu.memory_space<hbm>>
        tpu.enqueue_indirect_dma source(%dma_start3A_305 : memref<4096x128xf32, #tpu.memory_space<hbm>>) target(%dma_start3A_299 : memref<128x128xf32, #tpu.memory_space<vmem>>) offsets(%dma_start3A_302 : memref<128xi32, #tpu.memory_space<vmem>>) semaphore(%arg13 : memref<!tpu.dma_semaphore, #tpu.memory_space<semaphore_mem>>)
      } else {
      }
      %dma_wait3A_128 = arith.constant 0 : i32
      %dma_wait3A_129 = arith.constant 0 : i32
      %dma_wait3A_130 = arith.constant 0 : i32
      %dma_wait3A_131 = tpu.memref_slice %arg8[%dma_wait3A_128, %dma_wait3A_129, %dma_wait3A_130] : memref<4x128x128xf32, #tpu.memory_space<vmem>> -> memref<1x128x128xf32, #tpu.memory_space<vmem>>
      %dma_wait3A_132 = tpu.memref_squeeze %dma_wait3A_131 : memref<1x128x128xf32, #tpu.memory_space<vmem>> -> memref<128x128xf32, #tpu.memory_space<vmem>>
      %dma_wait3A_133 = arith.constant 0 : i32
      %dma_wait3A_134 = tpu.memref_slice %arg6[%add3A_112, %dma_wait3A_133] : memref<32x128xi32, #tpu.memory_space<vmem>> -> memref<1x128xi32, #tpu.memory_space<vmem>>
      %dma_wait3A_135 = tpu.memref_squeeze %dma_wait3A_134 : memref<1x128xi32, #tpu.memory_space<vmem>> -> memref<128xi32, #tpu.memory_space<vmem>>
      %dma_wait3A_136 = arith.constant 0 : i32
      %dma_wait3A_137 = arith.constant 0 : i32
      %dma_wait3A_138 = tpu.memref_slice %arg2[%dma_wait3A_136, %dma_wait3A_137] : memref<4096x128xf32, #tpu.memory_space<hbm>> -> memref<4096x128xf32, #tpu.memory_space<hbm>>
      tpu.wait_indirect_dma semaphore(%arg10 : memref<!tpu.dma_semaphore, #tpu.memory_space<semaphore_mem>>) src(%dma_wait3A_138 : memref<4096x128xf32, #tpu.memory_space<hbm>>) dst(%dma_wait3A_132 : memref<128x128xf32, #tpu.memory_space<vmem>>)
      %dma_start3A_139 = arith.constant 0 : i32
      %dma_start3A_140 = arith.constant 0 : i32
      %dma_start3A_141 = arith.constant 0 : i32
      %dma_start3A_142 = tpu.memref_slice %arg8[%dma_start3A_139, %dma_start3A_140, %dma_start3A_141] : memref<4x128x128xf32, #tpu.memory_space<vmem>> -> memref<1x128x128xf32, #tpu.memory_space<vmem>>
      %dma_start3A_143 = tpu.memref_squeeze %dma_start3A_142 : memref<1x128x128xf32, #tpu.memory_space<vmem>> -> memref<128x128xf32, #tpu.memory_space<vmem>>
      %dma_start3A_144 = arith.constant 0 : i32
      %dma_start3A_145 = tpu.memref_slice %arg7[%add3A_112, %dma_start3A_144] : memref<32x128xi32, #tpu.memory_space<vmem>> -> memref<1x128xi32, #tpu.memory_space<vmem>>
      %dma_start3A_146 = tpu.memref_squeeze %dma_start3A_145 : memref<1x128xi32, #tpu.memory_space<vmem>> -> memref<128xi32, #tpu.memory_space<vmem>>
      %dma_start3A_147 = arith.constant 0 : i32
      %dma_start3A_148 = arith.constant 0 : i32
      %dma_start3A_149 = tpu.memref_slice %arg9[%dma_start3A_147, %dma_start3A_148] : memref<4096x128xf32, #tpu.memory_space<vmem_shared>> -> memref<4096x128xf32, #tpu.memory_space<vmem_shared>>
      tpu.enqueue_indirect_dma source(%dma_start3A_143 : memref<128x128xf32, #tpu.memory_space<vmem>>) target(%dma_start3A_149 : memref<4096x128xf32, #tpu.memory_space<vmem_shared>>) offsets(%dma_start3A_146 : memref<128xi32, #tpu.memory_space<vmem>>) semaphore(%arg14 : memref<!tpu.dma_semaphore, #tpu.memory_space<semaphore_mem>>) {add = true}
      %mul3A_150 = arith.constant 4 : i32
      %mul3A_151 = arith.muli %scan3A_108, %mul3A_150 : i32
      %add3A_152 = arith.constant 1 : i32
      %add3A_153 = arith.addi %mul3A_151, %add3A_152 : i32
      %ge3A_154 = arith.constant 1 : i32
      %ge3A_155 = arith.cmpi sge, %add3A_153, %ge3A_154 : i32
      %add3A_156 = arith.constant 4 : i32
      %add3A_157 = arith.addi %add3A_153, %add3A_156 : i32
      %sub3A_158 = arith.constant 1 : i32
      %sub3A_159 = arith.subi %add3A_157, %sub3A_158 : i32
      %lt3A_160 = arith.constant 32 : i32
      %lt3A_161 = arith.cmpi slt, %sub3A_159, %lt3A_160 : i32
      %and3A_162 = arith.andi %ge3A_155, %lt3A_161 : i1
      %convert_element_type3A_163 = arith.extui %and3A_162 : i1 to i32
      %cond3A_164 = arith.constant 0 : i32
      %cond3A_165 = arith.cmpi ne, %convert_element_type3A_163, %cond3A_164 : i32
      scf.if %cond3A_165 {
        %sub3A_291 = arith.constant 1 : i32
        %sub3A_292 = arith.subi %add3A_153, %sub3A_291 : i32
        %dma_wait3A_293 = arith.constant 0 : i32
        %dma_wait3A_294 = arith.constant 0 : i32
        %dma_wait3A_295 = arith.constant 0 : i32
        %dma_wait3A_296 = tpu.memref_slice %arg8[%dma_wait3A_293, %dma_wait3A_294, %dma_wait3A_295] : memref<4x128x128xf32, #tpu.memory_space<vmem>> -> memref<1x128x128xf32, #tpu.memory_space<vmem>>
        %dma_wait3A_297 = tpu.memref_squeeze %dma_wait3A_296 : memref<1x128x128xf32, #tpu.memory_space<vmem>> -> memref<128x128xf32, #tpu.memory_space<vmem>>
        %dma_wait3A_298 = arith.constant 0 : i32
        %dma_wait3A_299 = tpu.memref_slice %arg7[%sub3A_292, %dma_wait3A_298] : memref<32x128xi32, #tpu.memory_space<vmem>> -> memref<1x128xi32, #tpu.memory_space<vmem>>
        %dma_wait3A_300 = tpu.memref_squeeze %dma_wait3A_299 : memref<1x128xi32, #tpu.memory_space<vmem>> -> memref<128xi32, #tpu.memory_space<vmem>>
        %dma_wait3A_301 = arith.constant 0 : i32
        %dma_wait3A_302 = arith.constant 0 : i32
        %dma_wait3A_303 = tpu.memref_slice %arg9[%dma_wait3A_301, %dma_wait3A_302] : memref<4096x128xf32, #tpu.memory_space<vmem_shared>> -> memref<4096x128xf32, #tpu.memory_space<vmem_shared>>
        tpu.wait_indirect_dma semaphore(%arg14 : memref<!tpu.dma_semaphore, #tpu.memory_space<semaphore_mem>>) src(%dma_wait3A_297 : memref<128x128xf32, #tpu.memory_space<vmem>>) dst(%dma_wait3A_303 : memref<4096x128xf32, #tpu.memory_space<vmem_shared>>)
      } else {
      }
      %add3A_166 = arith.constant 4 : i32
      %add3A_167 = arith.addi %add3A_153, %add3A_166 : i32
      %sub3A_168 = arith.constant 1 : i32
      %sub3A_169 = arith.subi %add3A_167, %sub3A_168 : i32
      %lt3A_170 = arith.constant 32 : i32
      %lt3A_171 = arith.cmpi slt, %sub3A_169, %lt3A_170 : i32
      %convert_element_type3A_172 = arith.extui %lt3A_171 : i1 to i32
      %cond3A_173 = arith.constant 0 : i32
      %cond3A_174 = arith.cmpi ne, %convert_element_type3A_172, %cond3A_173 : i32
      scf.if %cond3A_174 {
        %add3A_291 = arith.constant 4 : i32
        %add3A_292 = arith.addi %add3A_153, %add3A_291 : i32
        %sub3A_293 = arith.constant 1 : i32
        %sub3A_294 = arith.subi %add3A_292, %sub3A_293 : i32
        %dma_start3A_295 = arith.constant 0 : i32
        %dma_start3A_296 = arith.constant 0 : i32
        %dma_start3A_297 = arith.constant 0 : i32
        %dma_start3A_298 = tpu.memref_slice %arg8[%dma_start3A_295, %dma_start3A_296, %dma_start3A_297] : memref<4x128x128xf32, #tpu.memory_space<vmem>> -> memref<1x128x128xf32, #tpu.memory_space<vmem>>
        %dma_start3A_299 = tpu.memref_squeeze %dma_start3A_298 : memref<1x128x128xf32, #tpu.memory_space<vmem>> -> memref<128x128xf32, #tpu.memory_space<vmem>>
        %dma_start3A_300 = arith.constant 0 : i32
        %dma_start3A_301 = tpu.memref_slice %arg6[%sub3A_294, %dma_start3A_300] : memref<32x128xi32, #tpu.memory_space<vmem>> -> memref<1x128xi32, #tpu.memory_space<vmem>>
        %dma_start3A_302 = tpu.memref_squeeze %dma_start3A_301 : memref<1x128xi32, #tpu.memory_space<vmem>> -> memref<128xi32, #tpu.memory_space<vmem>>
        %dma_start3A_303 = arith.constant 0 : i32
        %dma_start3A_304 = arith.constant 0 : i32
        %dma_start3A_305 = tpu.memref_slice %arg2[%dma_start3A_303, %dma_start3A_304] : memref<4096x128xf32, #tpu.memory_space<hbm>> -> memref<4096x128xf32, #tpu.memory_space<hbm>>
        tpu.enqueue_indirect_dma source(%dma_start3A_305 : memref<4096x128xf32, #tpu.memory_space<hbm>>) target(%dma_start3A_299 : memref<128x128xf32, #tpu.memory_space<vmem>>) offsets(%dma_start3A_302 : memref<128xi32, #tpu.memory_space<vmem>>) semaphore(%arg10 : memref<!tpu.dma_semaphore, #tpu.memory_space<semaphore_mem>>)
      } else {
      }
      %dma_wait3A_175 = arith.constant 1 : i32
      %dma_wait3A_176 = arith.constant 0 : i32
      %dma_wait3A_177 = arith.constant 0 : i32
      %dma_wait3A_178 = tpu.memref_slice %arg8[%dma_wait3A_175, %dma_wait3A_176, %dma_wait3A_177] : memref<4x128x128xf32, #tpu.memory_space<vmem>> -> memref<1x128x128xf32, #tpu.memory_space<vmem>>
      %dma_wait3A_179 = tpu.memref_squeeze %dma_wait3A_178 : memref<1x128x128xf32, #tpu.memory_space<vmem>> -> memref<128x128xf32, #tpu.memory_space<vmem>>
      %dma_wait3A_180 = arith.constant 0 : i32
      %dma_wait3A_181 = tpu.memref_slice %arg6[%add3A_153, %dma_wait3A_180] : memref<32x128xi32, #tpu.memory_space<vmem>> -> memref<1x128xi32, #tpu.memory_space<vmem>>
      %dma_wait3A_182 = tpu.memref_squeeze %dma_wait3A_181 : memref<1x128xi32, #tpu.memory_space<vmem>> -> memref<128xi32, #tpu.memory_space<vmem>>
      %dma_wait3A_183 = arith.constant 0 : i32
      %dma_wait3A_184 = arith.constant 0 : i32
      %dma_wait3A_185 = tpu.memref_slice %arg2[%dma_wait3A_183, %dma_wait3A_184] : memref<4096x128xf32, #tpu.memory_space<hbm>> -> memref<4096x128xf32, #tpu.memory_space<hbm>>
      tpu.wait_indirect_dma semaphore(%arg11 : memref<!tpu.dma_semaphore, #tpu.memory_space<semaphore_mem>>) src(%dma_wait3A_185 : memref<4096x128xf32, #tpu.memory_space<hbm>>) dst(%dma_wait3A_179 : memref<128x128xf32, #tpu.memory_space<vmem>>)
      %dma_start3A_186 = arith.constant 1 : i32
      %dma_start3A_187 = arith.constant 0 : i32
      %dma_start3A_188 = arith.constant 0 : i32
      %dma_start3A_189 = tpu.memref_slice %arg8[%dma_start3A_186, %dma_start3A_187, %dma_start3A_188] : memref<4x128x128xf32, #tpu.memory_space<vmem>> -> memref<1x128x128xf32, #tpu.memory_space<vmem>>
      %dma_start3A_190 = tpu.memref_squeeze %dma_start3A_189 : memref<1x128x128xf32, #tpu.memory_space<vmem>> -> memref<128x128xf32, #tpu.memory_space<vmem>>
      %dma_start3A_191 = arith.constant 0 : i32
      %dma_start3A_192 = tpu.memref_slice %arg7[%add3A_153, %dma_start3A_191] : memref<32x128xi32, #tpu.memory_space<vmem>> -> memref<1x128xi32, #tpu.memory_space<vmem>>
      %dma_start3A_193 = tpu.memref_squeeze %dma_start3A_192 : memref<1x128xi32, #tpu.memory_space<vmem>> -> memref<128xi32, #tpu.memory_space<vmem>>
      %dma_start3A_194 = arith.constant 0 : i32
      %dma_start3A_195 = arith.constant 0 : i32
      %dma_start3A_196 = tpu.memref_slice %arg9[%dma_start3A_194, %dma_start3A_195] : memref<4096x128xf32, #tpu.memory_space<vmem_shared>> -> memref<4096x128xf32, #tpu.memory_space<vmem_shared>>
      tpu.enqueue_indirect_dma source(%dma_start3A_190 : memref<128x128xf32, #tpu.memory_space<vmem>>) target(%dma_start3A_196 : memref<4096x128xf32, #tpu.memory_space<vmem_shared>>) offsets(%dma_start3A_193 : memref<128xi32, #tpu.memory_space<vmem>>) semaphore(%arg15 : memref<!tpu.dma_semaphore, #tpu.memory_space<semaphore_mem>>) {add = true}
      %mul3A_197 = arith.constant 4 : i32
      %mul3A_198 = arith.muli %scan3A_108, %mul3A_197 : i32
      %add3A_199 = arith.constant 2 : i32
      %add3A_200 = arith.addi %mul3A_198, %add3A_199 : i32
      %ge3A_201 = arith.constant 1 : i32
      %ge3A_202 = arith.cmpi sge, %add3A_200, %ge3A_201 : i32
      %add3A_203 = arith.constant 4 : i32
      %add3A_204 = arith.addi %add3A_200, %add3A_203 : i32
      %sub3A_205 = arith.constant 1 : i32
      %sub3A_206 = arith.subi %add3A_204, %sub3A_205 : i32
      %lt3A_207 = arith.constant 32 : i32
      %lt3A_208 = arith.cmpi slt, %sub3A_206, %lt3A_207 : i32
      %and3A_209 = arith.andi %ge3A_202, %lt3A_208 : i1
      %convert_element_type3A_210 = arith.extui %and3A_209 : i1 to i32
      %cond3A_211 = arith.constant 0 : i32
      %cond3A_212 = arith.cmpi ne, %convert_element_type3A_210, %cond3A_211 : i32
      scf.if %cond3A_212 {
        %sub3A_291 = arith.constant 1 : i32
        %sub3A_292 = arith.subi %add3A_200, %sub3A_291 : i32
        %dma_wait3A_293 = arith.constant 1 : i32
        %dma_wait3A_294 = arith.constant 0 : i32
        %dma_wait3A_295 = arith.constant 0 : i32
        %dma_wait3A_296 = tpu.memref_slice %arg8[%dma_wait3A_293, %dma_wait3A_294, %dma_wait3A_295] : memref<4x128x128xf32, #tpu.memory_space<vmem>> -> memref<1x128x128xf32, #tpu.memory_space<vmem>>
        %dma_wait3A_297 = tpu.memref_squeeze %dma_wait3A_296 : memref<1x128x128xf32, #tpu.memory_space<vmem>> -> memref<128x128xf32, #tpu.memory_space<vmem>>
        %dma_wait3A_298 = arith.constant 0 : i32
        %dma_wait3A_299 = tpu.memref_slice %arg7[%sub3A_292, %dma_wait3A_298] : memref<32x128xi32, #tpu.memory_space<vmem>> -> memref<1x128xi32, #tpu.memory_space<vmem>>
        %dma_wait3A_300 = tpu.memref_squeeze %dma_wait3A_299 : memref<1x128xi32, #tpu.memory_space<vmem>> -> memref<128xi32, #tpu.memory_space<vmem>>
        %dma_wait3A_301 = arith.constant 0 : i32
        %dma_wait3A_302 = arith.constant 0 : i32
        %dma_wait3A_303 = tpu.memref_slice %arg9[%dma_wait3A_301, %dma_wait3A_302] : memref<4096x128xf32, #tpu.memory_space<vmem_shared>> -> memref<4096x128xf32, #tpu.memory_space<vmem_shared>>
        tpu.wait_indirect_dma semaphore(%arg15 : memref<!tpu.dma_semaphore, #tpu.memory_space<semaphore_mem>>) src(%dma_wait3A_297 : memref<128x128xf32, #tpu.memory_space<vmem>>) dst(%dma_wait3A_303 : memref<4096x128xf32, #tpu.memory_space<vmem_shared>>)
      } else {
      }
      %add3A_213 = arith.constant 4 : i32
      %add3A_214 = arith.addi %add3A_200, %add3A_213 : i32
      %sub3A_215 = arith.constant 1 : i32
      %sub3A_216 = arith.subi %add3A_214, %sub3A_215 : i32
      %lt3A_217 = arith.constant 32 : i32
      %lt3A_218 = arith.cmpi slt, %sub3A_216, %lt3A_217 : i32
      %convert_element_type3A_219 = arith.extui %lt3A_218 : i1 to i32
      %cond3A_220 = arith.constant 0 : i32
      %cond3A_221 = arith.cmpi ne, %convert_element_type3A_219, %cond3A_220 : i32
      scf.if %cond3A_221 {
        %add3A_291 = arith.constant 4 : i32
        %add3A_292 = arith.addi %add3A_200, %add3A_291 : i32
        %sub3A_293 = arith.constant 1 : i32
        %sub3A_294 = arith.subi %add3A_292, %sub3A_293 : i32
        %dma_start3A_295 = arith.constant 1 : i32
        %dma_start3A_296 = arith.constant 0 : i32
        %dma_start3A_297 = arith.constant 0 : i32
        %dma_start3A_298 = tpu.memref_slice %arg8[%dma_start3A_295, %dma_start3A_296, %dma_start3A_297] : memref<4x128x128xf32, #tpu.memory_space<vmem>> -> memref<1x128x128xf32, #tpu.memory_space<vmem>>
        %dma_start3A_299 = tpu.memref_squeeze %dma_start3A_298 : memref<1x128x128xf32, #tpu.memory_space<vmem>> -> memref<128x128xf32, #tpu.memory_space<vmem>>
        %dma_start3A_300 = arith.constant 0 : i32
        %dma_start3A_301 = tpu.memref_slice %arg6[%sub3A_294, %dma_start3A_300] : memref<32x128xi32, #tpu.memory_space<vmem>> -> memref<1x128xi32, #tpu.memory_space<vmem>>
        %dma_start3A_302 = tpu.memref_squeeze %dma_start3A_301 : memref<1x128xi32, #tpu.memory_space<vmem>> -> memref<128xi32, #tpu.memory_space<vmem>>
        %dma_start3A_303 = arith.constant 0 : i32
        %dma_start3A_304 = arith.constant 0 : i32
        %dma_start3A_305 = tpu.memref_slice %arg2[%dma_start3A_303, %dma_start3A_304] : memref<4096x128xf32, #tpu.memory_space<hbm>> -> memref<4096x128xf32, #tpu.memory_space<hbm>>
        tpu.enqueue_indirect_dma source(%dma_start3A_305 : memref<4096x128xf32, #tpu.memory_space<hbm>>) target(%dma_start3A_299 : memref<128x128xf32, #tpu.memory_space<vmem>>) offsets(%dma_start3A_302 : memref<128xi32, #tpu.memory_space<vmem>>) semaphore(%arg11 : memref<!tpu.dma_semaphore, #tpu.memory_space<semaphore_mem>>)
      } else {
      }
      %dma_wait3A_222 = arith.constant 2 : i32
      %dma_wait3A_223 = arith.constant 0 : i32
      %dma_wait3A_224 = arith.constant 0 : i32
      %dma_wait3A_225 = tpu.memref_slice %arg8[%dma_wait3A_222, %dma_wait3A_223, %dma_wait3A_224] : memref<4x128x128xf32, #tpu.memory_space<vmem>> -> memref<1x128x128xf32, #tpu.memory_space<vmem>>
      %dma_wait3A_226 = tpu.memref_squeeze %dma_wait3A_225 : memref<1x128x128xf32, #tpu.memory_space<vmem>> -> memref<128x128xf32, #tpu.memory_space<vmem>>
      %dma_wait3A_227 = arith.constant 0 : i32
      %dma_wait3A_228 = tpu.memref_slice %arg6[%add3A_200, %dma_wait3A_227] : memref<32x128xi32, #tpu.memory_space<vmem>> -> memref<1x128xi32, #tpu.memory_space<vmem>>
      %dma_wait3A_229 = tpu.memref_squeeze %dma_wait3A_228 : memref<1x128xi32, #tpu.memory_space<vmem>> -> memref<128xi32, #tpu.memory_space<vmem>>
      %dma_wait3A_230 = arith.constant 0 : i32
      %dma_wait3A_231 = arith.constant 0 : i32
      %dma_wait3A_232 = tpu.memref_slice %arg2[%dma_wait3A_230, %dma_wait3A_231] : memref<4096x128xf32, #tpu.memory_space<hbm>> -> memref<4096x128xf32, #tpu.memory_space<hbm>>
      tpu.wait_indirect_dma semaphore(%arg12 : memref<!tpu.dma_semaphore, #tpu.memory_space<semaphore_mem>>) src(%dma_wait3A_232 : memref<4096x128xf32, #tpu.memory_space<hbm>>) dst(%dma_wait3A_226 : memref<128x128xf32, #tpu.memory_space<vmem>>)
      %dma_start3A_233 = arith.constant 2 : i32
      %dma_start3A_234 = arith.constant 0 : i32
      %dma_start3A_235 = arith.constant 0 : i32
      %dma_start3A_236 = tpu.memref_slice %arg8[%dma_start3A_233, %dma_start3A_234, %dma_start3A_235] : memref<4x128x128xf32, #tpu.memory_space<vmem>> -> memref<1x128x128xf32, #tpu.memory_space<vmem>>
      %dma_start3A_237 = tpu.memref_squeeze %dma_start3A_236 : memref<1x128x128xf32, #tpu.memory_space<vmem>> -> memref<128x128xf32, #tpu.memory_space<vmem>>
      %dma_start3A_238 = arith.constant 0 : i32
      %dma_start3A_239 = tpu.memref_slice %arg7[%add3A_200, %dma_start3A_238] : memref<32x128xi32, #tpu.memory_space<vmem>> -> memref<1x128xi32, #tpu.memory_space<vmem>>
      %dma_start3A_240 = tpu.memref_squeeze %dma_start3A_239 : memref<1x128xi32, #tpu.memory_space<vmem>> -> memref<128xi32, #tpu.memory_space<vmem>>
      %dma_start3A_241 = arith.constant 0 : i32
      %dma_start3A_242 = arith.constant 0 : i32
      %dma_start3A_243 = tpu.memref_slice %arg9[%dma_start3A_241, %dma_start3A_242] : memref<4096x128xf32, #tpu.memory_space<vmem_shared>> -> memref<4096x128xf32, #tpu.memory_space<vmem_shared>>
      tpu.enqueue_indirect_dma source(%dma_start3A_237 : memref<128x128xf32, #tpu.memory_space<vmem>>) target(%dma_start3A_243 : memref<4096x128xf32, #tpu.memory_space<vmem_shared>>) offsets(%dma_start3A_240 : memref<128xi32, #tpu.memory_space<vmem>>) semaphore(%arg16 : memref<!tpu.dma_semaphore, #tpu.memory_space<semaphore_mem>>) {add = true}
      %mul3A_244 = arith.constant 4 : i32
      %mul3A_245 = arith.muli %scan3A_108, %mul3A_244 : i32
      %add3A_246 = arith.constant 3 : i32
      %add3A_247 = arith.addi %mul3A_245, %add3A_246 : i32
      %ge3A_248 = arith.constant 1 : i32
      %ge3A_249 = arith.cmpi sge, %add3A_247, %ge3A_248 : i32
      %add3A_250 = arith.constant 4 : i32
      %add3A_251 = arith.addi %add3A_247, %add3A_250 : i32
      %sub3A_252 = arith.constant 1 : i32
      %sub3A_253 = arith.subi %add3A_251, %sub3A_252 : i32
      %lt3A_254 = arith.constant 32 : i32
      %lt3A_255 = arith.cmpi slt, %sub3A_253, %lt3A_254 : i32
      %and3A_256 = arith.andi %ge3A_249, %lt3A_255 : i1
      %convert_element_type3A_257 = arith.extui %and3A_256 : i1 to i32
      %cond3A_258 = arith.constant 0 : i32
      %cond3A_259 = arith.cmpi ne, %convert_element_type3A_257, %cond3A_258 : i32
      scf.if %cond3A_259 {
        %sub3A_291 = arith.constant 1 : i32
        %sub3A_292 = arith.subi %add3A_247, %sub3A_291 : i32
        %dma_wait3A_293 = arith.constant 2 : i32
        %dma_wait3A_294 = arith.constant 0 : i32
        %dma_wait3A_295 = arith.constant 0 : i32
        %dma_wait3A_296 = tpu.memref_slice %arg8[%dma_wait3A_293, %dma_wait3A_294, %dma_wait3A_295] : memref<4x128x128xf32, #tpu.memory_space<vmem>> -> memref<1x128x128xf32, #tpu.memory_space<vmem>>
        %dma_wait3A_297 = tpu.memref_squeeze %dma_wait3A_296 : memref<1x128x128xf32, #tpu.memory_space<vmem>> -> memref<128x128xf32, #tpu.memory_space<vmem>>
        %dma_wait3A_298 = arith.constant 0 : i32
        %dma_wait3A_299 = tpu.memref_slice %arg7[%sub3A_292, %dma_wait3A_298] : memref<32x128xi32, #tpu.memory_space<vmem>> -> memref<1x128xi32, #tpu.memory_space<vmem>>
        %dma_wait3A_300 = tpu.memref_squeeze %dma_wait3A_299 : memref<1x128xi32, #tpu.memory_space<vmem>> -> memref<128xi32, #tpu.memory_space<vmem>>
        %dma_wait3A_301 = arith.constant 0 : i32
        %dma_wait3A_302 = arith.constant 0 : i32
        %dma_wait3A_303 = tpu.memref_slice %arg9[%dma_wait3A_301, %dma_wait3A_302] : memref<4096x128xf32, #tpu.memory_space<vmem_shared>> -> memref<4096x128xf32, #tpu.memory_space<vmem_shared>>
        tpu.wait_indirect_dma semaphore(%arg16 : memref<!tpu.dma_semaphore, #tpu.memory_space<semaphore_mem>>) src(%dma_wait3A_297 : memref<128x128xf32, #tpu.memory_space<vmem>>) dst(%dma_wait3A_303 : memref<4096x128xf32, #tpu.memory_space<vmem_shared>>)
      } else {
      }
      %add3A_260 = arith.constant 4 : i32
      %add3A_261 = arith.addi %add3A_247, %add3A_260 : i32
      %sub3A_262 = arith.constant 1 : i32
      %sub3A_263 = arith.subi %add3A_261, %sub3A_262 : i32
      %lt3A_264 = arith.constant 32 : i32
      %lt3A_265 = arith.cmpi slt, %sub3A_263, %lt3A_264 : i32
      %convert_element_type3A_266 = arith.extui %lt3A_265 : i1 to i32
      %cond3A_267 = arith.constant 0 : i32
      %cond3A_268 = arith.cmpi ne, %convert_element_type3A_266, %cond3A_267 : i32
      scf.if %cond3A_268 {
        %add3A_291 = arith.constant 4 : i32
        %add3A_292 = arith.addi %add3A_247, %add3A_291 : i32
        %sub3A_293 = arith.constant 1 : i32
        %sub3A_294 = arith.subi %add3A_292, %sub3A_293 : i32
        %dma_start3A_295 = arith.constant 2 : i32
        %dma_start3A_296 = arith.constant 0 : i32
        %dma_start3A_297 = arith.constant 0 : i32
        %dma_start3A_298 = tpu.memref_slice %arg8[%dma_start3A_295, %dma_start3A_296, %dma_start3A_297] : memref<4x128x128xf32, #tpu.memory_space<vmem>> -> memref<1x128x128xf32, #tpu.memory_space<vmem>>
        %dma_start3A_299 = tpu.memref_squeeze %dma_start3A_298 : memref<1x128x128xf32, #tpu.memory_space<vmem>> -> memref<128x128xf32, #tpu.memory_space<vmem>>
        %dma_start3A_300 = arith.constant 0 : i32
        %dma_start3A_301 = tpu.memref_slice %arg6[%sub3A_294, %dma_start3A_300] : memref<32x128xi32, #tpu.memory_space<vmem>> -> memref<1x128xi32, #tpu.memory_space<vmem>>
        %dma_start3A_302 = tpu.memref_squeeze %dma_start3A_301 : memref<1x128xi32, #tpu.memory_space<vmem>> -> memref<128xi32, #tpu.memory_space<vmem>>
        %dma_start3A_303 = arith.constant 0 : i32
        %dma_start3A_304 = arith.constant 0 : i32
        %dma_start3A_305 = tpu.memref_slice %arg2[%dma_start3A_303, %dma_start3A_304] : memref<4096x128xf32, #tpu.memory_space<hbm>> -> memref<4096x128xf32, #tpu.memory_space<hbm>>
        tpu.enqueue_indirect_dma source(%dma_start3A_305 : memref<4096x128xf32, #tpu.memory_space<hbm>>) target(%dma_start3A_299 : memref<128x128xf32, #tpu.memory_space<vmem>>) offsets(%dma_start3A_302 : memref<128xi32, #tpu.memory_space<vmem>>) semaphore(%arg12 : memref<!tpu.dma_semaphore, #tpu.memory_space<semaphore_mem>>)
      } else {
      }
      %dma_wait3A_269 = arith.constant 3 : i32
      %dma_wait3A_270 = arith.constant 0 : i32
      %dma_wait3A_271 = arith.constant 0 : i32
      %dma_wait3A_272 = tpu.memref_slice %arg8[%dma_wait3A_269, %dma_wait3A_270, %dma_wait3A_271] : memref<4x128x128xf32, #tpu.memory_space<vmem>> -> memref<1x128x128xf32, #tpu.memory_space<vmem>>
      %dma_wait3A_273 = tpu.memref_squeeze %dma_wait3A_272 : memref<1x128x128xf32, #tpu.memory_space<vmem>> -> memref<128x128xf32, #tpu.memory_space<vmem>>
      %dma_wait3A_274 = arith.constant 0 : i32
      %dma_wait3A_275 = tpu.memref_slice %arg6[%add3A_247, %dma_wait3A_274] : memref<32x128xi32, #tpu.memory_space<vmem>> -> memref<1x128xi32, #tpu.memory_space<vmem>>
      %dma_wait3A_276 = tpu.memref_squeeze %dma_wait3A_275 : memref<1x128xi32, #tpu.memory_space<vmem>> -> memref<128xi32, #tpu.memory_space<vmem>>
      %dma_wait3A_277 = arith.constant 0 : i32
      %dma_wait3A_278 = arith.constant 0 : i32
      %dma_wait3A_279 = tpu.memref_slice %arg2[%dma_wait3A_277, %dma_wait3A_278] : memref<4096x128xf32, #tpu.memory_space<hbm>> -> memref<4096x128xf32, #tpu.memory_space<hbm>>
      tpu.wait_indirect_dma semaphore(%arg13 : memref<!tpu.dma_semaphore, #tpu.memory_space<semaphore_mem>>) src(%dma_wait3A_279 : memref<4096x128xf32, #tpu.memory_space<hbm>>) dst(%dma_wait3A_273 : memref<128x128xf32, #tpu.memory_space<vmem>>)
      %dma_start3A_280 = arith.constant 3 : i32
      %dma_start3A_281 = arith.constant 0 : i32
      %dma_start3A_282 = arith.constant 0 : i32
      %dma_start3A_283 = tpu.memref_slice %arg8[%dma_start3A_280, %dma_start3A_281, %dma_start3A_282] : memref<4x128x128xf32, #tpu.memory_space<vmem>> -> memref<1x128x128xf32, #tpu.memory_space<vmem>>
      %dma_start3A_284 = tpu.memref_squeeze %dma_start3A_283 : memref<1x128x128xf32, #tpu.memory_space<vmem>> -> memref<128x128xf32, #tpu.memory_space<vmem>>
      %dma_start3A_285 = arith.constant 0 : i32
      %dma_start3A_286 = tpu.memref_slice %arg7[%add3A_247, %dma_start3A_285] : memref<32x128xi32, #tpu.memory_space<vmem>> -> memref<1x128xi32, #tpu.memory_space<vmem>>
      %dma_start3A_287 = tpu.memref_squeeze %dma_start3A_286 : memref<1x128xi32, #tpu.memory_space<vmem>> -> memref<128xi32, #tpu.memory_space<vmem>>
      %dma_start3A_288 = arith.constant 0 : i32
      %dma_start3A_289 = arith.constant 0 : i32
      %dma_start3A_290 = tpu.memref_slice %arg9[%dma_start3A_288, %dma_start3A_289] : memref<4096x128xf32, #tpu.memory_space<vmem_shared>> -> memref<4096x128xf32, #tpu.memory_space<vmem_shared>>
      tpu.enqueue_indirect_dma source(%dma_start3A_284 : memref<128x128xf32, #tpu.memory_space<vmem>>) target(%dma_start3A_290 : memref<4096x128xf32, #tpu.memory_space<vmem_shared>>) offsets(%dma_start3A_287 : memref<128xi32, #tpu.memory_space<vmem>>) semaphore(%arg17 : memref<!tpu.dma_semaphore, #tpu.memory_space<semaphore_mem>>) {add = true}
    }
    %scan3A_55 = arith.constant 8 : i32
    %dma_wait3A = arith.constant 0 : i32
    %dma_wait3A_56 = arith.constant 28 : i32
    %dma_wait3A_57 = arith.constant 0 : i32
    %dma_wait3A_58 = arith.constant 0 : i32
    %dma_wait3A_59 = tpu.memref_slice %arg8[%dma_wait3A, %dma_wait3A_57, %dma_wait3A_58] : memref<4x128x128xf32, #tpu.memory_space<vmem>> -> memref<1x128x128xf32, #tpu.memory_space<vmem>>
    %dma_wait3A_60 = tpu.memref_squeeze %dma_wait3A_59 : memref<1x128x128xf32, #tpu.memory_space<vmem>> -> memref<128x128xf32, #tpu.memory_space<vmem>>
    %dma_wait3A_61 = arith.constant 0 : i32
    %dma_wait3A_62 = tpu.memref_slice %arg7[%dma_wait3A_56, %dma_wait3A_61] : memref<32x128xi32, #tpu.memory_space<vmem>> -> memref<1x128xi32, #tpu.memory_space<vmem>>
    %dma_wait3A_63 = tpu.memref_squeeze %dma_wait3A_62 : memref<1x128xi32, #tpu.memory_space<vmem>> -> memref<128xi32, #tpu.memory_space<vmem>>
    %dma_wait3A_64 = arith.constant 0 : i32
    %dma_wait3A_65 = arith.constant 0 : i32
    %dma_wait3A_66 = tpu.memref_slice %arg9[%dma_wait3A_64, %dma_wait3A_65] : memref<4096x128xf32, #tpu.memory_space<vmem_shared>> -> memref<4096x128xf32, #tpu.memory_space<vmem_shared>>
    tpu.wait_indirect_dma semaphore(%arg14 : memref<!tpu.dma_semaphore, #tpu.memory_space<semaphore_mem>>) src(%dma_wait3A_60 : memref<128x128xf32, #tpu.memory_space<vmem>>) dst(%dma_wait3A_66 : memref<4096x128xf32, #tpu.memory_space<vmem_shared>>)
    %dma_wait3A_67 = arith.constant 1 : i32
    %dma_wait3A_68 = arith.constant 29 : i32
    %dma_wait3A_69 = arith.constant 0 : i32
    %dma_wait3A_70 = arith.constant 0 : i32
    %dma_wait3A_71 = tpu.memref_slice %arg8[%dma_wait3A_67, %dma_wait3A_69, %dma_wait3A_70] : memref<4x128x128xf32, #tpu.memory_space<vmem>> -> memref<1x128x128xf32, #tpu.memory_space<vmem>>
    %dma_wait3A_72 = tpu.memref_squeeze %dma_wait3A_71 : memref<1x128x128xf32, #tpu.memory_space<vmem>> -> memref<128x128xf32, #tpu.memory_space<vmem>>
    %dma_wait3A_73 = arith.constant 0 : i32
    %dma_wait3A_74 = tpu.memref_slice %arg7[%dma_wait3A_68, %dma_wait3A_73] : memref<32x128xi32, #tpu.memory_space<vmem>> -> memref<1x128xi32, #tpu.memory_space<vmem>>
    %dma_wait3A_75 = tpu.memref_squeeze %dma_wait3A_74 : memref<1x128xi32, #tpu.memory_space<vmem>> -> memref<128xi32, #tpu.memory_space<vmem>>
    %dma_wait3A_76 = arith.constant 0 : i32
    %dma_wait3A_77 = arith.constant 0 : i32
    %dma_wait3A_78 = tpu.memref_slice %arg9[%dma_wait3A_76, %dma_wait3A_77] : memref<4096x128xf32, #tpu.memory_space<vmem_shared>> -> memref<4096x128xf32, #tpu.memory_space<vmem_shared>>
    tpu.wait_indirect_dma semaphore(%arg15 : memref<!tpu.dma_semaphore, #tpu.memory_space<semaphore_mem>>) src(%dma_wait3A_72 : memref<128x128xf32, #tpu.memory_space<vmem>>) dst(%dma_wait3A_78 : memref<4096x128xf32, #tpu.memory_space<vmem_shared>>)
    %dma_wait3A_79 = arith.constant 2 : i32
    %dma_wait3A_80 = arith.constant 30 : i32
    %dma_wait3A_81 = arith.constant 0 : i32
    %dma_wait3A_82 = arith.constant 0 : i32
    %dma_wait3A_83 = tpu.memref_slice %arg8[%dma_wait3A_79, %dma_wait3A_81, %dma_wait3A_82] : memref<4x128x128xf32, #tpu.memory_space<vmem>> -> memref<1x128x128xf32, #tpu.memory_space<vmem>>
    %dma_wait3A_84 = tpu.memref_squeeze %dma_wait3A_83 : memref<1x128x128xf32, #tpu.memory_space<vmem>> -> memref<128x128xf32, #tpu.memory_space<vmem>>
    %dma_wait3A_85 = arith.constant 0 : i32
    %dma_wait3A_86 = tpu.memref_slice %arg7[%dma_wait3A_80, %dma_wait3A_85] : memref<32x128xi32, #tpu.memory_space<vmem>> -> memref<1x128xi32, #tpu.memory_space<vmem>>
    %dma_wait3A_87 = tpu.memref_squeeze %dma_wait3A_86 : memref<1x128xi32, #tpu.memory_space<vmem>> -> memref<128xi32, #tpu.memory_space<vmem>>
    %dma_wait3A_88 = arith.constant 0 : i32
    %dma_wait3A_89 = arith.constant 0 : i32
    %dma_wait3A_90 = tpu.memref_slice %arg9[%dma_wait3A_88, %dma_wait3A_89] : memref<4096x128xf32, #tpu.memory_space<vmem_shared>> -> memref<4096x128xf32, #tpu.memory_space<vmem_shared>>
    tpu.wait_indirect_dma semaphore(%arg16 : memref<!tpu.dma_semaphore, #tpu.memory_space<semaphore_mem>>) src(%dma_wait3A_84 : memref<128x128xf32, #tpu.memory_space<vmem>>) dst(%dma_wait3A_90 : memref<4096x128xf32, #tpu.memory_space<vmem_shared>>)
    %dma_wait3A_91 = arith.constant 3 : i32
    %dma_wait3A_92 = arith.constant 31 : i32
    %dma_wait3A_93 = arith.constant 0 : i32
    %dma_wait3A_94 = arith.constant 0 : i32
    %dma_wait3A_95 = tpu.memref_slice %arg8[%dma_wait3A_91, %dma_wait3A_93, %dma_wait3A_94] : memref<4x128x128xf32, #tpu.memory_space<vmem>> -> memref<1x128x128xf32, #tpu.memory_space<vmem>>
    %dma_wait3A_96 = tpu.memref_squeeze %dma_wait3A_95 : memref<1x128x128xf32, #tpu.memory_space<vmem>> -> memref<128x128xf32, #tpu.memory_space<vmem>>
    %dma_wait3A_97 = arith.constant 0 : i32
    %dma_wait3A_98 = tpu.memref_slice %arg7[%dma_wait3A_92, %dma_wait3A_97] : memref<32x128xi32, #tpu.memory_space<vmem>> -> memref<1x128xi32, #tpu.memory_space<vmem>>
    %dma_wait3A_99 = tpu.memref_squeeze %dma_wait3A_98 : memref<1x128xi32, #tpu.memory_space<vmem>> -> memref<128xi32, #tpu.memory_space<vmem>>
    %dma_wait3A_100 = arith.constant 0 : i32
    %dma_wait3A_101 = arith.constant 0 : i32
    %dma_wait3A_102 = tpu.memref_slice %arg9[%dma_wait3A_100, %dma_wait3A_101] : memref<4096x128xf32, #tpu.memory_space<vmem_shared>> -> memref<4096x128xf32, #tpu.memory_space<vmem_shared>>
    tpu.wait_indirect_dma semaphore(%arg17 : memref<!tpu.dma_semaphore, #tpu.memory_space<semaphore_mem>>) src(%dma_wait3A_96 : memref<128x128xf32, #tpu.memory_space<vmem>>) dst(%dma_wait3A_102 : memref<4096x128xf32, #tpu.memory_space<vmem_shared>>)
    %barrier3A_103 = arith.constant 0 : index
    tpu.barrier barrier_id(%barrier3A_103)
    %mul3A_104 = arith.constant 256 : i32
    %mul3A_105 = arith.muli %arg1, %mul3A_104 : i32
    %mul3A_106 = arith.constant 256 : i32
    %mul3A_107 = arith.muli %arg1, %mul3A_106 : i32
    "tpu.region"() ({
      %run_scoped3A_108 = tpu.sem_alloc : memref<!tpu.dma_semaphore, #tpu.memory_space<semaphore_mem>>
      %dma_start3A_109 = arith.constant 0 : i32
      %dma_start3A_110 = tpu.memref_slice %arg5[%arg0, %mul3A_107, %dma_start3A_109] : memref<2x4096x128xf32, #tpu.memory_space<hbm>> -> memref<1x256x128xf32, #tpu.memory_space<hbm>>
      %dma_start3A_111 = tpu.memref_squeeze %dma_start3A_110 : memref<1x256x128xf32, #tpu.memory_space<hbm>> -> memref<256x128xf32, #tpu.memory_space<hbm>>
      %dma_start3A_112 = arith.constant 0 : i32
      %dma_start3A_113 = tpu.memref_slice %arg9[%mul3A_105, %dma_start3A_112] : memref<4096x128xf32, #tpu.memory_space<vmem_shared>> -> memref<256x128xf32, #tpu.memory_space<vmem_shared>>
      tpu.enqueue_dma source(%dma_start3A_113 : memref<256x128xf32, #tpu.memory_space<vmem_shared>>) target(%dma_start3A_111 : memref<256x128xf32, #tpu.memory_space<hbm>>) target_semaphore(%run_scoped3A_108 : memref<!tpu.dma_semaphore, #tpu.memory_space<semaphore_mem>>)
      %dma_wait3A_114 = arith.constant 0 : i32
      %dma_wait3A_115 = tpu.memref_slice %arg5[%arg0, %mul3A_107, %dma_wait3A_114] : memref<2x4096x128xf32, #tpu.memory_space<hbm>> -> memref<1x256x128xf32, #tpu.memory_space<hbm>>
      %dma_wait3A_116 = tpu.memref_squeeze %dma_wait3A_115 : memref<1x256x128xf32, #tpu.memory_space<hbm>> -> memref<256x128xf32, #tpu.memory_space<hbm>>
      %dma_wait3A_117 = arith.constant 0 : i32
      %dma_wait3A_118 = tpu.memref_slice %arg9[%mul3A_105, %dma_wait3A_117] : memref<4096x128xf32, #tpu.memory_space<vmem_shared>> -> memref<256x128xf32, #tpu.memory_space<vmem_shared>>
      tpu.wait_dma2 semaphore(%run_scoped3A_108 : memref<!tpu.dma_semaphore, #tpu.memory_space<semaphore_mem>>) src(%dma_wait3A_118 : memref<256x128xf32, #tpu.memory_space<vmem_shared>>) dst(%dma_wait3A_116 : memref<256x128xf32, #tpu.memory_space<hbm>>)
      tpu.yield
    }) : () -> ()
    return
  }
}

module attributes {stable_mosaic.version = 14 : i64} {
  func.func @_layer_body(%arg0: memref<2x4096x128xf32, #tpu.memory_space<vmem>>, %arg1: memref<128x128xf32, #tpu.memory_space<vmem>>, %arg2: memref<1x128xf32, #tpu.memory_space<vmem>>, %arg3: memref<1x128xf32, #tpu.memory_space<vmem>>, %arg4: memref<1x128xf32, #tpu.memory_space<vmem>>, %arg5: memref<1x128xf32, #tpu.memory_space<vmem>>, %arg6: memref<1x128xf32, #tpu.memory_space<vmem>>, %arg7: memref<4096x128xf32, #tpu.memory_space<vmem>>) attributes {dimension_semantics = [], scalar_prefetch = 0 : i64, scratch_operands = 0 : i64, tpu.core_type = #tpu.core_type<tc>} {
    %get3A = arith.constant 0 : index
    %get3A_0 = arith.constant 0 : index
    %get3A_1 = arith.constant 0 : index
    %get3A_2 = vector.load %arg0[%get3A, %get3A_0, %get3A_1] : memref<2x4096x128xf32, #tpu.memory_space<vmem>>, vector<1x4096x128xf32>
    %get3A_3 = vector.shape_cast %get3A_2 : vector<1x4096x128xf32> to vector<4096x128xf32>
    %get3A_4 = arith.constant 1 : index
    %get3A_5 = arith.constant 0 : index
    %get3A_6 = arith.constant 0 : index
    %get3A_7 = vector.load %arg0[%get3A_4, %get3A_5, %get3A_6] : memref<2x4096x128xf32, #tpu.memory_space<vmem>>, vector<1x4096x128xf32>
    %get3A_8 = vector.shape_cast %get3A_7 : vector<1x4096x128xf32> to vector<4096x128xf32>
    %add3A = arith.addf %get3A_3, %get3A_8 : vector<4096x128xf32>
    %get3A_9 = arith.constant 0 : index
    %get3A_10 = arith.constant 0 : index
    %get3A_11 = vector.load %arg1[%get3A_9, %get3A_10] : memref<128x128xf32, #tpu.memory_space<vmem>>, vector<128x128xf32>
    %dot_general3A = arith.constant dense<0.000000e+00> : vector<4096x128xf32>
    %dot_general3A_12 = tpu.matmul %add3A, %get3A_11, %dot_general3A {dimension_numbers = #tpu.dot_dimension_numbers<[1], [1], [0], [0], [0, 0, 1, 0], [], []>, transpose_lhs_hint = false} : vector<4096x128xf32>, vector<128x128xf32>, vector<4096x128xf32> -> vector<4096x128xf32>
    %get3A_13 = arith.constant 0 : index
    %get3A_14 = arith.constant 0 : index
    %get3A_15 = vector.load %arg2[%get3A_13, %get3A_14] : memref<1x128xf32, #tpu.memory_space<vmem>>, vector<1x128xf32>
    %add3A_16 = vector.broadcast %get3A_15 : vector<1x128xf32> to vector<4096x128xf32>
    %add3A_17 = arith.addf %dot_general3A_12, %add3A_16 : vector<4096x128xf32>
    %get3A_18 = arith.constant 0 : index
    %get3A_19 = arith.constant 0 : index
    %get3A_20 = vector.load %arg3[%get3A_18, %get3A_19] : memref<1x128xf32, #tpu.memory_space<vmem>>, vector<1x128xf32>
    %get3A_21 = arith.constant 0 : index
    %get3A_22 = arith.constant 0 : index
    %get3A_23 = vector.load %arg4[%get3A_21, %get3A_22] : memref<1x128xf32, #tpu.memory_space<vmem>>, vector<1x128xf32>
    %reduce_sum3A = arith.constant dense<0.000000e+00> : vector<4096xf32>
    %reduce_sum3A_24 = vector.multi_reduction <add>, %add3A_17, %reduce_sum3A [1] : vector<4096x128xf32> to vector<4096xf32>
    %broadcast_in_dim3A = vector.shape_cast %reduce_sum3A_24 : vector<4096xf32> to vector<4096x1xf32>
    %div3A = arith.constant 1.280000e+02 : f32
    %div3A_25 = vector.broadcast %div3A : f32 to vector<4096x1xf32>
    %div3A_26 = arith.divf %broadcast_in_dim3A, %div3A_25 : vector<4096x1xf32>
    %sub3A = vector.broadcast %div3A_26 : vector<4096x1xf32> to vector<4096x128xf32>
    %sub3A_27 = arith.subf %add3A_17, %sub3A : vector<4096x128xf32>
    %integer_pow3A = arith.mulf %sub3A_27, %sub3A_27 : vector<4096x128xf32>
    %reduce_sum3A_28 = arith.constant dense<0.000000e+00> : vector<4096xf32>
    %reduce_sum3A_29 = vector.multi_reduction <add>, %integer_pow3A, %reduce_sum3A_28 [1] : vector<4096x128xf32> to vector<4096xf32>
    %broadcast_in_dim3A_30 = vector.shape_cast %reduce_sum3A_29 : vector<4096xf32> to vector<4096x1xf32>
    %div3A_31 = arith.constant 1.280000e+02 : f32
    %div3A_32 = vector.broadcast %div3A_31 : f32 to vector<4096x1xf32>
    %div3A_33 = arith.divf %broadcast_in_dim3A_30, %div3A_32 : vector<4096x1xf32>
    %sub3A_34 = vector.broadcast %div3A_26 : vector<4096x1xf32> to vector<4096x128xf32>
    %sub3A_35 = arith.subf %add3A_17, %sub3A_34 : vector<4096x128xf32>
    %add3A_36 = arith.constant 9.99999974E-6 : f32
    %add3A_37 = vector.broadcast %add3A_36 : f32 to vector<4096x1xf32>
    %add3A_38 = arith.addf %div3A_33, %add3A_37 : vector<4096x1xf32>
    %sqrt3A = math.sqrt %add3A_38 : vector<4096x1xf32>
    %div3A_39 = vector.broadcast %sqrt3A : vector<4096x1xf32> to vector<4096x128xf32>
    %div3A_40 = arith.divf %sub3A_35, %div3A_39 : vector<4096x128xf32>
    %mul3A = vector.broadcast %get3A_20 : vector<1x128xf32> to vector<4096x128xf32>
    %mul3A_41 = arith.mulf %div3A_40, %mul3A : vector<4096x128xf32>
    %add3A_42 = vector.broadcast %get3A_23 : vector<1x128xf32> to vector<4096x128xf32>
    %add3A_43 = arith.addf %mul3A_41, %add3A_42 : vector<4096x128xf32>
    %swap3A = arith.constant 0 : index
    %swap3A_44 = arith.constant 0 : index
    %swap3A_45 = vector.load %arg7[%swap3A, %swap3A_44] : memref<4096x128xf32, #tpu.memory_space<vmem>>, vector<4096x128xf32>
    tpu.vector_store %arg7[%swap3A, %swap3A_44], %add3A_43 {strides = array<i32>} : memref<4096x128xf32, #tpu.memory_space<vmem>>, vector<4096x128xf32>,
    return
  }
}

module attributes {stable_mosaic.version = 14 : i64} {
  func.func @_assemble_body(%arg0: memref<2048x128xf32, #tpu.memory_space<vmem>>, %arg1: memref<2048x128xf32, #tpu.memory_space<vmem>>, %arg2: memref<4096x128xf32, #tpu.memory_space<vmem>>, %arg3: memref<64x128xf32, #tpu.memory_space<vmem>>, %arg4: memref<4096x1xi32, #tpu.memory_space<vmem>>, %arg5: memref<4096x128xf32, #tpu.memory_space<vmem>>) attributes {dimension_semantics = [], scalar_prefetch = 0 : i64, scratch_operands = 0 : i64, tpu.core_type = #tpu.core_type<tc>} {
    %get3A = arith.constant 0 : index
    %get3A_0 = arith.constant 0 : index
    %get3A_1 = vector.load %arg4[%get3A, %get3A_0] : memref<4096x1xi32, #tpu.memory_space<vmem>>, vector<4096x1xi32>
    %iota3A = tpu.iota {dimensions = array<i32: 1>} : vector<4096x64xi32>
    %eq3A = vector.broadcast %get3A_1 : vector<4096x1xi32> to vector<4096x64xi32>
    %eq3A_2 = arith.cmpi eq, %eq3A, %iota3A : vector<4096x64xi32>
    %convert_element_type3A = arith.extui %eq3A_2 : vector<4096x64xi1> to vector<4096x64xi32>
    %convert_element_type3A_3 = arith.sitofp %convert_element_type3A : vector<4096x64xi32> to vector<4096x64xf32>
    %get3A_4 = arith.constant 0 : index
    %get3A_5 = arith.constant 0 : index
    %get3A_6 = vector.load %arg0[%get3A_4, %get3A_5] : memref<2048x128xf32, #tpu.memory_space<vmem>>, vector<2048x128xf32>
    %get3A_7 = arith.constant 0 : index
    %get3A_8 = arith.constant 0 : index
    %get3A_9 = vector.load %arg1[%get3A_7, %get3A_8] : memref<2048x128xf32, #tpu.memory_space<vmem>>, vector<2048x128xf32>
    %concatenate3A = tpu.concatenate %get3A_6, %get3A_9 in 0 : vector<2048x128xf32>, vector<2048x128xf32> -> vector<4096x128xf32>
    %get3A_10 = arith.constant 0 : index
    %get3A_11 = arith.constant 0 : index
    %get3A_12 = vector.load %arg2[%get3A_10, %get3A_11] : memref<4096x128xf32, #tpu.memory_space<vmem>>, vector<4096x128xf32>
    %add3A = arith.addf %concatenate3A, %get3A_12 : vector<4096x128xf32>
    %get3A_13 = arith.constant 0 : index
    %get3A_14 = arith.constant 0 : index
    %get3A_15 = vector.load %arg3[%get3A_13, %get3A_14] : memref<64x128xf32, #tpu.memory_space<vmem>>, vector<64x128xf32>
    %dot_general3A = arith.constant dense<0.000000e+00> : vector<4096x128xf32>
    %dot_general3A_16 = tpu.matmul %convert_element_type3A_3, %get3A_15, %dot_general3A {dimension_numbers = #tpu.dot_dimension_numbers<[1], [0], [0], [1], [0, 0, 1, 1], [], []>, transpose_lhs_hint = false} : vector<4096x64xf32>, vector<64x128xf32>, vector<4096x128xf32> -> vector<4096x128xf32>
    %add3A_17 = arith.addf %add3A, %dot_general3A_16 : vector<4096x128xf32>
    %swap3A = arith.constant 0 : index
    %swap3A_18 = arith.constant 0 : index
    %swap3A_19 = vector.load %arg5[%swap3A, %swap3A_18] : memref<4096x128xf32, #tpu.memory_space<vmem>>, vector<4096x128xf32>
    tpu.vector_store %arg5[%swap3A, %swap3A_18], %add3A_17 {strides = array<i32>} : memref<4096x128xf32, #tpu.memory_space<vmem>>, vector<4096x128xf32>,
    return
  }
}

module attributes {stable_mosaic.version = 14 : i64} {
  func.func @_attn_body(%arg0: i32, %arg1: memref<2x4096x128xf32, #tpu.memory_space<vmem>>, %arg2: memref<128x128xf32, #tpu.memory_space<vmem>>, %arg3: memref<1x128xf32, #tpu.memory_space<vmem>>, %arg4: memref<1x128xf32, #tpu.memory_space<vmem>>, %arg5: memref<1x128xf32, #tpu.memory_space<vmem>>, %arg6: memref<1x128xf32, #tpu.memory_space<vmem>>, %arg7: memref<1x128xf32, #tpu.memory_space<vmem>>, %arg8: memref<128x128xf32, #tpu.memory_space<vmem>>, %arg9: memref<1x128xf32, #tpu.memory_space<vmem>>, %arg10: memref<128x128xf32, #tpu.memory_space<vmem>>, %arg11: memref<1x128xf32, #tpu.memory_space<vmem>>, %arg12: memref<128x128xf32, #tpu.memory_space<vmem>>, %arg13: memref<1x128xf32, #tpu.memory_space<vmem>>, %arg14: memref<128x128xf32, #tpu.memory_space<vmem>>, %arg15: memref<1x128xf32, #tpu.memory_space<vmem>>, %arg16: memref<128x128xf32, #tpu.memory_space<vmem>>, %arg17: memref<1x128xf32, #tpu.memory_space<vmem>>, %arg18: memref<128x128xf32, #tpu.memory_space<vmem>>, %arg19: memref<1x128xf32, #tpu.memory_space<vmem>>, %arg20: memref<128x256xf32, #tpu.memory_space<vmem>>, %arg21: memref<1x128xf32, #tpu.memory_space<vmem>>, %arg22: memref<1x128xf32, #tpu.memory_space<vmem>>, %arg23: memref<1x1xf32, #tpu.memory_space<vmem>>, %arg24: memref<1024x128xf32, #tpu.memory_space<vmem>>, %arg25: memref<1024x128xf32, #tpu.memory_space<vmem>>, %arg26: memref<1024x1xf32, #tpu.memory_space<vmem>>, %arg27: memref<4096x128xf32, #tpu.memory_space<vmem>>, %arg28: memref<4096x128xbf16, #tpu.memory_space<vmem>>, %arg29: memref<4096x256xbf16, #tpu.memory_space<vmem>>) attributes {dimension_semantics = [#tpu.dimension_semantics<arbitrary>], iteration_bounds = array<i64: 4>, scalar_prefetch = 0 : i64, scratch_operands = 3 : i64, tpu.core_type = #tpu.core_type<tc>, window_params = [{pipeline_mode = #tpu.pipeline_mode<synchronous>, transform_indices = @transform_0, window_bounds = array<i64: 2, 4096, 128>}, {pipeline_mode = #tpu.pipeline_mode<synchronous>, transform_indices = @transform_1, window_bounds = array<i64: 128, 128>}, {pipeline_mode = #tpu.pipeline_mode<synchronous>, transform_indices = @transform_2, window_bounds = array<i64: 1, 128>}, {pipeline_mode = #tpu.pipeline_mode<synchronous>, transform_indices = @transform_3, window_bounds = array<i64: 1, 128>}, {pipeline_mode = #tpu.pipeline_mode<synchronous>, transform_indices = @transform_4, window_bounds = array<i64: 1, 128>}, {pipeline_mode = #tpu.pipeline_mode<synchronous>, transform_indices = @transform_5, window_bounds = array<i64: 1, 128>}, {pipeline_mode = #tpu.pipeline_mode<synchronous>, transform_indices = @transform_6, window_bounds = array<i64: 1, 128>}, {pipeline_mode = #tpu.pipeline_mode<synchronous>, transform_indices = @transform_7, window_bounds = array<i64: 128, 128>}, {pipeline_mode = #tpu.pipeline_mode<synchronous>, transform_indices = @transform_8, window_bounds = array<i64: 1, 128>}, {pipeline_mode = #tpu.pipeline_mode<synchronous>, transform_indices = @transform_9, window_bounds = array<i64: 128, 128>}, {pipeline_mode = #tpu.pipeline_mode<synchronous>, transform_indices = @transform_10, window_bounds = array<i64: 1, 128>}, {pipeline_mode = #tpu.pipeline_mode<synchronous>, transform_indices = @transform_11, window_bounds = array<i64: 128, 128>}, {pipeline_mode = #tpu.pipeline_mode<synchronous>, transform_indices = @transform_12, window_bounds = array<i64: 1, 128>}, {pipeline_mode = #tpu.pipeline_mode<synchronous>, transform_indices = @transform_13, window_bounds = array<i64: 128, 128>}, {pipeline_mode = #tpu.pipeline_mode<synchronous>, transform_indices = @transform_14, window_bounds = array<i64: 1, 128>}, {pipeline_mode = #tpu.pipeline_mode<synchronous>, transform_indices = @transform_15, window_bounds = array<i64: 128, 128>}, {pipeline_mode = #tpu.pipeline_mode<synchronous>, transform_indices = @transform_16, window_bounds = array<i64: 1, 128>}, {pipeline_mode = #tpu.pipeline_mode<synchronous>, transform_indices = @transform_17, window_bounds = array<i64: 128, 128>}, {pipeline_mode = #tpu.pipeline_mode<synchronous>, transform_indices = @transform_18, window_bounds = array<i64: 1, 128>}, {pipeline_mode = #tpu.pipeline_mode<synchronous>, transform_indices = @transform_19, window_bounds = array<i64: 128, 256>}, {pipeline_mode = #tpu.pipeline_mode<synchronous>, transform_indices = @transform_20, window_bounds = array<i64: 1, 128>}, {pipeline_mode = #tpu.pipeline_mode<synchronous>, transform_indices = @transform_21, window_bounds = array<i64: 1, 128>}, {pipeline_mode = #tpu.pipeline_mode<synchronous>, transform_indices = @transform_22, window_bounds = array<i64: 1, 1>}, {transform_indices = @transform_23, window_bounds = array<i64: 1024, 128>}, {transform_indices = @transform_24, window_bounds = array<i64: 1024, 128>}, {transform_indices = @transform_25, window_bounds = array<i64: 1024, 1>}]} {
    %eq3A = arith.constant 0 : i32
    %eq3A_0 = arith.cmpi eq, %arg0, %eq3A : i32
    %convert_element_type3A = arith.extui %eq3A_0 : i1 to i32
    %cond3A = arith.constant 0 : i32
    %cond3A_1 = arith.cmpi ne, %convert_element_type3A, %cond3A : i32
    scf.if %cond3A_1 {
      %get3A_104 = arith.constant 0 : index
      %get3A_105 = arith.constant 0 : index
      %get3A_106 = arith.constant 0 : index
      %get3A_107 = vector.load %arg1[%get3A_104, %get3A_105, %get3A_106] : memref<2x4096x128xf32, #tpu.memory_space<vmem>>, vector<1x4096x128xf32>
      %get3A_108 = vector.shape_cast %get3A_107 : vector<1x4096x128xf32> to vector<4096x128xf32>
      %get3A_109 = arith.constant 1 : index
      %get3A_110 = arith.constant 0 : index
      %get3A_111 = arith.constant 0 : index
      %get3A_112 = vector.load %arg1[%get3A_109, %get3A_110, %get3A_111] : memref<2x4096x128xf32, #tpu.memory_space<vmem>>, vector<1x4096x128xf32>
      %get3A_113 = vector.shape_cast %get3A_112 : vector<1x4096x128xf32> to vector<4096x128xf32>
      %add3A_114 = arith.addf %get3A_108, %get3A_113 : vector<4096x128xf32>
      %get3A_115 = arith.constant 0 : index
      %get3A_116 = arith.constant 0 : index
      %get3A_117 = vector.load %arg2[%get3A_115, %get3A_116] : memref<128x128xf32, #tpu.memory_space<vmem>>, vector<128x128xf32>
      %dot_general3A_118 = arith.constant dense<0.000000e+00> : vector<4096x128xf32>
      %dot_general3A_119 = tpu.matmul %add3A_114, %get3A_117, %dot_general3A_118 {dimension_numbers = #tpu.dot_dimension_numbers<[1], [1], [0], [0], [0, 0, 1, 0], [], []>, transpose_lhs_hint = false} : vector<4096x128xf32>, vector<128x128xf32>, vector<4096x128xf32> -> vector<4096x128xf32>
      %get3A_120 = arith.constant 0 : index
      %get3A_121 = arith.constant 0 : index
      %get3A_122 = vector.load %arg3[%get3A_120, %get3A_121] : memref<1x128xf32, #tpu.memory_space<vmem>>, vector<1x128xf32>
      %add3A_123 = vector.broadcast %get3A_122 : vector<1x128xf32> to vector<4096x128xf32>
      %add3A_124 = arith.addf %dot_general3A_119, %add3A_123 : vector<4096x128xf32>
      %get3A_125 = arith.constant 0 : index
      %get3A_126 = arith.constant 0 : index
      %get3A_127 = vector.load %arg4[%get3A_125, %get3A_126] : memref<1x128xf32, #tpu.memory_space<vmem>>, vector<1x128xf32>
      %get3A_128 = arith.constant 0 : index
      %get3A_129 = arith.constant 0 : index
      %get3A_130 = vector.load %arg5[%get3A_128, %get3A_129] : memref<1x128xf32, #tpu.memory_space<vmem>>, vector<1x128xf32>
      %reduce_sum3A_131 = arith.constant dense<0.000000e+00> : vector<4096xf32>
      %reduce_sum3A_132 = vector.multi_reduction <add>, %add3A_124, %reduce_sum3A_131 [1] : vector<4096x128xf32> to vector<4096xf32>
      %broadcast_in_dim3A_133 = vector.shape_cast %reduce_sum3A_132 : vector<4096xf32> to vector<4096x1xf32>
      %div3A_134 = arith.constant 1.280000e+02 : f32
      %div3A_135 = vector.broadcast %div3A_134 : f32 to vector<4096x1xf32>
      %div3A_136 = arith.divf %broadcast_in_dim3A_133, %div3A_135 : vector<4096x1xf32>
      %sub3A = vector.broadcast %div3A_136 : vector<4096x1xf32> to vector<4096x128xf32>
      %sub3A_137 = arith.subf %add3A_124, %sub3A : vector<4096x128xf32>
      %integer_pow3A = arith.mulf %sub3A_137, %sub3A_137 : vector<4096x128xf32>
      %reduce_sum3A_138 = arith.constant dense<0.000000e+00> : vector<4096xf32>
      %reduce_sum3A_139 = vector.multi_reduction <add>, %integer_pow3A, %reduce_sum3A_138 [1] : vector<4096x128xf32> to vector<4096xf32>
      %broadcast_in_dim3A_140 = vector.shape_cast %reduce_sum3A_139 : vector<4096xf32> to vector<4096x1xf32>
      %div3A_141 = arith.constant 1.280000e+02 : f32
      %div3A_142 = vector.broadcast %div3A_141 : f32 to vector<4096x1xf32>
      %div3A_143 = arith.divf %broadcast_in_dim3A_140, %div3A_142 : vector<4096x1xf32>
      %sub3A_144 = vector.broadcast %div3A_136 : vector<4096x1xf32> to vector<4096x128xf32>
      %sub3A_145 = arith.subf %add3A_124, %sub3A_144 : vector<4096x128xf32>
      %add3A_146 = arith.constant 9.99999974E-6 : f32
      %add3A_147 = vector.broadcast %add3A_146 : f32 to vector<4096x1xf32>
      %add3A_148 = arith.addf %div3A_143, %add3A_147 : vector<4096x1xf32>
      %sqrt3A_149 = math.sqrt %add3A_148 : vector<4096x1xf32>
      %div3A_150 = vector.broadcast %sqrt3A_149 : vector<4096x1xf32> to vector<4096x128xf32>
      %div3A_151 = arith.divf %sub3A_145, %div3A_150 : vector<4096x128xf32>
      %mul3A_152 = vector.broadcast %get3A_127 : vector<1x128xf32> to vector<4096x128xf32>
      %mul3A_153 = arith.mulf %div3A_151, %mul3A_152 : vector<4096x128xf32>
      %add3A_154 = vector.broadcast %get3A_130 : vector<1x128xf32> to vector<4096x128xf32>
      %add3A_155 = arith.addf %mul3A_153, %add3A_154 : vector<4096x128xf32>
      %get3A_156 = arith.constant 0 : index
      %get3A_157 = arith.constant 0 : index
      %get3A_158 = vector.load %arg6[%get3A_156, %get3A_157] : memref<1x128xf32, #tpu.memory_space<vmem>>, vector<1x128xf32>
      %get3A_159 = arith.constant 0 : index
      %get3A_160 = arith.constant 0 : index
      %get3A_161 = vector.load %arg7[%get3A_159, %get3A_160] : memref<1x128xf32, #tpu.memory_space<vmem>>, vector<1x128xf32>
      %reduce_sum3A_162 = arith.constant dense<0.000000e+00> : vector<4096xf32>
      %reduce_sum3A_163 = vector.multi_reduction <add>, %add3A_155, %reduce_sum3A_162 [1] : vector<4096x128xf32> to vector<4096xf32>
      %broadcast_in_dim3A_164 = vector.shape_cast %reduce_sum3A_163 : vector<4096xf32> to vector<4096x1xf32>
      %div3A_165 = arith.constant 1.280000e+02 : f32
      %div3A_166 = vector.broadcast %div3A_165 : f32 to vector<4096x1xf32>
      %div3A_167 = arith.divf %broadcast_in_dim3A_164, %div3A_166 : vector<4096x1xf32>
      %sub3A_168 = vector.broadcast %div3A_167 : vector<4096x1xf32> to vector<4096x128xf32>
      %sub3A_169 = arith.subf %add3A_155, %sub3A_168 : vector<4096x128xf32>
      %integer_pow3A_170 = arith.mulf %sub3A_169, %sub3A_169 : vector<4096x128xf32>
      %reduce_sum3A_171 = arith.constant dense<0.000000e+00> : vector<4096xf32>
      %reduce_sum3A_172 = vector.multi_reduction <add>, %integer_pow3A_170, %reduce_sum3A_171 [1] : vector<4096x128xf32> to vector<4096xf32>
      %broadcast_in_dim3A_173 = vector.shape_cast %reduce_sum3A_172 : vector<4096xf32> to vector<4096x1xf32>
      %div3A_174 = arith.constant 1.280000e+02 : f32
      %div3A_175 = vector.broadcast %div3A_174 : f32 to vector<4096x1xf32>
      %div3A_176 = arith.divf %broadcast_in_dim3A_173, %div3A_175 : vector<4096x1xf32>
      %sub3A_177 = vector.broadcast %div3A_167 : vector<4096x1xf32> to vector<4096x128xf32>
      %sub3A_178 = arith.subf %add3A_155, %sub3A_177 : vector<4096x128xf32>
      %add3A_179 = arith.constant 9.99999974E-6 : f32
      %add3A_180 = vector.broadcast %add3A_179 : f32 to vector<4096x1xf32>
      %add3A_181 = arith.addf %div3A_176, %add3A_180 : vector<4096x1xf32>
      %sqrt3A_182 = math.sqrt %add3A_181 : vector<4096x1xf32>
      %div3A_183 = vector.broadcast %sqrt3A_182 : vector<4096x1xf32> to vector<4096x128xf32>
      %div3A_184 = arith.divf %sub3A_178, %div3A_183 : vector<4096x128xf32>
      %mul3A_185 = vector.broadcast %get3A_158 : vector<1x128xf32> to vector<4096x128xf32>
      %mul3A_186 = arith.mulf %div3A_184, %mul3A_185 : vector<4096x128xf32>
      %add3A_187 = vector.broadcast %get3A_161 : vector<1x128xf32> to vector<4096x128xf32>
      %add3A_188 = arith.addf %mul3A_186, %add3A_187 : vector<4096x128xf32>
      %swap3A_189 = arith.constant 0 : index
      %swap3A_190 = arith.constant 0 : index
      %swap3A_191 = vector.load %arg27[%swap3A_189, %swap3A_190] : memref<4096x128xf32, #tpu.memory_space<vmem>>, vector<4096x128xf32>
      tpu.vector_store %arg27[%swap3A_189, %swap3A_190], %add3A_188 {strides = array<i32>} : memref<4096x128xf32, #tpu.memory_space<vmem>>, vector<4096x128xf32>,
      %get3A_192 = arith.constant 0 : index
      %get3A_193 = arith.constant 0 : index
      %get3A_194 = vector.load %arg10[%get3A_192, %get3A_193] : memref<128x128xf32, #tpu.memory_space<vmem>>, vector<128x128xf32>
      %dot_general3A_195 = arith.constant dense<0.000000e+00> : vector<4096x128xf32>
      %dot_general3A_196 = tpu.matmul %add3A_188, %get3A_194, %dot_general3A_195 {dimension_numbers = #tpu.dot_dimension_numbers<[1], [1], [0], [0], [0, 0, 1, 0], [], []>, transpose_lhs_hint = false} : vector<4096x128xf32>, vector<128x128xf32>, vector<4096x128xf32> -> vector<4096x128xf32>
      %get3A_197 = arith.constant 0 : index
      %get3A_198 = arith.constant 0 : index
      %get3A_199 = vector.load %arg11[%get3A_197, %get3A_198] : memref<1x128xf32, #tpu.memory_space<vmem>>, vector<1x128xf32>
      %add3A_200 = vector.broadcast %get3A_199 : vector<1x128xf32> to vector<4096x128xf32>
      %add3A_201 = arith.addf %dot_general3A_196, %add3A_200 : vector<4096x128xf32>
      %convert_element_type3A_202 = arith.truncf %add3A_201 : vector<4096x128xf32> to vector<4096x128xbf16>
      %swap3A_203 = arith.constant 0 : index
      %swap3A_204 = arith.constant 0 : index
      %swap3A_205 = vector.load %arg28[%swap3A_203, %swap3A_204] : memref<4096x128xbf16, #tpu.memory_space<vmem>>, vector<4096x128xbf16>
      tpu.vector_store %arg28[%swap3A_203, %swap3A_204], %convert_element_type3A_202 {strides = array<i32>} : memref<4096x128xbf16, #tpu.memory_space<vmem>>, vector<4096x128xbf16>,
      %get3A_206 = arith.constant 0 : index
      %get3A_207 = arith.constant 0 : index
      %get3A_208 = vector.load %arg12[%get3A_206, %get3A_207] : memref<128x128xf32, #tpu.memory_space<vmem>>, vector<128x128xf32>
      %dot_general3A_209 = arith.constant dense<0.000000e+00> : vector<4096x128xf32>
      %dot_general3A_210 = tpu.matmul %add3A_188, %get3A_208, %dot_general3A_209 {dimension_numbers = #tpu.dot_dimension_numbers<[1], [1], [0], [0], [0, 0, 1, 0], [], []>, transpose_lhs_hint = false} : vector<4096x128xf32>, vector<128x128xf32>, vector<4096x128xf32> -> vector<4096x128xf32>
      %get3A_211 = arith.constant 0 : index
      %get3A_212 = arith.constant 0 : index
      %get3A_213 = vector.load %arg13[%get3A_211, %get3A_212] : memref<1x128xf32, #tpu.memory_space<vmem>>, vector<1x128xf32>
      %add3A_214 = vector.broadcast %get3A_213 : vector<1x128xf32> to vector<4096x128xf32>
      %add3A_215 = arith.addf %dot_general3A_210, %add3A_214 : vector<4096x128xf32>
      %convert_element_type3A_216 = arith.truncf %add3A_215 : vector<4096x128xf32> to vector<4096x128xbf16>
      %swap3A_217 = arith.constant 0 : index
      %swap3A_218 = arith.constant 0 : index
      %swap3A_219 = vector.load %arg29[%swap3A_217, %swap3A_218] : memref<4096x256xbf16, #tpu.memory_space<vmem>>, vector<4096x128xbf16>
      tpu.vector_store %arg29[%swap3A_217, %swap3A_218], %convert_element_type3A_216 {strides = array<i32>} : memref<4096x256xbf16, #tpu.memory_space<vmem>>, vector<4096x128xbf16>,
      %iota3A = tpu.iota {dimensions = array<i32: 1>} : vector<4096x128xi32>
      %eq3A_220 = arith.constant 0 : i32
      %eq3A_221 = vector.broadcast %eq3A_220 : i32 to vector<4096x128xi32>
      %eq3A_222 = arith.cmpi eq, %iota3A, %eq3A_221 : vector<4096x128xi32>
      %convert_element_type3A_223 = arith.extui %eq3A_222 : vector<4096x128xi1> to vector<4096x128xi32>
      %convert_element_type3A_224 = arith.sitofp %convert_element_type3A_223 : vector<4096x128xi32> to vector<4096x128xf32>
      %convert_element_type3A_225 = arith.truncf %convert_element_type3A_224 : vector<4096x128xf32> to vector<4096x128xbf16>
      %swap3A_226 = arith.constant 0 : index
      %swap3A_227 = arith.constant 128 : index
      %swap3A_228 = vector.load %arg29[%swap3A_226, %swap3A_227] : memref<4096x256xbf16, #tpu.memory_space<vmem>>, vector<4096x128xbf16>
      tpu.vector_store %arg29[%swap3A_226, %swap3A_227], %convert_element_type3A_225 {strides = array<i32>} : memref<4096x256xbf16, #tpu.memory_space<vmem>>, vector<4096x128xbf16>,
    } else {
    }
    %mul3A = arith.constant 1024 : i32
    %mul3A_2 = arith.muli %arg0, %mul3A : i32
    %get3A = arith.index_cast %mul3A_2 : i32 to index
    %get3A_3 = arith.constant 0 : index
    %get3A_4 = vector.load %arg27[%get3A, %get3A_3] : memref<4096x128xf32, #tpu.memory_space<vmem>>, vector<1024x128xf32>
    %get3A_5 = arith.constant 0 : index
    %get3A_6 = arith.constant 0 : index
    %get3A_7 = vector.load %arg8[%get3A_5, %get3A_6] : memref<128x128xf32, #tpu.memory_space<vmem>>, vector<128x128xf32>
    %dot_general3A = arith.constant dense<0.000000e+00> : vector<1024x128xf32>
    %dot_general3A_8 = tpu.matmul %get3A_4, %get3A_7, %dot_general3A {dimension_numbers = #tpu.dot_dimension_numbers<[1], [1], [0], [0], [0, 0, 1, 0], [], []>, transpose_lhs_hint = false} : vector<1024x128xf32>, vector<128x128xf32>, vector<1024x128xf32> -> vector<1024x128xf32>
    %get3A_9 = arith.constant 0 : index
    %get3A_10 = arith.constant 0 : index
    %get3A_11 = vector.load %arg9[%get3A_9, %get3A_10] : memref<1x128xf32, #tpu.memory_space<vmem>>, vector<1x128xf32>
    %add3A = vector.broadcast %get3A_11 : vector<1x128xf32> to vector<1024x128xf32>
    %add3A_12 = arith.addf %dot_general3A_8, %add3A : vector<1024x128xf32>
    %mul3A_13 = arith.constant 0.176776692 : f32
    %mul3A_14 = vector.broadcast %mul3A_13 : f32 to vector<1024x128xf32>
    %mul3A_15 = arith.mulf %add3A_12, %mul3A_14 : vector<1024x128xf32>
    %convert_element_type3A_16 = arith.truncf %mul3A_15 : vector<1024x128xf32> to vector<1024x128xbf16>
    %get3A_17 = arith.constant 0 : index
    %get3A_18 = arith.constant 0 : index
    %get3A_19 = vector.load %arg28[%get3A_17, %get3A_18] : memref<4096x128xbf16, #tpu.memory_space<vmem>>, vector<4096x128xbf16>
    %dot_general3A_20 = arith.constant dense<0.000000e+00> : vector<1024x4096xf32>
    %dot_general3A_21 = tpu.matmul %convert_element_type3A_16, %get3A_19, %dot_general3A_20 {dimension_numbers = #tpu.dot_dimension_numbers<[1], [1], [0], [0], [0, 0, 1, 0], [], []>, transpose_lhs_hint = false} : vector<1024x128xbf16>, vector<4096x128xbf16>, vector<1024x4096xf32> -> vector<1024x4096xf32>
    %exp3A = math.exp %dot_general3A_21 : vector<1024x4096xf32>
    %convert_element_type3A_22 = arith.truncf %exp3A : vector<1024x4096xf32> to vector<1024x4096xbf16>
    %get3A_23 = arith.constant 0 : index
    %get3A_24 = arith.constant 0 : index
    %get3A_25 = vector.load %arg29[%get3A_23, %get3A_24] : memref<4096x256xbf16, #tpu.memory_space<vmem>>, vector<4096x256xbf16>
    %dot_general3A_26 = arith.constant dense<0.000000e+00> : vector<1024x256xf32>
    %dot_general3A_27 = tpu.matmul %convert_element_type3A_22, %get3A_25, %dot_general3A_26 {dimension_numbers = #tpu.dot_dimension_numbers<[1], [0], [0], [1], [0, 0, 1, 1], [], []>, transpose_lhs_hint = false} : vector<1024x4096xbf16>, vector<4096x256xbf16>, vector<1024x256xf32> -> vector<1024x256xf32>
    %slice3A = vector.extract_strided_slice %dot_general3A_27 {offsets = [0, 0], sizes = [1024, 128], strides = [1, 1]} : vector<1024x256xf32> to vector<1024x128xf32>
    %slice3A_28 = vector.extract_strided_slice %dot_general3A_27 {offsets = [0, 128], sizes = [1024, 1], strides = [1, 1]} : vector<1024x256xf32> to vector<1024x1xf32>
    %div3A = arith.constant 1.000000e+00 : f32
    %div3A_29 = vector.broadcast %div3A : f32 to vector<1024x1xf32>
    %div3A_30 = arith.divf %div3A_29, %slice3A_28 : vector<1024x1xf32>
    %mul3A_31 = vector.broadcast %div3A_30 : vector<1024x1xf32> to vector<1024x128xf32>
    %mul3A_32 = arith.mulf %slice3A, %mul3A_31 : vector<1024x128xf32>
    %get3A_33 = arith.constant 0 : index
    %get3A_34 = arith.constant 0 : index
    %get3A_35 = vector.load %arg14[%get3A_33, %get3A_34] : memref<128x128xf32, #tpu.memory_space<vmem>>, vector<128x128xf32>
    %dot_general3A_36 = arith.constant dense<0.000000e+00> : vector<1024x128xf32>
    %dot_general3A_37 = tpu.matmul %mul3A_32, %get3A_35, %dot_general3A_36 {dimension_numbers = #tpu.dot_dimension_numbers<[1], [1], [0], [0], [0, 0, 1, 0], [], []>, transpose_lhs_hint = false} : vector<1024x128xf32>, vector<128x128xf32>, vector<1024x128xf32> -> vector<1024x128xf32>
    %get3A_38 = arith.constant 0 : index
    %get3A_39 = arith.constant 0 : index
    %get3A_40 = vector.load %arg15[%get3A_38, %get3A_39] : memref<1x128xf32, #tpu.memory_space<vmem>>, vector<1x128xf32>
    %add3A_41 = vector.broadcast %get3A_40 : vector<1x128xf32> to vector<1024x128xf32>
    %add3A_42 = arith.addf %dot_general3A_37, %add3A_41 : vector<1024x128xf32>
    %get3A_43 = arith.constant 0 : index
    %get3A_44 = arith.constant 0 : index
    %get3A_45 = vector.load %arg16[%get3A_43, %get3A_44] : memref<128x128xf32, #tpu.memory_space<vmem>>, vector<128x128xf32>
    %dot_general3A_46 = arith.constant dense<0.000000e+00> : vector<1024x128xf32>
    %dot_general3A_47 = tpu.matmul %add3A_42, %get3A_45, %dot_general3A_46 {dimension_numbers = #tpu.dot_dimension_numbers<[1], [1], [0], [0], [0, 0, 1, 0], [], []>, transpose_lhs_hint = false} : vector<1024x128xf32>, vector<128x128xf32>, vector<1024x128xf32> -> vector<1024x128xf32>
    %get3A_48 = arith.constant 0 : index
    %get3A_49 = arith.constant 0 : index
    %get3A_50 = vector.load %arg17[%get3A_48, %get3A_49] : memref<1x128xf32, #tpu.memory_space<vmem>>, vector<1x128xf32>
    %add3A_51 = vector.broadcast %get3A_50 : vector<1x128xf32> to vector<1024x128xf32>
    %add3A_52 = arith.addf %dot_general3A_47, %add3A_51 : vector<1024x128xf32>
    %get3A_53 = arith.constant 0 : index
    %get3A_54 = arith.constant 0 : index
    %get3A_55 = vector.load %arg18[%get3A_53, %get3A_54] : memref<128x128xf32, #tpu.memory_space<vmem>>, vector<128x128xf32>
    %dot_general3A_56 = arith.constant dense<0.000000e+00> : vector<1024x128xf32>
    %dot_general3A_57 = tpu.matmul %add3A_42, %get3A_55, %dot_general3A_56 {dimension_numbers = #tpu.dot_dimension_numbers<[1], [1], [0], [0], [0, 0, 1, 0], [], []>, transpose_lhs_hint = false} : vector<1024x128xf32>, vector<128x128xf32>, vector<1024x128xf32> -> vector<1024x128xf32>
    %get3A_58 = arith.constant 0 : index
    %get3A_59 = arith.constant 0 : index
    %get3A_60 = vector.load %arg19[%get3A_58, %get3A_59] : memref<1x128xf32, #tpu.memory_space<vmem>>, vector<1x128xf32>
    %add3A_61 = vector.broadcast %get3A_60 : vector<1x128xf32> to vector<1024x128xf32>
    %add3A_62 = arith.addf %dot_general3A_57, %add3A_61 : vector<1024x128xf32>
    %exp3A_63 = math.exp %add3A_62 : vector<1024x128xf32>
    %add3A_64 = arith.constant 9.99999997E-7 : f32
    %add3A_65 = vector.broadcast %add3A_64 : f32 to vector<1024x128xf32>
    %add3A_66 = arith.addf %exp3A_63, %add3A_65 : vector<1024x128xf32>
    %sqrt3A = math.sqrt %add3A_66 : vector<1024x128xf32>
    %concatenate3A = tpu.concatenate %add3A_52, %sqrt3A in 1 : vector<1024x128xf32>, vector<1024x128xf32> -> vector<1024x256xf32>
    %get3A_67 = arith.constant 0 : index
    %get3A_68 = arith.constant 0 : index
    %get3A_69 = vector.load %arg20[%get3A_67, %get3A_68] : memref<128x256xf32, #tpu.memory_space<vmem>>, vector<128x256xf32>
    %dot_general3A_70 = arith.constant dense<0.000000e+00> : vector<1024x128xf32>
    %dot_general3A_71 = tpu.matmul %concatenate3A, %get3A_69, %dot_general3A_70 {dimension_numbers = #tpu.dot_dimension_numbers<[1], [1], [0], [0], [0, 0, 1, 0], [], []>, transpose_lhs_hint = false} : vector<1024x256xf32>, vector<128x256xf32>, vector<1024x128xf32> -> vector<1024x128xf32>
    %get3A_72 = arith.constant 0 : index
    %get3A_73 = arith.constant 0 : index
    %get3A_74 = vector.load %arg21[%get3A_72, %get3A_73] : memref<1x128xf32, #tpu.memory_space<vmem>>, vector<1x128xf32>
    %add3A_75 = vector.broadcast %get3A_74 : vector<1x128xf32> to vector<1024x128xf32>
    %add3A_76 = arith.addf %dot_general3A_71, %add3A_75 : vector<1024x128xf32>
    %max3A = arith.constant 0.000000e+00 : f32
    %max3A_77 = vector.broadcast %max3A : f32 to vector<1024x128xf32>
    %max3A_78 = arith.maximumf %add3A_76, %max3A_77 : vector<1024x128xf32>
    %get3A_79 = arith.constant 0 : index
    %get3A_80 = arith.constant 0 : index
    %get3A_81 = vector.load %arg22[%get3A_79, %get3A_80] : memref<1x128xf32, #tpu.memory_space<vmem>>, vector<1x128xf32>
    %mul3A_82 = vector.broadcast %get3A_81 : vector<1x128xf32> to vector<1024x128xf32>
    %mul3A_83 = arith.mulf %max3A_78, %mul3A_82 : vector<1024x128xf32>
    %reduce_sum3A = arith.constant dense<0.000000e+00> : vector<1024xf32>
    %reduce_sum3A_84 = vector.multi_reduction <add>, %mul3A_83, %reduce_sum3A [1] : vector<1024x128xf32> to vector<1024xf32>
    %broadcast_in_dim3A = vector.shape_cast %reduce_sum3A_84 : vector<1024xf32> to vector<1024x1xf32>
    %get3A_85 = arith.constant 0 : index
    %get3A_86 = arith.constant 0 : index
    %get3A_87 = vector.load %arg23[%get3A_85, %get3A_86] : memref<1x1xf32, #tpu.memory_space<vmem>>, vector<1x1xf32>
    %get3A_88 = vector.extract %get3A_87[0, 0] : f32 from vector<1x1xf32>
    %add3A_89 = vector.broadcast %get3A_88 : f32 to vector<1024x1xf32>
    %add3A_90 = arith.addf %broadcast_in_dim3A, %add3A_89 : vector<1024x1xf32>
    %logistic3A = arith.negf %add3A_90 : vector<1024x1xf32>
    %logistic3A_91 = math.exp %logistic3A : vector<1024x1xf32>
    %logistic3A_92 = arith.constant 1.000000e+00 : f32
    %logistic3A_93 = vector.broadcast %logistic3A_92 : f32 to vector<1024x1xf32>
    %logistic3A_94 = arith.addf %logistic3A_93, %logistic3A_91 : vector<1024x1xf32>
    %logistic3A_95 = arith.divf %logistic3A_93, %logistic3A_94 : vector<1024x1xf32>
    %swap3A = arith.constant 0 : index
    %swap3A_96 = arith.constant 0 : index
    %swap3A_97 = vector.load %arg24[%swap3A, %swap3A_96] : memref<1024x128xf32, #tpu.memory_space<vmem>>, vector<1024x128xf32>
    tpu.vector_store %arg24[%swap3A, %swap3A_96], %add3A_52 {strides = array<i32>} : memref<1024x128xf32, #tpu.memory_space<vmem>>, vector<1024x128xf32>,
    %swap3A_98 = arith.constant 0 : index
    %swap3A_99 = arith.constant 0 : index
    %swap3A_100 = vector.load %arg25[%swap3A_98, %swap3A_99] : memref<1024x128xf32, #tpu.memory_space<vmem>>, vector<1024x128xf32>
    tpu.vector_store %arg25[%swap3A_98, %swap3A_99], %add3A_66 {strides = array<i32>} : memref<1024x128xf32, #tpu.memory_space<vmem>>, vector<1024x128xf32>,
    %swap3A_101 = arith.constant 0 : index
    %swap3A_102 = arith.constant 0 : index
    %swap3A_103 = vector.load %arg26[%swap3A_101, %swap3A_102] : memref<1024x1xf32, #tpu.memory_space<vmem>>, vector<1024x1xf32>
    tpu.vector_store %arg26[%swap3A_101, %swap3A_102], %logistic3A_95 {strides = array<i32>} : memref<1024x1xf32, #tpu.memory_space<vmem>>, vector<1024x1xf32>,
    return
  }
  func.func @transform_0(%arg0: i32) -> (i32, i32, i32) {
    %c0_i32 = arith.constant 0 : i32
    %c0_i32_0 = arith.constant 0 : i32
    %c0_i32_1 = arith.constant 0 : i32
    %c0_i32_2 = arith.constant 0 : i32
    return %c0_i32, %c0_i32_0, %c0_i32_1 : i32, i32, i32
  }
  func.func @transform_1(%arg0: i32) -> (i32, i32) {
    %c0_i32 = arith.constant 0 : i32
    %c0_i32_0 = arith.constant 0 : i32
    %c0_i32_1 = arith.constant 0 : i32
    return %c0_i32, %c0_i32_0 : i32, i32
  }
  func.func @transform_2(%arg0: i32) -> (i32, i32) {
    %c0_i32 = arith.constant 0 : i32
    %c0_i32_0 = arith.constant 0 : i32
    %c0_i32_1 = arith.constant 0 : i32
    return %c0_i32, %c0_i32_0 : i32, i32
  }
  func.func @transform_3(%arg0: i32) -> (i32, i32) {
    %c0_i32 = arith.constant 0 : i32
    %c0_i32_0 = arith.constant 0 : i32
    %c0_i32_1 = arith.constant 0 : i32
    return %c0_i32, %c0_i32_0 : i32, i32
  }
  func.func @transform_4(%arg0: i32) -> (i32, i32) {
    %c0_i32 = arith.constant 0 : i32
    %c0_i32_0 = arith.constant 0 : i32
    %c0_i32_1 = arith.constant 0 : i32
    return %c0_i32, %c0_i32_0 : i32, i32
  }
  func.func @transform_5(%arg0: i32) -> (i32, i32) {
    %c0_i32 = arith.constant 0 : i32
    %c0_i32_0 = arith.constant 0 : i32
    %c0_i32_1 = arith.constant 0 : i32
    return %c0_i32, %c0_i32_0 : i32, i32
  }
  func.func @transform_6(%arg0: i32) -> (i32, i32) {
    %c0_i32 = arith.constant 0 : i32
    %c0_i32_0 = arith.constant 0 : i32
    %c0_i32_1 = arith.constant 0 : i32
    return %c0_i32, %c0_i32_0 : i32, i32
  }
  func.func @transform_7(%arg0: i32) -> (i32, i32) {
    %c0_i32 = arith.constant 0 : i32
    %c0_i32_0 = arith.constant 0 : i32
    %c0_i32_1 = arith.constant 0 : i32
    return %c0_i32, %c0_i32_0 : i32, i32
  }
  func.func @transform_8(%arg0: i32) -> (i32, i32) {
    %c0_i32 = arith.constant 0 : i32
    %c0_i32_0 = arith.constant 0 : i32
    %c0_i32_1 = arith.constant 0 : i32
    return %c0_i32, %c0_i32_0 : i32, i32
  }
  func.func @transform_9(%arg0: i32) -> (i32, i32) {
    %c0_i32 = arith.constant 0 : i32
    %c0_i32_0 = arith.constant 0 : i32
    %c0_i32_1 = arith.constant 0 : i32
    return %c0_i32, %c0_i32_0 : i32, i32
  }
  func.func @transform_10(%arg0: i32) -> (i32, i32) {
    %c0_i32 = arith.constant 0 : i32
    %c0_i32_0 = arith.constant 0 : i32
    %c0_i32_1 = arith.constant 0 : i32
    return %c0_i32, %c0_i32_0 : i32, i32
  }
  func.func @transform_11(%arg0: i32) -> (i32, i32) {
    %c0_i32 = arith.constant 0 : i32
    %c0_i32_0 = arith.constant 0 : i32
    %c0_i32_1 = arith.constant 0 : i32
    return %c0_i32, %c0_i32_0 : i32, i32
  }
  func.func @transform_12(%arg0: i32) -> (i32, i32) {
    %c0_i32 = arith.constant 0 : i32
    %c0_i32_0 = arith.constant 0 : i32
    %c0_i32_1 = arith.constant 0 : i32
    return %c0_i32, %c0_i32_0 : i32, i32
  }
  func.func @transform_13(%arg0: i32) -> (i32, i32) {
    %c0_i32 = arith.constant 0 : i32
    %c0_i32_0 = arith.constant 0 : i32
    %c0_i32_1 = arith.constant 0 : i32
    return %c0_i32, %c0_i32_0 : i32, i32
  }
  func.func @transform_14(%arg0: i32) -> (i32, i32) {
    %c0_i32 = arith.constant 0 : i32
    %c0_i32_0 = arith.constant 0 : i32
    %c0_i32_1 = arith.constant 0 : i32
    return %c0_i32, %c0_i32_0 : i32, i32
  }
  func.func @transform_15(%arg0: i32) -> (i32, i32) {
    %c0_i32 = arith.constant 0 : i32
    %c0_i32_0 = arith.constant 0 : i32
    %c0_i32_1 = arith.constant 0 : i32
    return %c0_i32, %c0_i32_0 : i32, i32
  }
  func.func @transform_16(%arg0: i32) -> (i32, i32) {
    %c0_i32 = arith.constant 0 : i32
    %c0_i32_0 = arith.constant 0 : i32
    %c0_i32_1 = arith.constant 0 : i32
    return %c0_i32, %c0_i32_0 : i32, i32
  }
  func.func @transform_17(%arg0: i32) -> (i32, i32) {
    %c0_i32 = arith.constant 0 : i32
    %c0_i32_0 = arith.constant 0 : i32
    %c0_i32_1 = arith.constant 0 : i32
    return %c0_i32, %c0_i32_0 : i32, i32
  }
  func.func @transform_18(%arg0: i32) -> (i32, i32) {
    %c0_i32 = arith.constant 0 : i32
    %c0_i32_0 = arith.constant 0 : i32
    %c0_i32_1 = arith.constant 0 : i32
    return %c0_i32, %c0_i32_0 : i32, i32
  }
  func.func @transform_19(%arg0: i32) -> (i32, i32) {
    %c0_i32 = arith.constant 0 : i32
    %c0_i32_0 = arith.constant 0 : i32
    %c0_i32_1 = arith.constant 0 : i32
    return %c0_i32, %c0_i32_0 : i32, i32
  }
  func.func @transform_20(%arg0: i32) -> (i32, i32) {
    %c0_i32 = arith.constant 0 : i32
    %c0_i32_0 = arith.constant 0 : i32
    %c0_i32_1 = arith.constant 0 : i32
    return %c0_i32, %c0_i32_0 : i32, i32
  }
  func.func @transform_21(%arg0: i32) -> (i32, i32) {
    %c0_i32 = arith.constant 0 : i32
    %c0_i32_0 = arith.constant 0 : i32
    %c0_i32_1 = arith.constant 0 : i32
    return %c0_i32, %c0_i32_0 : i32, i32
  }
  func.func @transform_22(%arg0: i32) -> (i32, i32) {
    %c0_i32 = arith.constant 0 : i32
    %c0_i32_0 = arith.constant 0 : i32
    %c0_i32_1 = arith.constant 0 : i32
    return %c0_i32, %c0_i32_0 : i32, i32
  }
  func.func @transform_23(%arg0: i32) -> (i32, i32) {
    %c0_i32 = arith.constant 0 : i32
    %c0_i32_0 = arith.constant 0 : i32
    return %arg0, %c0_i32 : i32, i32
  }
  func.func @transform_24(%arg0: i32) -> (i32, i32) {
    %c0_i32 = arith.constant 0 : i32
    %c0_i32_0 = arith.constant 0 : i32
    return %arg0, %c0_i32 : i32, i32
  }
  func.func @transform_25(%arg0: i32) -> (i32, i32) {
    %c0_i32 = arith.constant 0 : i32
    %c0_i32_0 = arith.constant 0 : i32
    return %arg0, %c0_i32 : i32, i32
  }
}

</mosaic_0001>

<sc_bundles>
// kernel: kernel.10.cloned.1.call-start
scs
__scs_entry_jumppad:
0x0: {  	(pc) =	sbr.rel $0x88, $3  }
0x1: {  	(tag) =	ssettag $0x0;
	lr =	simm.s32 $0x1  }
0x2: {  	[smem:$0x3F81] =	sst lr;
	_ =	strace $0xD0000000  }
0x3: {  	_ = 	snop  }
0x4: {  	_ = 	snop  }
0x5: {  	_ = 	snop  }
0x6: {  	_ = 	snop  }
0x7: {  	_ = 	snop  }
__scs_overlays_trampoline_lowered:
0x8: {  	[smem:$0x3F90] =	sst s0  }
0x9: {  	[smem:$0x3F91] =	sst s1  }
0xa: {  	[smem:$0x3F92] =	sst s2  }
0xb: {  	[smem:$0x3F93] =	sst s3  }
0xc: {  	[smem:$0x3F94] =	sst s4  }
0xd: {  	[smem:$0x3F95] =	sst s5  }
0xe: {  	[smem:$0x3F96] =	sst s6  }
0xf: {  	[smem:$0x3F97] =	sst s7  }
0x10: {  	[smem:$0x3F98] =	sst s8  }
0x11: {  	[smem:$0x3F99] =	sst s9;
	s0 =	simm.s32 @!p0 $0x0  }
0x12: {  	s1 =	sld [smem:$0x3F7F];
	s0 =	simm.s32 @p0 $0x1  }
0x13: {  	[smem:$0x3F9A] =	sst s0;
	s0 =	simm.s32 @!p1 $0x0  }
0x14: {  	s2 =	sld [smem:$0x3F7E];
	s0 =	simm.s32 @p1 $0x1  }
0x15: {  	[smem:$0x3F9B] =	sst s0;
	s0 =	simm.s32 @!p2 $0x0  }
0x16: {  	s3 =	sld [smem:$0x3FDB];
	s0 =	simm.s32 @p2 $0x1  }
0x17: {  	s4 =	simm.s32 $0x1BF5;
	[smem:$0x3F9D] =	sst s0  }
0x18: {  	s0 =	sld [smem:$0x3F80];
	_ =	swait.ge [sflag:s4], $0x0  }
0x19: {  	s7 =	sld [smem:$0x3F81]  }
0x1a: {  	s8 =	sadd.s32 $0xFFFFE003, lr  }
0x1b: {  	s9 =	sadd.s32 $0xFFFFFEF7, lr;
	s5 =	simm.s32 $0xFFFFFFFF;
	p2 =	slt.u32 s8, $0xFFFFF086  }
0x1c: {  	p1 =	slt.u32 s9, $0xF7A;
	s5 =	simm.s32 @!p2 $0x0  }
0x1d: {  	s5 =	simm.s32 @p1 $0x1;
	p0 =	seq.s32 s7, s2  }
0x1e: {  	s7 =	smul.u32 @!p0 $0xF7A, s2;
	p2 =	seq.s32 @!p0 s5, $0x0  }
0x1f: {  	s9 =	smul.u32 $0xF7A, s1;
	s8 =	simm.s32 @!p0 $0x1BF5;
	p2 =	por !p2, p0  }
0x20: {  	[sflag:s8] =	ssyncset.s32 @!p0 $0xFFFFF086;
	s6 =	sadd.s32 @!p0 s3, s7;
	s7 =	simm.s32 @!p0 $0x108  }
0x21: {  	s3 =	sadd.s32 s3, s9;
	s6 =	sadd.s32 @!p0 $0x88, s6;
	s7 =	simm.s32 @p2 $0x1082  }
0x22: {  	[simem:s7], [sflag:s8] =	dma.local @!p0 [hbm:s6], $0xF7A  }
0x23: {  	s9 =	sor.u32 $0xD0000000, s2;
	s6 =	simm.s32 $0x108;
	_ =	swait.ge @!p0 [sflag:s8], $0x0  }
0x24: {  	s3 =	sadd.s32 $0x88, s3;
	s6 =	simm.s32 @!p1 $0x1082;
	[sflag:s4] =	ssyncset.s32 $0xFFFFF086  }
0x25: {  	[simem:s6], [sflag:s4] =	dma.local [hbm:s3], $0xF7A  }
0x26: {  	[smem:$0x3F81] =	sst s1;
	(tag) =	ssettag s2;
	_ =	strace s9  }
0x27: {  	s1 =	sld [smem:$0x3F91]  }
0x28: {  	s2 =	sld [smem:$0x3F92]  }
0x29: {  	s4 =	sld [smem:$0x3F94]  }
0x2a: {  	p0 =	seq.s32 s5, $0x0;
	s5 =	sld [smem:$0x3F95]  }
0x2b: {  	s6 =	sld [smem:$0x3F96]  }
0x2c: {  	s7 =	sld [smem:$0x3F97]  }
0x2d: {  	s3 =	simm.s32 $0x108;
	s8 =	sld [smem:$0x3F98]  }
0x2e: {  	s3 =	simm.s32 @!p0 $0x1082;
	s9 =	sld [smem:$0x3F99]  }
0x2f: {  	lr =	sadd.s32 s0, s3;
	s0 =	sld [smem:$0x3F90]  }
0x30: {  	s3 =	sld [smem:$0x3F93]  }
0x31: {  	[smem:$0x3F9C] =	sst s10  }
0x32: {  	s10 =	sld [smem:$0x3F9A];
	_ =	sdelay $0x3  }
0x33: {  	p0 =	seq.s32 s10, $0x1;
	s10 =	sld [smem:$0x3F9C];
	_ =	sdelay $0x3  }
0x34: {  	[smem:$0x3F9C] =	sst s10  }
0x35: {  	s10 =	sld [smem:$0x3F9B];
	_ =	sdelay $0x3  }
0x36: {  	p1 =	seq.s32 s10, $0x1;
	s10 =	sld [smem:$0x3F9C];
	_ =	sdelay $0x3  }
0x37: {  	[smem:$0x3F9C] =	sst s10  }
0x38: {  	s10 =	sld [smem:$0x3F9D]  }
0x39: {  	_ = 	snop;
	(pc) =	sbr.ind lr, $3  }
0x3a: {  	_ = 	snop  }
0x3b: {  	_ = 	snop  }
0x3c: {  	p2 =	seq.s32 s10, $0x1;
	s10 =	sld [smem:$0x3F9C]  }
0x3d: {  	_ =	shalt  }
0x3e: {  	_ =	shalt  }
0x3f: {  	_ =	shalt  }
0x40: {  	_ =	shalt  }
0x41: {  	_ =	shalt  }
0x42: {  	_ =	shalt  }
0x43: {  	_ =	shalt  }
0x44: {  	_ =	shalt  }
0x45: {  	_ =	shalt  }
0x46: {  	_ =	shalt  }
0x47: {  	_ =	shalt  }
0x48: {  	_ =	shalt  }
0x49: {  	_ =	shalt  }
0x4a: {  	_ =	shalt  }
0x4b: {  	_ =	shalt  }
0x4c: {  	_ =	shalt  }
0x4d: {  	_ =	shalt  }
0x4e: {  	_ =	shalt  }
0x4f: {  	_ =	shalt  }
0x50: {  	_ =	shalt  }
0x51: {  	_ =	shalt  }
0x52: {  	_ =	shalt  }
0x53: {  	_ =	shalt  }
0x54: {  	_ =	shalt  }
0x55: {  	_ =	shalt  }
0x56: {  	_ =	shalt  }
0x57: {  	_ =	shalt  }
0x58: {  	_ =	shalt  }
0x59: {  	_ =	shalt  }
0x5a: {  	_ =	shalt  }
0x5b: {  	_ =	shalt  }
0x5c: {  	_ =	shalt  }
0x5d: {  	_ =	shalt  }
0x5e: {  	_ =	shalt  }
0x5f: {  	_ =	shalt  }
0x60: {  	_ =	shalt  }
0x61: {  	_ =	shalt  }
0x62: {  	_ =	shalt  }
0x63: {  	_ =	shalt  }
0x64: {  	_ =	shalt  }
0x65: {  	_ =	shalt  }
0x66: {  	_ =	shalt  }
0x67: {  	_ =	shalt  }
0x68: {  	_ =	shalt  }
0x69: {  	_ =	shalt  }
0x6a: {  	_ =	shalt  }
0x6b: {  	_ =	shalt  }
0x6c: {  	_ =	shalt  }
0x6d: {  	_ =	shalt  }
0x6e: {  	_ =	shalt  }
0x6f: {  	_ =	shalt  }
0x70: {  	_ =	shalt  }
0x71: {  	_ =	shalt  }
0x72: {  	_ =	shalt  }
0x73: {  	_ =	shalt  }
0x74: {  	_ =	shalt  }
0x75: {  	_ =	shalt  }
0x76: {  	_ =	shalt  }
0x77: {  	_ =	shalt  }
0x78: {  	_ =	shalt  }
0x79: {  	_ =	shalt  }
0x7a: {  	_ =	shalt  }
0x7b: {  	_ =	shalt  }
0x7c: {  	_ =	shalt  }
0x7d: {  	_ =	shalt  }
0x7e: {  	_ =	shalt  }
0x7f: {  	_ =	shalt  }
0x80: {  	_ =	shalt  }
0x81: {  	_ =	shalt  }
0x82: {  	_ =	shalt  }
0x83: {  	_ =	shalt  }
0x84: {  	_ =	shalt  }
0x85: {  	_ =	shalt  }
0x86: {  	_ =	shalt  }
0x87: {  	_ =	shalt  }
.Lfunc_end0:
.L_simem_size_0:
called_computation.1_lowered:
.L_overlay_start_0:
0x88: {  	s2 =	sld [smem:$0x3FD9]  }
0x89: {  	s3 =	sld [smem:$0x3FFE];
	_ =	sdelay $0x1  }
0x8a: {  	s1 =	srdreg.scid  }
0x8b: {  	s0 =	sand.u32 $0x1, s1  }
0x8c: {  	s14 =	sshll.u32 s0, $0xA;
	s2 =	sadd.s32 s3, s2  }
0x8d: {  	s2 =	sadd.s32 s2, s14  }
0x8e: {  	[smem:$0x3FA8] =	sst s2  }
0x8f: {  	_ = 	snop  }
0x90: {  	s2 =	sld [smem:$0x3FD0];
	_ =	sdelay $0x2  }
0x91: {  	s15 =	simm.s32 $0xA;
	s4 =	simm.s32 $0x10  }
0x92: {  	[smem:s4], [sflag:s15] =	dma.local [hbm:s2], $0x1  }
0x93: {  	_ =	swait.eq [sflag:s15], $0x1  }
0x94: {  	s16 =	sld [smem:$0x11];
	[sflag:s15] =	ssyncset.done $0x0  }
0x95: {  	s17 =	sld [smem:$0x12];
	[sflag:s15] =	ssyncadd.s32 $0xFFFFFFFF  }
0x96: {  	s18 =	sld [smem:$0x13];
	(tm) =	ssettm $0x1  }
0x97: {  	s5 =	sld [smem:$0x3FFB];
	_ =	sdelay $0x3  }
0x98: {  	_ =	strace s5  }
0x99: {  	s5 =	sld [smem:$0x3FFC];
	_ =	sdelay $0x3  }
0x9a: {  	_ =	strace s5  }
0x9b: {  	s5 =	sld [smem:$0x3FFD];
	_ =	sdelay $0x3  }
0x9c: {  	_ =	strace s5  }
0x9d: {  	_ =	strace $0x8FFFFFFF  }
0x9e: {  	s19 =	sld [smem:$0x3FDB];
	_ =	sdelay $0x1  }
0x9f: {  	s6 =	simm.s32 $_scs_section_size  }
0xa0: {  	s7 =	simm.s32 $_size__tile_overlayer_lowered;
	s8 =	simm.s32 $_tile_overlayer_lowered  }
0xa1: {  	s22 =	simm.s32 $0x1BFF;
	s21 =	sshll.u32 s8, $0x1;
	s5 =	sadd.s32 s6, s19  }
0xa2: {  	s9 =	simm.s32 $0x0;
	s20 =	sshll.u32 s7, $0x1;
	s7 =	sadd.s32 s21, s5  }
0xa3: {  	[timem:s9], [sflag:s22] =	dma.local [hbm:s7], s20  }
0xa4: {  	_ =	swait.ge [sflag:s22], s20  }
0xa5: {  	s6 =	ssub.s32 $0x0, s20;
	[sflag:s22] =	ssyncset.done $0x0  }
0xa6: {  	[sflag:s22] =	ssyncadd.s32 s6;
	_ =	sdelay $0x1  }
0xa7: {  	s23 =	simm.s32 $0x1B8B  }
0xa8: {  	_ =	swait.ge [sflag:s23], $0x1  }
0xa9: {  	[sflag:s23] =	ssyncset.done $0x0  }
0xaa: {  	s25 =	simm.s32 $0x1B8E;
	s24 =	sld [smem:$0x3FFE];
	[sflag:s23] =	ssyncadd.s32 $0xFFFFFFFF  }
0xab: {  	s26 =	simm.s32 $execute0_lowered;
	[smem:$0x3FD2] =	sst s25  }
0xac: {  	s7 =	sshll.u32 s26, $0x1;
	_ =	strace $0x80000049;
	[dreg:$0x1] =	wrdreg $0xFFFFFFFF  }
0xad: {  	s28 =	simm.s32 $_size_execute0_lowered;
	s5 =	sadd.s32 s5, s7;
	[dreg:$0x0] =	wrdreg $0x0  }
0xae: {  	s7 =	sshll.u32 s28, $0x1;
	[dreg:$0x2] =	wrdreg s5  }
0xaf: {  	[dreg:$0x3] =	wrdreg s7  }
0xb0: {  	[dreg:$0x4] =	wrdreg $0xC0  }
0xb1: {  	_ =	task [dreg:s9], $0x5FFFF  }
0xb2: {  	[dreg:$0x1] =	wrdreg $0xFFFFFFFF  }
0xb3: {  	[dreg:$0x0] =	wrdreg $0x60  }
0xb4: {  	[dreg:$0x2] =	wrdreg s18  }
0xb5: {  	[dreg:$0x3] =	wrdreg s17  }
0xb6: {  	[dreg:$0x4] =	wrdreg s16  }
0xb7: {  	[dreg:$0x5] =	wrdreg s24  }
0xb8: {  	[dreg:$0x6] =	wrdreg $0x120000  }
0xb9: {  	[dreg:$0x7] =	wrdreg $0x9  }
0xba: {  	_ =	task.clear_ibuf [dreg:s9], $0x8FFFF;
	_ =	strace $0x90000049  }
0xbb: {  	s29 =	simm.s32 $0x9;
	_ =	strace $0x8000004B  }
0xbc: {  	_ =	swait.ge [sflag:s29], $0x1  }
0xbd: {  	[sflag:s29] =	ssyncadd.s32 $0xFFFFFFFF  }
0xbe: {  	_ =	strace $0x9000004B  }
0xbf: {  	_ =	sfence  }
0xc0: {  	s30 =	sld [smem:$0x0];
	_ =	sdelay $0x2  }
0xc1: {  	s31 =	sshll.u32 s1, $0xD;
	s1 =	sshrl.u32 s1, $0x2  }
0xc2: {  	s3 =	sand.u32 $0x4000, s31;
	s1 =	sadd.s32 s1, s30  }
0xc3: {  	s0 =	sor.u32 s3, s0;
	s1 =	sshll.u32 s1, $0x11  }
0xc4: {  	s0 =	sor.u32 s1, s0  }
0xc5: {  	s0 =	sadd.s32 $0x8F2B, s0  }
0xc6: {  	[sflag:s0] =	ssyncadd.remote.s32 $0x1  }
0xc7: {  	_ =	sfence.sel $0xFFFF  }
0xc8: {  	[dreg:$0x0] =	wrdreg $0xFFFFFFFF;
	(pc) =	sbr.abs _section_cstart, $3  }
0xc9: {  	[dreg:$0x1] =	wrdreg $0xFFFFFFFF  }
0xca: {  	_ =	task.clear_ibuf [dreg:s9], $0x2FFFF;
	_ =	strace $0x9FFFFFFF  }
0xcb: {  	(tm) =	ssettm $0x7FFFFFFF  }
tec
execute0_lowered:
.L_overlay_start_1:
0x0: {  	(tag) =	ssettag $0x1  }
0x1: {  	s1 =	rddreg [dreg:$0x0]  }
0x2: {  	s0 =	rddreg [dreg:$0x1]  }
0x3: {  	s2 =	rddreg [dreg:$0x2]  }
0x4: {  	s5 =	rddreg [dreg:$0x3]  }
0x5: {  	s3 =	rddreg [dreg:$0x4]  }
0x6: {  	s6 =	srdreg.scid;
	s4 =	simm.s32 $0x0;
	s9 =	stileid.u32  }
0x7: {  	s12 =	simm.s32 $0x1000;
	s13 =	simm.s32 $0x2000;
	s14 =	simm.s32 $0x80  }
0x8: {  	s15 =	simm.s32 $0x6000;
	s17 =	simm.s32 $0xA000;
	s19 =	simm.s32 $0xE000  }
0x9: {  	s20 =	simm.s32 $0x1;
	s21 =	simm.s32 $0x5;
	s28 =	simm.s32 $0x3  }
0xa: {  	s30 =	simm.s32 $0x7;
	s18 =	simm.s32 $0x8;
	s29 =	simm.s32 $0x1F80  }
0xb: {  	s31 =	simm.s32 $0x0;
	s6 =	sand.u32 $0x1, s6;
	[smem:$0x7FF] =	sst s4  }
0xc: {  	s7 =	sshll.u32 s9, $0xC;
	s25 =	sshll.u32 s9, $0x9;
	s9 =	sshll.u32 s9, $0xF  }
0xd: {  	s8 =	ssub.s32 $0x2, s6;
	_ =	strace $0x8000004A;
	s7 =	sadd.s32 s7, s5  }
0xe: {  	s24 =	sshll.u32 s6, $0xD;
	s11 =	sshll.u32 s6, $0x10;
	s6 =	sadd.s32 s9, s3  }
0xf: {  	s23 =	sshrl.u32 s8, $0x1;
	s26 =	sadd.s32 s11, s7;
	s11 =	simm.s32 $0x9  }
0x10: {  	s10 =	ssub.s32 s8, s23;
	s8 =	sor.u32 s25, s24;
	s9 =	sadd.s32 $0x5400, s26  }
0x11: {  	s23 =	simm.s32 $0x2;
	s25 =	simm.s32 $0x6;
	s24 =	simm.s32 $0x1E80  }
0x12: {  	s26 =	simm.s32 $0x1F00;
	s5 =	sadd.s32 s0, s8;
	s7 =	sadd.s32 s2, s8  }
0x13: {  	v0 =	vimm.f32 $0.0e+00;
	s8 =	sadd.s32 $0x4000, s6;
	s10 =	smax.u32 s10, $0x1;
	s0 =	simm.s32 $0x4  }
.LBB2_1:
0x14: {  	[tilespmem:s4], [sflag:$0x9] =	stream.linear.gather [hbm4b:s5+s4], $0x1000, $0x38;
	[tilespmem:$0x1A000] =	vst v63  }
0x15: {  	_ =	swait.ge [sflag:s11], $0x1000  }
0x16: {  	[sflag:s11] =	ssyncset.done $0x0  }
0x17: {  	[sflag:s11] =	ssyncadd.s32 $0xFFFFF000  }
0x18: {  	[tilespmem:s12], [sflag:$0x9] =	stream.linear.gather [hbm4b:s7+s4], $0x1000, $0x38;
	[tilespmem:$0x1A000] =	vst v63  }
0x19: {  	_ =	swait.ge [sflag:s11], $0x1000  }
0x1a: {  	[sflag:s11] =	ssyncset.done $0x0  }
0x1b: {  	s2 =	simm.s32 $0x0;
	s16 =	simm.s32 $0x200;
	[sflag:s11] =	ssyncadd.s32 $0xFFFFF000  }
.LBB2_2:
0x1c: {  	p0 =	sne.s32 s16, $0xFE00;
	[tilespmem:s2+$0x2070] =	vst v0  }
0x1d: {  	[tilespmem:s2+$0x2000] =	vst v0  }
0x1e: {  	[tilespmem:s2+$0x2010] =	vst v0  }
.Ltmp0:
0x1f: {  	[tilespmem:s2+$0x2020] =	vst v0;
	(pc) =	sbr.rel @p0 .LBB2_2-.Ltmp0, $4  }
0x20: {  	[tilespmem:s2+$0x2030] =	vst v0  }
0x21: {  	[tilespmem:s2+$0x2040] =	vst v0  }
0x22: {  	[tilespmem:s2+$0x2050] =	vst v0  }
0x23: {  	[tilespmem:s2+$0x2060] =	vst v0;
	s2 =	sshra.s32 s16, $0x2;
	s16 =	sadd.s32 $0x200, s16  }
0x24: {  	[tilespmem:s2+$0x2070] =	vst v0  }
0x25: {  	[tilespmem:s2+$0x2000] =	vst v0  }
0x26: {  	[tilespmem:s2+$0x2010] =	vst v0  }
0x27: {  	[tilespmem:s2+$0x2020] =	vst v0  }
0x28: {  	[tilespmem:s2+$0x2030] =	vst v0  }
0x29: {  	[tilespmem:s2+$0x2040] =	vst v0  }
0x2a: {  	[tilespmem:s2+$0x2050] =	vst v0  }
0x2b: {  	[tilespmem:s2+$0x2060] =	vst v0  }
0x2c: {  	[spmem:s6] =	stream.linear.scatter [tilespmem:s13], [sflag:$0x9], $0x4000, $0x38;
	[tilespmem:$0x1A000] =	vst v63  }
0x2d: {  	_ =	swait.ge [sflag:s11], $0x4000  }
0x2e: {  	[sflag:s11] =	ssyncset.done $0x0  }
0x2f: {  	[sflag:s11] =	ssyncadd.s32 $0xFFFFC000  }
0x30: {  	[spmem:s8] =	stream.linear.scatter [tilespmem:s13], [sflag:$0x9], $0x4000, $0x38;
	[tilespmem:$0x1A000] =	vst v63  }
0x31: {  	_ =	swait.ge [sflag:s11], $0x4000  }
0x32: {  	[sflag:s11] =	ssyncset.done $0x0  }
0x33: {  	[sflag:s11] =	ssyncadd.s32 $0xFFFFC000  }
0x34: {  	s16 =	simm.s32 $0x0;
	[bflag:$0x0] =	sbarrier.arrive $0xFFFF  }
0x35: {  	[tilespmem:s13], [sflag:$0x1] =	stream.indirect.gather [hbm4b:s1+s14], $0x80, s16, s14, $0xb8;
	[tilespmem:$0x1A000] =	vst v63  }
0x36: {  	_ = 	snop  }
0x37: {  	[tilespmem:s15], [sflag:$0x2] =	stream.indirect.gather [hbm4b:s1+s14], $0x80, s14, s14, $0xb8;
	[tilespmem:$0x1A000] =	vst v63  }
0x38: {  	s22 =	simm.s32 $0x100  }
0x39: {  	[tilespmem:s17], [sflag:$0x3] =	stream.indirect.gather [hbm4b:s1+s14], $0x80, s22, s14, $0xb8;
	[tilespmem:$0x1A000] =	vst v63  }
0x3a: {  	s16 =	simm.s32 $0x180  }
0x3b: {  	[tilespmem:s19], [sflag:$0x4] =	stream.indirect.gather [hbm4b:s1+s14], $0x80, s16, s14, $0xb8;
	[tilespmem:$0x1A000] =	vst v63  }
0x3c: {  	_ =	swait.ge [sflag:s20], $0x4000  }
0x3d: {  	[sflag:s20] =	ssyncset.done $0x0  }
0x3e: {  	[sflag:s20] =	ssyncadd.s32 $0xFFFFC000  }
0x3f: {  	[spmem:s3] =	stream.indirect.scatter.add.f32 [tilespmem:s13], [sflag:$0x5], $0x80, s12, s14, $0xb8;
	[tilespmem:$0x1A000] =	vst v63  }
0x40: {  	_ =	swait.ge [sflag:s21], $0x4000  }
0x41: {  	[sflag:s21] =	ssyncset.done $0x0  }
0x42: {  	s22 =	simm.s32 $0x200;
	[sflag:s21] =	ssyncadd.s32 $0xFFFFC000  }
0x43: {  	[tilespmem:s13], [sflag:$0x1] =	stream.indirect.gather [hbm4b:s1+s14], $0x80, s22, s14, $0xb8;
	[tilespmem:$0x1A000] =	vst v63  }
0x44: {  	_ =	swait.ge [sflag:s23], $0x4000  }
0x45: {  	[sflag:s23] =	ssyncset.done $0x0  }
0x46: {  	s16 =	simm.s32 $0x1080;
	[sflag:s23] =	ssyncadd.s32 $0xFFFFC000  }
0x47: {  	[spmem:s3] =	stream.indirect.scatter.add.f32 [tilespmem:s15], [sflag:$0x6], $0x80, s16, s14, $0xb8;
	[tilespmem:$0x1A000] =	vst v63  }
0x48: {  	_ =	swait.ge [sflag:s25], $0x4000  }
0x49: {  	[sflag:s25] =	ssyncset.done $0x0  }
0x4a: {  	s22 =	simm.s32 $0x280;
	[sflag:s25] =	ssyncadd.s32 $0xFFFFC000  }
0x4b: {  	[tilespmem:s15], [sflag:$0x2] =	stream.indirect.gather [hbm4b:s1+s14], $0x80, s22, s14, $0xb8;
	[tilespmem:$0x1A000] =	vst v63  }
0x4c: {  	_ =	swait.ge [sflag:s28], $0x4000  }
0x4d: {  	[sflag:s28] =	ssyncset.done $0x0  }
0x4e: {  	s16 =	simm.s32 $0x1100;
	[sflag:s28] =	ssyncadd.s32 $0xFFFFC000  }
0x4f: {  	[spmem:s3] =	stream.indirect.scatter.add.f32 [tilespmem:s17], [sflag:$0x7], $0x80, s16, s14, $0xb8;
	[tilespmem:$0x1A000] =	vst v63  }
0x50: {  	_ =	swait.ge [sflag:s30], $0x4000  }
0x51: {  	[sflag:s30] =	ssyncset.done $0x0  }
0x52: {  	s22 =	simm.s32 $0x300;
	[sflag:s30] =	ssyncadd.s32 $0xFFFFC000  }
0x53: {  	[tilespmem:s17], [sflag:$0x3] =	stream.indirect.gather [hbm4b:s1+s14], $0x80, s22, s14, $0xb8;
	[tilespmem:$0x1A000] =	vst v63  }
0x54: {  	_ =	swait.ge [sflag:s0], $0x4000  }
0x55: {  	[sflag:s0] =	ssyncset.done $0x0  }
0x56: {  	s16 =	simm.s32 $0x1180;
	[sflag:s0] =	ssyncadd.s32 $0xFFFFC000  }
0x57: {  	[spmem:s3] =	stream.indirect.scatter.add.f32 [tilespmem:s19], [sflag:$0x8], $0x80, s16, s14, $0xb8;
	[tilespmem:$0x1A000] =	vst v63  }
0x58: {  	_ =	swait.ge [sflag:s18], $0x4000  }
0x59: {  	[sflag:s18] =	ssyncset.done $0x0  }
0x5a: {  	s22 =	simm.s32 $0x380;
	[sflag:s18] =	ssyncadd.s32 $0xFFFFC000  }
0x5b: {  	[tilespmem:s19], [sflag:$0x4] =	stream.indirect.gather [hbm4b:s1+s14], $0x80, s22, s14, $0xb8;
	[tilespmem:$0x1A000] =	vst v63  }
0x5c: {  	_ =	swait.ge [sflag:s20], $0x4000  }
0x5d: {  	[sflag:s20] =	ssyncset.done $0x0  }
0x5e: {  	s16 =	simm.s32 $0x1200;
	[sflag:s20] =	ssyncadd.s32 $0xFFFFC000  }
0x5f: {  	[spmem:s3] =	stream.indirect.scatter.add.f32 [tilespmem:s13], [sflag:$0x5], $0x80, s16, s14, $0xb8;
	[tilespmem:$0x1A000] =	vst v63  }
0x60: {  	_ =	swait.ge [sflag:s21], $0x4000  }
0x61: {  	[sflag:s21] =	ssyncset.done $0x0  }
0x62: {  	s22 =	simm.s32 $0x400;
	[sflag:s21] =	ssyncadd.s32 $0xFFFFC000  }
0x63: {  	[tilespmem:s13], [sflag:$0x1] =	stream.indirect.gather [hbm4b:s1+s14], $0x80, s22, s14, $0xb8;
	[tilespmem:$0x1A000] =	vst v63  }
0x64: {  	_ =	swait.ge [sflag:s23], $0x4000  }
0x65: {  	[sflag:s23] =	ssyncset.done $0x0  }
0x66: {  	s16 =	simm.s32 $0x1280;
	[sflag:s23] =	ssyncadd.s32 $0xFFFFC000  }
0x67: {  	[spmem:s3] =	stream.indirect.scatter.add.f32 [tilespmem:s15], [sflag:$0x6], $0x80, s16, s14, $0xb8;
	[tilespmem:$0x1A000] =	vst v63  }
0x68: {  	_ =	swait.ge [sflag:s25], $0x4000  }
0x69: {  	[sflag:s25] =	ssyncset.done $0x0  }
0x6a: {  	s22 =	simm.s32 $0x480;
	[sflag:s25] =	ssyncadd.s32 $0xFFFFC000  }
0x6b: {  	[tilespmem:s15], [sflag:$0x2] =	stream.indirect.gather [hbm4b:s1+s14], $0x80, s22, s14, $0xb8;
	[tilespmem:$0x1A000] =	vst v63  }
0x6c: {  	_ =	swait.ge [sflag:s28], $0x4000  }
0x6d: {  	[sflag:s28] =	ssyncset.done $0x0  }
0x6e: {  	s16 =	simm.s32 $0x1300;
	[sflag:s28] =	ssyncadd.s32 $0xFFFFC000  }
0x6f: {  	[spmem:s3] =	stream.indirect.scatter.add.f32 [tilespmem:s17], [sflag:$0x7], $0x80, s16, s14, $0xb8;
	[tilespmem:$0x1A000] =	vst v63  }
0x70: {  	_ =	swait.ge [sflag:s30], $0x4000  }
0x71: {  	[sflag:s30] =	ssyncset.done $0x0  }
0x72: {  	s22 =	simm.s32 $0x500;
	[sflag:s30] =	ssyncadd.s32 $0xFFFFC000  }
0x73: {  	[tilespmem:s17], [sflag:$0x3] =	stream.indirect.gather [hbm4b:s1+s14], $0x80, s22, s14, $0xb8;
	[tilespmem:$0x1A000] =	vst v63  }
0x74: {  	_ =	swait.ge [sflag:s0], $0x4000  }
0x75: {  	[sflag:s0] =	ssyncset.done $0x0  }
0x76: {  	s2 =	simm.s32 $0x1380;
	s16 =	simm.s32 $0x800;
	[sflag:s0] =	ssyncadd.s32 $0xFFFFC000  }
.LBB2_4:
0x77: {  	[spmem:s3] =	stream.indirect.scatter.add.f32 [tilespmem:s19], [sflag:$0x8], $0x80, s2, s14, $0xb8;
	[tilespmem:$0x1A000] =	vst v63  }
0x78: {  	s2 =	smov.u32 s16  }
0x79: {  	p0 =	sne.s32 s16, $0x2800;
	s16 =	sadd.s32 $0x800, s16;
	_ =	swait.ge [sflag:s18], $0x4000  }
0x7a: {  	s2 =	sshra.s32 s2, $0x2;
	[sflag:s18] =	ssyncset.done $0x0  }
0x7b: {  	s22 =	sadd.s32 $0x380, s2;
	[sflag:s18] =	ssyncadd.s32 $0xFFFFC000  }
0x7c: {  	[tilespmem:s19], [sflag:$0x4] =	stream.indirect.gather [hbm4b:s1+s14], $0x80, s22, s14, $0xb8;
	[tilespmem:$0x1A000] =	vst v63  }
0x7d: {  	_ =	swait.ge [sflag:s20], $0x4000  }
0x7e: {  	[sflag:s20] =	ssyncset.done $0x0  }
0x7f: {  	s22 =	sadd.s32 $0x1200, s2;
	[sflag:s20] =	ssyncadd.s32 $0xFFFFC000  }
0x80: {  	[spmem:s3] =	stream.indirect.scatter.add.f32 [tilespmem:s13], [sflag:$0x5], $0x80, s22, s14, $0xb8;
	[tilespmem:$0x1A000] =	vst v63  }
0x81: {  	_ =	swait.ge [sflag:s21], $0x4000  }
0x82: {  	[sflag:s21] =	ssyncset.done $0x0  }
0x83: {  	s22 =	sadd.s32 $0x400, s2;
	[sflag:s21] =	ssyncadd.s32 $0xFFFFC000  }
0x84: {  	[tilespmem:s13], [sflag:$0x1] =	stream.indirect.gather [hbm4b:s1+s14], $0x80, s22, s14, $0xb8;
	[tilespmem:$0x1A000] =	vst v63  }
0x85: {  	_ =	swait.ge [sflag:s23], $0x4000  }
0x86: {  	[sflag:s23] =	ssyncset.done $0x0  }
0x87: {  	s22 =	sadd.s32 $0x1280, s2;
	[sflag:s23] =	ssyncadd.s32 $0xFFFFC000  }
0x88: {  	[spmem:s3] =	stream.indirect.scatter.add.f32 [tilespmem:s15], [sflag:$0x6], $0x80, s22, s14, $0xb8;
	[tilespmem:$0x1A000] =	vst v63  }
0x89: {  	_ =	swait.ge [sflag:s25], $0x4000  }
0x8a: {  	[sflag:s25] =	ssyncset.done $0x0  }
0x8b: {  	s22 =	sadd.s32 $0x480, s2;
	[sflag:s25] =	ssyncadd.s32 $0xFFFFC000  }
0x8c: {  	[tilespmem:s15], [sflag:$0x2] =	stream.indirect.gather [hbm4b:s1+s14], $0x80, s22, s14, $0xb8;
	[tilespmem:$0x1A000] =	vst v63  }
0x8d: {  	_ =	swait.ge [sflag:s28], $0x4000  }
0x8e: {  	[sflag:s28] =	ssyncset.done $0x0  }
0x8f: {  	s22 =	sadd.s32 $0x1300, s2;
	[sflag:s28] =	ssyncadd.s32 $0xFFFFC000  }
0x90: {  	[spmem:s3] =	stream.indirect.scatter.add.f32 [tilespmem:s17], [sflag:$0x7], $0x80, s22, s14, $0xb8;
	[tilespmem:$0x1A000] =	vst v63  }
0x91: {  	_ =	swait.ge [sflag:s30], $0x4000  }
0x92: {  	[sflag:s30] =	ssyncset.done $0x0  }
.Ltmp1:
0x93: {  	s22 =	sadd.s32 $0x500, s2;
	[sflag:s30] =	ssyncadd.s32 $0xFFFFC000;
	(pc) =	sbr.rel @p0 .LBB2_4-.Ltmp1, $4  }
0x94: {  	[tilespmem:s17], [sflag:$0x3] =	stream.indirect.gather [hbm4b:s1+s14], $0x80, s22, s14, $0xb8;
	[tilespmem:$0x1A000] =	vst v63  }
0x95: {  	_ =	swait.ge [sflag:s0], $0x4000  }
0x96: {  	[sflag:s0] =	ssyncset.done $0x0  }
0x97: {  	s2 =	sadd.s32 $0x1380, s2;
	[sflag:s0] =	ssyncadd.s32 $0xFFFFC000  }
0x98: {  	[spmem:s3] =	stream.indirect.scatter.add.f32 [tilespmem:s19], [sflag:$0x8], $0x80, s2, s14, $0xb8;
	[tilespmem:$0x1A000] =	vst v63  }
0x99: {  	_ =	swait.ge [sflag:s18], $0x4000  }
0x9a: {  	[sflag:s18] =	ssyncset.done $0x0  }
0x9b: {  	s22 =	simm.s32 $0xF80;
	[sflag:s18] =	ssyncadd.s32 $0xFFFFC000  }
0x9c: {  	[tilespmem:s19], [sflag:$0x4] =	stream.indirect.gather [hbm4b:s1+s14], $0x80, s22, s14, $0xb8;
	[tilespmem:$0x1A000] =	vst v63  }
0x9d: {  	_ =	swait.ge [sflag:s20], $0x4000  }
0x9e: {  	[sflag:s20] =	ssyncset.done $0x0  }
0x9f: {  	s16 =	simm.s32 $0x1E00;
	[sflag:s20] =	ssyncadd.s32 $0xFFFFC000  }
0xa0: {  	[spmem:s3] =	stream.indirect.scatter.add.f32 [tilespmem:s13], [sflag:$0x5], $0x80, s16, s14, $0xb8;
	[tilespmem:$0x1A000] =	vst v63  }
0xa1: {  	_ =	swait.ge [sflag:s23], $0x4000  }
0xa2: {  	[sflag:s23] =	ssyncset.done $0x0  }
0xa3: {  	[sflag:s23] =	ssyncadd.s32 $0xFFFFC000  }
0xa4: {  	[spmem:s3] =	stream.indirect.scatter.add.f32 [tilespmem:s15], [sflag:$0x6], $0x80, s24, s14, $0xb8;
	[tilespmem:$0x1A000] =	vst v63  }
0xa5: {  	_ =	swait.ge [sflag:s28], $0x4000  }
0xa6: {  	[sflag:s28] =	ssyncset.done $0x0  }
0xa7: {  	[sflag:s28] =	ssyncadd.s32 $0xFFFFC000  }
0xa8: {  	[spmem:s3] =	stream.indirect.scatter.add.f32 [tilespmem:s17], [sflag:$0x7], $0x80, s26, s14, $0xb8;
	[tilespmem:$0x1A000] =	vst v63  }
0xa9: {  	_ =	swait.ge [sflag:s0], $0x4000  }
0xaa: {  	[sflag:s0] =	ssyncset.done $0x0  }
0xab: {  	[sflag:s0] =	ssyncadd.s32 $0xFFFFC000  }
0xac: {  	[spmem:s3] =	stream.indirect.scatter.add.f32 [tilespmem:s19], [sflag:$0x8], $0x80, s29, s14, $0xb8;
	[tilespmem:$0x1A000] =	vst v63  }
0xad: {  	_ =	swait.ge [sflag:s21], $0x4000  }
0xae: {  	[sflag:s21] =	ssyncset.done $0x0  }
0xaf: {  	[sflag:s21] =	ssyncadd.s32 $0xFFFFC000  }
0xb0: {  	_ =	swait.ge [sflag:s25], $0x4000  }
0xb1: {  	[sflag:s25] =	ssyncset.done $0x0  }
0xb2: {  	[sflag:s25] =	ssyncadd.s32 $0xFFFFC000  }
0xb3: {  	_ =	swait.ge [sflag:s30], $0x4000  }
0xb4: {  	[sflag:s30] =	ssyncset.done $0x0  }
0xb5: {  	[sflag:s30] =	ssyncadd.s32 $0xFFFFC000  }
0xb6: {  	s22 =	stileid.u32;
	_ =	swait.ge [sflag:s18], $0x4000  }
0xb7: {  	s31 =	sadd.s32 $0x1, s31;
	s2 =	sshll.u32 s22, $0x6;
	[sflag:s18] =	ssyncset.done $0x0  }
0xb8: {  	p0 =	sne.s32 s31, s10;
	s2 =	sor.u32 $0x1C09, s2;
	[sflag:s18] =	ssyncadd.s32 $0xFFFFC000  }
.Ltmp2:
0xb9: {  	s16 =	sshrl.u32 s6, $0x3;
	[bflag:$0x0] =	sbarrier.arrive $0xFFFF;
	(pc) =	sbr.rel @p0 .LBB2_1-.Ltmp2, $4  }
0xba: {  	[hbm:s9], [sflag:s2] =	dma.local [spmem:s16], $0x1000  }
0xbb: {  	_ =	swait.ge [sflag:s11], $0x1000  }
0xbc: {  	[sflag:s11] =	ssyncset.done $0x0  }
0xbd: {  	[sflag:s11] =	ssyncadd.s32 $0xFFFFF000  }
0xbe: {  	_ =	sfence.sel $0x180000  }
0xbf: {  	[bflag:$0x0] =	sbarrier.arrive $0xFFFF  }
0xc0: {  	_ =	strace $0x9000004A  }
0xc1: {  	s0 =	stileid.u32;
	[bflag:$0x2] =	sbarrier.arrive $0xFFFF  }
0xc2: {  	p0 =	sne.s32 s0, $0x0;
	s0 =	rddreg [dreg:$0x5]  }
0xc3: {  	s0 =	sadd.s32 @!p0 $0x100000, s0  }
0xc4: {  	[sflag:s0] =	ssyncadd.tile.s32 @!p0 $0x1;
	_ =	shalt  }
.Lfunc_end2:
_tile_overlayer_lowered:
.L_overlay_start_2:
0xc5: {  	(tag) =	ssettag $0x2  }
0xc6: {  	s0 =	rddreg [dreg:$0x0];
	s2 =	stileid.u32  }
0xc7: {  	s1 =	rddreg [dreg:$0x1];
	p0 =	sne.s32 s2, $0x0  }
0xc8: {  	s3 =	rddreg [dreg:$0x2];
	[bflag:$0x3] =	sbarrier.arrive $0xFFFF;
	s2 =	simm.s32 @!p0 $0x1C09  }
0xc9: {  	[timem:s3], [sflag:s2] =	dma.local @!p0 [hbm:s0], s1  }
0xca: {  	s0 =	simm.s32 @!p0 $0x9  }
0xcb: {  	_ =	swait.ge @!p0 [sflag:s0], s1  }
0xcc: {  	s1 =	ssub.s32 @!p0 $0x0, s1;
	[sflag:s0] =	ssyncset.done @!p0 $0x0  }
0xcd: {  	[sflag:s0] =	ssyncadd.s32 @!p0 s1  }
0xce: {  	[bflag:$0x3] =	sbarrier.arrive $0xFFFF  }
0xcf: {  	_ =	shalt  }

// kernel: kernel.7.cloned.1.call-start
scs
__scs_entry_jumppad:
0x0: {  	(pc) =	sbr.rel $0x88, $3  }
0x1: {  	(tag) =	ssettag $0x0;
	lr =	simm.s32 $0x1  }
0x2: {  	[smem:$0x3F81] =	sst lr;
	_ =	strace $0xD0000000  }
0x3: {  	_ = 	snop  }
0x4: {  	_ = 	snop  }
0x5: {  	_ = 	snop  }
0x6: {  	_ = 	snop  }
0x7: {  	_ = 	snop  }
__scs_overlays_trampoline_lowered:
0x8: {  	[smem:$0x3F90] =	sst s0  }
0x9: {  	[smem:$0x3F91] =	sst s1  }
0xa: {  	[smem:$0x3F92] =	sst s2  }
0xb: {  	[smem:$0x3F93] =	sst s3  }
0xc: {  	[smem:$0x3F94] =	sst s4  }
0xd: {  	[smem:$0x3F95] =	sst s5  }
0xe: {  	[smem:$0x3F96] =	sst s6  }
0xf: {  	[smem:$0x3F97] =	sst s7  }
0x10: {  	[smem:$0x3F98] =	sst s8  }
0x11: {  	[smem:$0x3F99] =	sst s9;
	s0 =	simm.s32 @!p0 $0x0  }
0x12: {  	s1 =	sld [smem:$0x3F7F];
	s0 =	simm.s32 @p0 $0x1  }
0x13: {  	[smem:$0x3F9A] =	sst s0;
	s0 =	simm.s32 @!p1 $0x0  }
0x14: {  	s2 =	sld [smem:$0x3F7E];
	s0 =	simm.s32 @p1 $0x1  }
0x15: {  	[smem:$0x3F9B] =	sst s0;
	s0 =	simm.s32 @!p2 $0x0  }
0x16: {  	s3 =	sld [smem:$0x3FDB];
	s0 =	simm.s32 @p2 $0x1  }
0x17: {  	s4 =	simm.s32 $0x1BF5;
	[smem:$0x3F9D] =	sst s0  }
0x18: {  	s0 =	sld [smem:$0x3F80];
	_ =	swait.ge [sflag:s4], $0x0  }
0x19: {  	s7 =	sld [smem:$0x3F81]  }
0x1a: {  	s8 =	sadd.s32 $0xFFFFE003, lr  }
0x1b: {  	s9 =	sadd.s32 $0xFFFFFEF7, lr;
	s5 =	simm.s32 $0xFFFFFFFF;
	p2 =	slt.u32 s8, $0xFFFFF086  }
0x1c: {  	p1 =	slt.u32 s9, $0xF7A;
	s5 =	simm.s32 @!p2 $0x0  }
0x1d: {  	s5 =	simm.s32 @p1 $0x1;
	p0 =	seq.s32 s7, s2  }
0x1e: {  	s7 =	smul.u32 @!p0 $0xF7A, s2;
	p2 =	seq.s32 @!p0 s5, $0x0  }
0x1f: {  	s9 =	smul.u32 $0xF7A, s1;
	s8 =	simm.s32 @!p0 $0x1BF5;
	p2 =	por !p2, p0  }
0x20: {  	[sflag:s8] =	ssyncset.s32 @!p0 $0xFFFFF086;
	s6 =	sadd.s32 @!p0 s3, s7;
	s7 =	simm.s32 @!p0 $0x108  }
0x21: {  	s3 =	sadd.s32 s3, s9;
	s6 =	sadd.s32 @!p0 $0x88, s6;
	s7 =	simm.s32 @p2 $0x1082  }
0x22: {  	[simem:s7], [sflag:s8] =	dma.local @!p0 [hbm:s6], $0xF7A  }
0x23: {  	s9 =	sor.u32 $0xD0000000, s2;
	s6 =	simm.s32 $0x108;
	_ =	swait.ge @!p0 [sflag:s8], $0x0  }
0x24: {  	s3 =	sadd.s32 $0x88, s3;
	s6 =	simm.s32 @!p1 $0x1082;
	[sflag:s4] =	ssyncset.s32 $0xFFFFF086  }
0x25: {  	[simem:s6], [sflag:s4] =	dma.local [hbm:s3], $0xF7A  }
0x26: {  	[smem:$0x3F81] =	sst s1;
	(tag) =	ssettag s2;
	_ =	strace s9  }
0x27: {  	s1 =	sld [smem:$0x3F91]  }
0x28: {  	s2 =	sld [smem:$0x3F92]  }
0x29: {  	s4 =	sld [smem:$0x3F94]  }
0x2a: {  	p0 =	seq.s32 s5, $0x0;
	s5 =	sld [smem:$0x3F95]  }
0x2b: {  	s6 =	sld [smem:$0x3F96]  }
0x2c: {  	s7 =	sld [smem:$0x3F97]  }
0x2d: {  	s3 =	simm.s32 $0x108;
	s8 =	sld [smem:$0x3F98]  }
0x2e: {  	s3 =	simm.s32 @!p0 $0x1082;
	s9 =	sld [smem:$0x3F99]  }
0x2f: {  	lr =	sadd.s32 s0, s3;
	s0 =	sld [smem:$0x3F90]  }
0x30: {  	s3 =	sld [smem:$0x3F93]  }
0x31: {  	[smem:$0x3F9C] =	sst s10  }
0x32: {  	s10 =	sld [smem:$0x3F9A];
	_ =	sdelay $0x3  }
0x33: {  	p0 =	seq.s32 s10, $0x1;
	s10 =	sld [smem:$0x3F9C];
	_ =	sdelay $0x3  }
0x34: {  	[smem:$0x3F9C] =	sst s10  }
0x35: {  	s10 =	sld [smem:$0x3F9B];
	_ =	sdelay $0x3  }
0x36: {  	p1 =	seq.s32 s10, $0x1;
	s10 =	sld [smem:$0x3F9C];
	_ =	sdelay $0x3  }
0x37: {  	[smem:$0x3F9C] =	sst s10  }
0x38: {  	s10 =	sld [smem:$0x3F9D]  }
0x39: {  	_ = 	snop;
	(pc) =	sbr.ind lr, $3  }
0x3a: {  	_ = 	snop  }
0x3b: {  	_ = 	snop  }
0x3c: {  	p2 =	seq.s32 s10, $0x1;
	s10 =	sld [smem:$0x3F9C]  }
0x3d: {  	_ =	shalt  }
0x3e: {  	_ =	shalt  }
0x3f: {  	_ =	shalt  }
0x40: {  	_ =	shalt  }
0x41: {  	_ =	shalt  }
0x42: {  	_ =	shalt  }
0x43: {  	_ =	shalt  }
0x44: {  	_ =	shalt  }
0x45: {  	_ =	shalt  }
0x46: {  	_ =	shalt  }
0x47: {  	_ =	shalt  }
0x48: {  	_ =	shalt  }
0x49: {  	_ =	shalt  }
0x4a: {  	_ =	shalt  }
0x4b: {  	_ =	shalt  }
0x4c: {  	_ =	shalt  }
0x4d: {  	_ =	shalt  }
0x4e: {  	_ =	shalt  }
0x4f: {  	_ =	shalt  }
0x50: {  	_ =	shalt  }
0x51: {  	_ =	shalt  }
0x52: {  	_ =	shalt  }
0x53: {  	_ =	shalt  }
0x54: {  	_ =	shalt  }
0x55: {  	_ =	shalt  }
0x56: {  	_ =	shalt  }
0x57: {  	_ =	shalt  }
0x58: {  	_ =	shalt  }
0x59: {  	_ =	shalt  }
0x5a: {  	_ =	shalt  }
0x5b: {  	_ =	shalt  }
0x5c: {  	_ =	shalt  }
0x5d: {  	_ =	shalt  }
0x5e: {  	_ =	shalt  }
0x5f: {  	_ =	shalt  }
0x60: {  	_ =	shalt  }
0x61: {  	_ =	shalt  }
0x62: {  	_ =	shalt  }
0x63: {  	_ =	shalt  }
0x64: {  	_ =	shalt  }
0x65: {  	_ =	shalt  }
0x66: {  	_ =	shalt  }
0x67: {  	_ =	shalt  }
0x68: {  	_ =	shalt  }
0x69: {  	_ =	shalt  }
0x6a: {  	_ =	shalt  }
0x6b: {  	_ =	shalt  }
0x6c: {  	_ =	shalt  }
0x6d: {  	_ =	shalt  }
0x6e: {  	_ =	shalt  }
0x6f: {  	_ =	shalt  }
0x70: {  	_ =	shalt  }
0x71: {  	_ =	shalt  }
0x72: {  	_ =	shalt  }
0x73: {  	_ =	shalt  }
0x74: {  	_ =	shalt  }
0x75: {  	_ =	shalt  }
0x76: {  	_ =	shalt  }
0x77: {  	_ =	shalt  }
0x78: {  	_ =	shalt  }
0x79: {  	_ =	shalt  }
0x7a: {  	_ =	shalt  }
0x7b: {  	_ =	shalt  }
0x7c: {  	_ =	shalt  }
0x7d: {  	_ =	shalt  }
0x7e: {  	_ =	shalt  }
0x7f: {  	_ =	shalt  }
0x80: {  	_ =	shalt  }
0x81: {  	_ =	shalt  }
0x82: {  	_ =	shalt  }
0x83: {  	_ =	shalt  }
0x84: {  	_ =	shalt  }
0x85: {  	_ =	shalt  }
0x86: {  	_ =	shalt  }
0x87: {  	_ =	shalt  }
.Lfunc_end0:
.L_simem_size_0:
called_computation_lowered:
.L_overlay_start_0:
0x88: {  	s2 =	sld [smem:$0x3FD9]  }
0x89: {  	s3 =	sld [smem:$0x3FFE];
	_ =	sdelay $0x1  }
0x8a: {  	s1 =	srdreg.scid  }
0x8b: {  	s0 =	sand.u32 $0x1, s1  }
0x8c: {  	s14 =	sshll.u32 s0, $0xA;
	s2 =	sadd.s32 s3, s2  }
0x8d: {  	s2 =	sadd.s32 s2, s14  }
0x8e: {  	[smem:$0x3FA8] =	sst s2  }
0x8f: {  	_ = 	snop  }
0x90: {  	s2 =	sld [smem:$0x3FD0];
	_ =	sdelay $0x2  }
0x91: {  	s15 =	simm.s32 $0xA;
	s4 =	simm.s32 $0x10  }
0x92: {  	[smem:s4], [sflag:s15] =	dma.local [hbm:s2], $0x1  }
0x93: {  	_ =	swait.eq [sflag:s15], $0x1  }
0x94: {  	s16 =	sld [smem:$0x11];
	[sflag:s15] =	ssyncset.done $0x0  }
0x95: {  	s17 =	sld [smem:$0x12];
	[sflag:s15] =	ssyncadd.s32 $0xFFFFFFFF  }
0x96: {  	s18 =	sld [smem:$0x13];
	(tm) =	ssettm $0x1  }
0x97: {  	s5 =	sld [smem:$0x3FFB];
	_ =	sdelay $0x3  }
0x98: {  	_ =	strace s5  }
0x99: {  	s5 =	sld [smem:$0x3FFC];
	_ =	sdelay $0x3  }
0x9a: {  	_ =	strace s5  }
0x9b: {  	s5 =	sld [smem:$0x3FFD];
	_ =	sdelay $0x3  }
0x9c: {  	_ =	strace s5  }
0x9d: {  	_ =	strace $0x8FFFFFFF  }
0x9e: {  	s19 =	sld [smem:$0x3FDB];
	_ =	sdelay $0x1  }
0x9f: {  	s6 =	simm.s32 $_scs_section_size  }
0xa0: {  	s7 =	simm.s32 $_size__tile_overlayer_lowered;
	s8 =	simm.s32 $_tile_overlayer_lowered  }
0xa1: {  	s22 =	simm.s32 $0x1BFF;
	s21 =	sshll.u32 s8, $0x1;
	s5 =	sadd.s32 s6, s19  }
0xa2: {  	s9 =	simm.s32 $0x0;
	s20 =	sshll.u32 s7, $0x1;
	s7 =	sadd.s32 s21, s5  }
0xa3: {  	[timem:s9], [sflag:s22] =	dma.local [hbm:s7], s20  }
0xa4: {  	_ =	swait.ge [sflag:s22], s20  }
0xa5: {  	s6 =	ssub.s32 $0x0, s20;
	[sflag:s22] =	ssyncset.done $0x0  }
0xa6: {  	[sflag:s22] =	ssyncadd.s32 s6;
	_ =	sdelay $0x1  }
0xa7: {  	s23 =	simm.s32 $0x1B8B  }
0xa8: {  	_ =	swait.ge [sflag:s23], $0x1  }
0xa9: {  	[sflag:s23] =	ssyncset.done $0x0  }
0xaa: {  	s25 =	simm.s32 $0x1B8E;
	s24 =	sld [smem:$0x3FFE];
	[sflag:s23] =	ssyncadd.s32 $0xFFFFFFFF  }
0xab: {  	s26 =	simm.s32 $execute0_lowered;
	[smem:$0x3FD2] =	sst s25  }
0xac: {  	s7 =	sshll.u32 s26, $0x1;
	_ =	strace $0x80000046;
	[dreg:$0x1] =	wrdreg $0xFFFFFFFF  }
0xad: {  	s28 =	simm.s32 $_size_execute0_lowered;
	s5 =	sadd.s32 s5, s7;
	[dreg:$0x0] =	wrdreg $0x0  }
0xae: {  	s7 =	sshll.u32 s28, $0x1;
	[dreg:$0x2] =	wrdreg s5  }
0xaf: {  	[dreg:$0x3] =	wrdreg s7  }
0xb0: {  	[dreg:$0x4] =	wrdreg $0xC0  }
0xb1: {  	_ =	task [dreg:s9], $0x5FFFF  }
0xb2: {  	[dreg:$0x1] =	wrdreg $0xFFFFFFFF  }
0xb3: {  	[dreg:$0x0] =	wrdreg $0x60  }
0xb4: {  	[dreg:$0x2] =	wrdreg s18  }
0xb5: {  	[dreg:$0x3] =	wrdreg s17  }
0xb6: {  	[dreg:$0x4] =	wrdreg s16  }
0xb7: {  	[dreg:$0x5] =	wrdreg s24  }
0xb8: {  	[dreg:$0x6] =	wrdreg $0x120000  }
0xb9: {  	[dreg:$0x7] =	wrdreg $0x9  }
0xba: {  	_ =	task.clear_ibuf [dreg:s9], $0x8FFFF;
	_ =	strace $0x90000046  }
0xbb: {  	s29 =	simm.s32 $0x9;
	_ =	strace $0x80000048  }
0xbc: {  	_ =	swait.ge [sflag:s29], $0x1  }
0xbd: {  	[sflag:s29] =	ssyncadd.s32 $0xFFFFFFFF  }
0xbe: {  	_ =	strace $0x90000048  }
0xbf: {  	_ =	sfence  }
0xc0: {  	s30 =	sld [smem:$0x0];
	_ =	sdelay $0x2  }
0xc1: {  	s31 =	sshll.u32 s1, $0xD;
	s1 =	sshrl.u32 s1, $0x2  }
0xc2: {  	s3 =	sand.u32 $0x4000, s31;
	s1 =	sadd.s32 s1, s30  }
0xc3: {  	s0 =	sor.u32 s3, s0;
	s1 =	sshll.u32 s1, $0x11  }
0xc4: {  	s0 =	sor.u32 s1, s0  }
0xc5: {  	s0 =	sadd.s32 $0x8F2B, s0  }
0xc6: {  	[sflag:s0] =	ssyncadd.remote.s32 $0x1  }
0xc7: {  	_ =	sfence.sel $0xFFFF  }
0xc8: {  	[dreg:$0x0] =	wrdreg $0xFFFFFFFF;
	(pc) =	sbr.abs _section_cstart, $3  }
0xc9: {  	[dreg:$0x1] =	wrdreg $0xFFFFFFFF  }
0xca: {  	_ =	task.clear_ibuf [dreg:s9], $0x2FFFF;
	_ =	strace $0x9FFFFFFF  }
0xcb: {  	(tm) =	ssettm $0x7FFFFFFF  }
tec
execute0_lowered:
.L_overlay_start_1:
0x0: {  	(tag) =	ssettag $0x1  }
0x1: {  	s1 =	rddreg [dreg:$0x0]  }
0x2: {  	s0 =	rddreg [dreg:$0x1]  }
0x3: {  	s2 =	rddreg [dreg:$0x2]  }
0x4: {  	s5 =	rddreg [dreg:$0x3]  }
0x5: {  	s3 =	rddreg [dreg:$0x4]  }
0x6: {  	s6 =	srdreg.scid;
	s4 =	simm.s32 $0x0;
	s9 =	stileid.u32  }
0x7: {  	s12 =	simm.s32 $0x1000;
	s13 =	simm.s32 $0x2000;
	s14 =	simm.s32 $0x80  }
0x8: {  	s15 =	simm.s32 $0x6000;
	s17 =	simm.s32 $0xA000;
	s19 =	simm.s32 $0xE000  }
0x9: {  	s20 =	simm.s32 $0x1;
	s21 =	simm.s32 $0x5;
	s28 =	simm.s32 $0x3  }
0xa: {  	s30 =	simm.s32 $0x7;
	s18 =	simm.s32 $0x8;
	s29 =	simm.s32 $0x1F80  }
0xb: {  	s31 =	simm.s32 $0x0;
	s6 =	sand.u32 $0x1, s6;
	[smem:$0x7FF] =	sst s4  }
0xc: {  	s7 =	sshll.u32 s9, $0xC;
	s25 =	sshll.u32 s9, $0x9;
	s9 =	sshll.u32 s9, $0xF  }
0xd: {  	s8 =	ssub.s32 $0x2, s6;
	_ =	strace $0x80000047;
	s7 =	sadd.s32 s7, s5  }
0xe: {  	s24 =	sshll.u32 s6, $0xD;
	s11 =	sshll.u32 s6, $0x10;
	s6 =	sadd.s32 s9, s3  }
0xf: {  	s23 =	sshrl.u32 s8, $0x1;
	s26 =	sadd.s32 s11, s7;
	s11 =	simm.s32 $0x9  }
0x10: {  	s10 =	ssub.s32 s8, s23;
	s8 =	sor.u32 s25, s24;
	s9 =	sadd.s32 $0x5400, s26  }
0x11: {  	s23 =	simm.s32 $0x2;
	s25 =	simm.s32 $0x6;
	s24 =	simm.s32 $0x1E80  }
0x12: {  	s26 =	simm.s32 $0x1F00;
	s5 =	sadd.s32 s0, s8;
	s7 =	sadd.s32 s2, s8  }
0x13: {  	v0 =	vimm.f32 $0.0e+00;
	s8 =	sadd.s32 $0x4000, s6;
	s10 =	smax.u32 s10, $0x1;
	s0 =	simm.s32 $0x4  }
.LBB2_1:
0x14: {  	[tilespmem:s4], [sflag:$0x9] =	stream.linear.gather [hbm4b:s5+s4], $0x1000, $0x38;
	[tilespmem:$0x1A000] =	vst v63  }
0x15: {  	_ =	swait.ge [sflag:s11], $0x1000  }
0x16: {  	[sflag:s11] =	ssyncset.done $0x0  }
0x17: {  	[sflag:s11] =	ssyncadd.s32 $0xFFFFF000  }
0x18: {  	[tilespmem:s12], [sflag:$0x9] =	stream.linear.gather [hbm4b:s7+s4], $0x1000, $0x38;
	[tilespmem:$0x1A000] =	vst v63  }
0x19: {  	_ =	swait.ge [sflag:s11], $0x1000  }
0x1a: {  	[sflag:s11] =	ssyncset.done $0x0  }
0x1b: {  	s2 =	simm.s32 $0x0;
	s16 =	simm.s32 $0x200;
	[sflag:s11] =	ssyncadd.s32 $0xFFFFF000  }
.LBB2_2:
0x1c: {  	p0 =	sne.s32 s16, $0xFE00;
	[tilespmem:s2+$0x2070] =	vst v0  }
0x1d: {  	[tilespmem:s2+$0x2000] =	vst v0  }
0x1e: {  	[tilespmem:s2+$0x2010] =	vst v0  }
.Ltmp0:
0x1f: {  	[tilespmem:s2+$0x2020] =	vst v0;
	(pc) =	sbr.rel @p0 .LBB2_2-.Ltmp0, $4  }
0x20: {  	[tilespmem:s2+$0x2030] =	vst v0  }
0x21: {  	[tilespmem:s2+$0x2040] =	vst v0  }
0x22: {  	[tilespmem:s2+$0x2050] =	vst v0  }
0x23: {  	[tilespmem:s2+$0x2060] =	vst v0;
	s2 =	sshra.s32 s16, $0x2;
	s16 =	sadd.s32 $0x200, s16  }
0x24: {  	[tilespmem:s2+$0x2070] =	vst v0  }
0x25: {  	[tilespmem:s2+$0x2000] =	vst v0  }
0x26: {  	[tilespmem:s2+$0x2010] =	vst v0  }
0x27: {  	[tilespmem:s2+$0x2020] =	vst v0  }
0x28: {  	[tilespmem:s2+$0x2030] =	vst v0  }
0x29: {  	[tilespmem:s2+$0x2040] =	vst v0  }
0x2a: {  	[tilespmem:s2+$0x2050] =	vst v0  }
0x2b: {  	[tilespmem:s2+$0x2060] =	vst v0  }
0x2c: {  	[spmem:s6] =	stream.linear.scatter [tilespmem:s13], [sflag:$0x9], $0x4000, $0x38;
	[tilespmem:$0x1A000] =	vst v63  }
0x2d: {  	_ =	swait.ge [sflag:s11], $0x4000  }
0x2e: {  	[sflag:s11] =	ssyncset.done $0x0  }
0x2f: {  	[sflag:s11] =	ssyncadd.s32 $0xFFFFC000  }
0x30: {  	[spmem:s8] =	stream.linear.scatter [tilespmem:s13], [sflag:$0x9], $0x4000, $0x38;
	[tilespmem:$0x1A000] =	vst v63  }
0x31: {  	_ =	swait.ge [sflag:s11], $0x4000  }
0x32: {  	[sflag:s11] =	ssyncset.done $0x0  }
0x33: {  	[sflag:s11] =	ssyncadd.s32 $0xFFFFC000  }
0x34: {  	s16 =	simm.s32 $0x0;
	[bflag:$0x0] =	sbarrier.arrive $0xFFFF  }
0x35: {  	[tilespmem:s13], [sflag:$0x1] =	stream.indirect.gather [hbm4b:s1+s14], $0x80, s16, s14, $0xb8;
	[tilespmem:$0x1A000] =	vst v63  }
0x36: {  	_ = 	snop  }
0x37: {  	[tilespmem:s15], [sflag:$0x2] =	stream.indirect.gather [hbm4b:s1+s14], $0x80, s14, s14, $0xb8;
	[tilespmem:$0x1A000] =	vst v63  }
0x38: {  	s22 =	simm.s32 $0x100  }
0x39: {  	[tilespmem:s17], [sflag:$0x3] =	stream.indirect.gather [hbm4b:s1+s14], $0x80, s22, s14, $0xb8;
	[tilespmem:$0x1A000] =	vst v63  }
0x3a: {  	s16 =	simm.s32 $0x180  }
0x3b: {  	[tilespmem:s19], [sflag:$0x4] =	stream.indirect.gather [hbm4b:s1+s14], $0x80, s16, s14, $0xb8;
	[tilespmem:$0x1A000] =	vst v63  }
0x3c: {  	_ =	swait.ge [sflag:s20], $0x4000  }
0x3d: {  	[sflag:s20] =	ssyncset.done $0x0  }
0x3e: {  	[sflag:s20] =	ssyncadd.s32 $0xFFFFC000  }
0x3f: {  	[spmem:s3] =	stream.indirect.scatter.add.f32 [tilespmem:s13], [sflag:$0x5], $0x80, s12, s14, $0xb8;
	[tilespmem:$0x1A000] =	vst v63  }
0x40: {  	_ =	swait.ge [sflag:s21], $0x4000  }
0x41: {  	[sflag:s21] =	ssyncset.done $0x0  }
0x42: {  	s22 =	simm.s32 $0x200;
	[sflag:s21] =	ssyncadd.s32 $0xFFFFC000  }
0x43: {  	[tilespmem:s13], [sflag:$0x1] =	stream.indirect.gather [hbm4b:s1+s14], $0x80, s22, s14, $0xb8;
	[tilespmem:$0x1A000] =	vst v63  }
0x44: {  	_ =	swait.ge [sflag:s23], $0x4000  }
0x45: {  	[sflag:s23] =	ssyncset.done $0x0  }
0x46: {  	s16 =	simm.s32 $0x1080;
	[sflag:s23] =	ssyncadd.s32 $0xFFFFC000  }
0x47: {  	[spmem:s3] =	stream.indirect.scatter.add.f32 [tilespmem:s15], [sflag:$0x6], $0x80, s16, s14, $0xb8;
	[tilespmem:$0x1A000] =	vst v63  }
0x48: {  	_ =	swait.ge [sflag:s25], $0x4000  }
0x49: {  	[sflag:s25] =	ssyncset.done $0x0  }
0x4a: {  	s22 =	simm.s32 $0x280;
	[sflag:s25] =	ssyncadd.s32 $0xFFFFC000  }
0x4b: {  	[tilespmem:s15], [sflag:$0x2] =	stream.indirect.gather [hbm4b:s1+s14], $0x80, s22, s14, $0xb8;
	[tilespmem:$0x1A000] =	vst v63  }
0x4c: {  	_ =	swait.ge [sflag:s28], $0x4000  }
0x4d: {  	[sflag:s28] =	ssyncset.done $0x0  }
0x4e: {  	s16 =	simm.s32 $0x1100;
	[sflag:s28] =	ssyncadd.s32 $0xFFFFC000  }
0x4f: {  	[spmem:s3] =	stream.indirect.scatter.add.f32 [tilespmem:s17], [sflag:$0x7], $0x80, s16, s14, $0xb8;
	[tilespmem:$0x1A000] =	vst v63  }
0x50: {  	_ =	swait.ge [sflag:s30], $0x4000  }
0x51: {  	[sflag:s30] =	ssyncset.done $0x0  }
0x52: {  	s22 =	simm.s32 $0x300;
	[sflag:s30] =	ssyncadd.s32 $0xFFFFC000  }
0x53: {  	[tilespmem:s17], [sflag:$0x3] =	stream.indirect.gather [hbm4b:s1+s14], $0x80, s22, s14, $0xb8;
	[tilespmem:$0x1A000] =	vst v63  }
0x54: {  	_ =	swait.ge [sflag:s0], $0x4000  }
0x55: {  	[sflag:s0] =	ssyncset.done $0x0  }
0x56: {  	s16 =	simm.s32 $0x1180;
	[sflag:s0] =	ssyncadd.s32 $0xFFFFC000  }
0x57: {  	[spmem:s3] =	stream.indirect.scatter.add.f32 [tilespmem:s19], [sflag:$0x8], $0x80, s16, s14, $0xb8;
	[tilespmem:$0x1A000] =	vst v63  }
0x58: {  	_ =	swait.ge [sflag:s18], $0x4000  }
0x59: {  	[sflag:s18] =	ssyncset.done $0x0  }
0x5a: {  	s22 =	simm.s32 $0x380;
	[sflag:s18] =	ssyncadd.s32 $0xFFFFC000  }
0x5b: {  	[tilespmem:s19], [sflag:$0x4] =	stream.indirect.gather [hbm4b:s1+s14], $0x80, s22, s14, $0xb8;
	[tilespmem:$0x1A000] =	vst v63  }
0x5c: {  	_ =	swait.ge [sflag:s20], $0x4000  }
0x5d: {  	[sflag:s20] =	ssyncset.done $0x0  }
0x5e: {  	s16 =	simm.s32 $0x1200;
	[sflag:s20] =	ssyncadd.s32 $0xFFFFC000  }
0x5f: {  	[spmem:s3] =	stream.indirect.scatter.add.f32 [tilespmem:s13], [sflag:$0x5], $0x80, s16, s14, $0xb8;
	[tilespmem:$0x1A000] =	vst v63  }
0x60: {  	_ =	swait.ge [sflag:s21], $0x4000  }
0x61: {  	[sflag:s21] =	ssyncset.done $0x0  }
0x62: {  	s22 =	simm.s32 $0x400;
	[sflag:s21] =	ssyncadd.s32 $0xFFFFC000  }
0x63: {  	[tilespmem:s13], [sflag:$0x1] =	stream.indirect.gather [hbm4b:s1+s14], $0x80, s22, s14, $0xb8;
	[tilespmem:$0x1A000] =	vst v63  }
0x64: {  	_ =	swait.ge [sflag:s23], $0x4000  }
0x65: {  	[sflag:s23] =	ssyncset.done $0x0  }
0x66: {  	s16 =	simm.s32 $0x1280;
	[sflag:s23] =	ssyncadd.s32 $0xFFFFC000  }
0x67: {  	[spmem:s3] =	stream.indirect.scatter.add.f32 [tilespmem:s15], [sflag:$0x6], $0x80, s16, s14, $0xb8;
	[tilespmem:$0x1A000] =	vst v63  }
0x68: {  	_ =	swait.ge [sflag:s25], $0x4000  }
0x69: {  	[sflag:s25] =	ssyncset.done $0x0  }
0x6a: {  	s22 =	simm.s32 $0x480;
	[sflag:s25] =	ssyncadd.s32 $0xFFFFC000  }
0x6b: {  	[tilespmem:s15], [sflag:$0x2] =	stream.indirect.gather [hbm4b:s1+s14], $0x80, s22, s14, $0xb8;
	[tilespmem:$0x1A000] =	vst v63  }
0x6c: {  	_ =	swait.ge [sflag:s28], $0x4000  }
0x6d: {  	[sflag:s28] =	ssyncset.done $0x0  }
0x6e: {  	s16 =	simm.s32 $0x1300;
	[sflag:s28] =	ssyncadd.s32 $0xFFFFC000  }
0x6f: {  	[spmem:s3] =	stream.indirect.scatter.add.f32 [tilespmem:s17], [sflag:$0x7], $0x80, s16, s14, $0xb8;
	[tilespmem:$0x1A000] =	vst v63  }
0x70: {  	_ =	swait.ge [sflag:s30], $0x4000  }
0x71: {  	[sflag:s30] =	ssyncset.done $0x0  }
0x72: {  	s22 =	simm.s32 $0x500;
	[sflag:s30] =	ssyncadd.s32 $0xFFFFC000  }
0x73: {  	[tilespmem:s17], [sflag:$0x3] =	stream.indirect.gather [hbm4b:s1+s14], $0x80, s22, s14, $0xb8;
	[tilespmem:$0x1A000] =	vst v63  }
0x74: {  	_ =	swait.ge [sflag:s0], $0x4000  }
0x75: {  	[sflag:s0] =	ssyncset.done $0x0  }
0x76: {  	s2 =	simm.s32 $0x1380;
	s16 =	simm.s32 $0x800;
	[sflag:s0] =	ssyncadd.s32 $0xFFFFC000  }
.LBB2_4:
0x77: {  	[spmem:s3] =	stream.indirect.scatter.add.f32 [tilespmem:s19], [sflag:$0x8], $0x80, s2, s14, $0xb8;
	[tilespmem:$0x1A000] =	vst v63  }
0x78: {  	s2 =	smov.u32 s16  }
0x79: {  	p0 =	sne.s32 s16, $0x2800;
	s16 =	sadd.s32 $0x800, s16;
	_ =	swait.ge [sflag:s18], $0x4000  }
0x7a: {  	s2 =	sshra.s32 s2, $0x2;
	[sflag:s18] =	ssyncset.done $0x0  }
0x7b: {  	s22 =	sadd.s32 $0x380, s2;
	[sflag:s18] =	ssyncadd.s32 $0xFFFFC000  }
0x7c: {  	[tilespmem:s19], [sflag:$0x4] =	stream.indirect.gather [hbm4b:s1+s14], $0x80, s22, s14, $0xb8;
	[tilespmem:$0x1A000] =	vst v63  }
0x7d: {  	_ =	swait.ge [sflag:s20], $0x4000  }
0x7e: {  	[sflag:s20] =	ssyncset.done $0x0  }
0x7f: {  	s22 =	sadd.s32 $0x1200, s2;
	[sflag:s20] =	ssyncadd.s32 $0xFFFFC000  }
0x80: {  	[spmem:s3] =	stream.indirect.scatter.add.f32 [tilespmem:s13], [sflag:$0x5], $0x80, s22, s14, $0xb8;
	[tilespmem:$0x1A000] =	vst v63  }
0x81: {  	_ =	swait.ge [sflag:s21], $0x4000  }
0x82: {  	[sflag:s21] =	ssyncset.done $0x0  }
0x83: {  	s22 =	sadd.s32 $0x400, s2;
	[sflag:s21] =	ssyncadd.s32 $0xFFFFC000  }
0x84: {  	[tilespmem:s13], [sflag:$0x1] =	stream.indirect.gather [hbm4b:s1+s14], $0x80, s22, s14, $0xb8;
	[tilespmem:$0x1A000] =	vst v63  }
0x85: {  	_ =	swait.ge [sflag:s23], $0x4000  }
0x86: {  	[sflag:s23] =	ssyncset.done $0x0  }
0x87: {  	s22 =	sadd.s32 $0x1280, s2;
	[sflag:s23] =	ssyncadd.s32 $0xFFFFC000  }
0x88: {  	[spmem:s3] =	stream.indirect.scatter.add.f32 [tilespmem:s15], [sflag:$0x6], $0x80, s22, s14, $0xb8;
	[tilespmem:$0x1A000] =	vst v63  }
0x89: {  	_ =	swait.ge [sflag:s25], $0x4000  }
0x8a: {  	[sflag:s25] =	ssyncset.done $0x0  }
0x8b: {  	s22 =	sadd.s32 $0x480, s2;
	[sflag:s25] =	ssyncadd.s32 $0xFFFFC000  }
0x8c: {  	[tilespmem:s15], [sflag:$0x2] =	stream.indirect.gather [hbm4b:s1+s14], $0x80, s22, s14, $0xb8;
	[tilespmem:$0x1A000] =	vst v63  }
0x8d: {  	_ =	swait.ge [sflag:s28], $0x4000  }
0x8e: {  	[sflag:s28] =	ssyncset.done $0x0  }
0x8f: {  	s22 =	sadd.s32 $0x1300, s2;
	[sflag:s28] =	ssyncadd.s32 $0xFFFFC000  }
0x90: {  	[spmem:s3] =	stream.indirect.scatter.add.f32 [tilespmem:s17], [sflag:$0x7], $0x80, s22, s14, $0xb8;
	[tilespmem:$0x1A000] =	vst v63  }
0x91: {  	_ =	swait.ge [sflag:s30], $0x4000  }
0x92: {  	[sflag:s30] =	ssyncset.done $0x0  }
.Ltmp1:
0x93: {  	s22 =	sadd.s32 $0x500, s2;
	[sflag:s30] =	ssyncadd.s32 $0xFFFFC000;
	(pc) =	sbr.rel @p0 .LBB2_4-.Ltmp1, $4  }
0x94: {  	[tilespmem:s17], [sflag:$0x3] =	stream.indirect.gather [hbm4b:s1+s14], $0x80, s22, s14, $0xb8;
	[tilespmem:$0x1A000] =	vst v63  }
0x95: {  	_ =	swait.ge [sflag:s0], $0x4000  }
0x96: {  	[sflag:s0] =	ssyncset.done $0x0  }
0x97: {  	s2 =	sadd.s32 $0x1380, s2;
	[sflag:s0] =	ssyncadd.s32 $0xFFFFC000  }
0x98: {  	[spmem:s3] =	stream.indirect.scatter.add.f32 [tilespmem:s19], [sflag:$0x8], $0x80, s2, s14, $0xb8;
	[tilespmem:$0x1A000] =	vst v63  }
0x99: {  	_ =	swait.ge [sflag:s18], $0x4000  }
0x9a: {  	[sflag:s18] =	ssyncset.done $0x0  }
0x9b: {  	s22 =	simm.s32 $0xF80;
	[sflag:s18] =	ssyncadd.s32 $0xFFFFC000  }
0x9c: {  	[tilespmem:s19], [sflag:$0x4] =	stream.indirect.gather [hbm4b:s1+s14], $0x80, s22, s14, $0xb8;
	[tilespmem:$0x1A000] =	vst v63  }
0x9d: {  	_ =	swait.ge [sflag:s20], $0x4000  }
0x9e: {  	[sflag:s20] =	ssyncset.done $0x0  }
0x9f: {  	s16 =	simm.s32 $0x1E00;
	[sflag:s20] =	ssyncadd.s32 $0xFFFFC000  }
0xa0: {  	[spmem:s3] =	stream.indirect.scatter.add.f32 [tilespmem:s13], [sflag:$0x5], $0x80, s16, s14, $0xb8;
	[tilespmem:$0x1A000] =	vst v63  }
0xa1: {  	_ =	swait.ge [sflag:s23], $0x4000  }
0xa2: {  	[sflag:s23] =	ssyncset.done $0x0  }
0xa3: {  	[sflag:s23] =	ssyncadd.s32 $0xFFFFC000  }
0xa4: {  	[spmem:s3] =	stream.indirect.scatter.add.f32 [tilespmem:s15], [sflag:$0x6], $0x80, s24, s14, $0xb8;
	[tilespmem:$0x1A000] =	vst v63  }
0xa5: {  	_ =	swait.ge [sflag:s28], $0x4000  }
0xa6: {  	[sflag:s28] =	ssyncset.done $0x0  }
0xa7: {  	[sflag:s28] =	ssyncadd.s32 $0xFFFFC000  }
0xa8: {  	[spmem:s3] =	stream.indirect.scatter.add.f32 [tilespmem:s17], [sflag:$0x7], $0x80, s26, s14, $0xb8;
	[tilespmem:$0x1A000] =	vst v63  }
0xa9: {  	_ =	swait.ge [sflag:s0], $0x4000  }
0xaa: {  	[sflag:s0] =	ssyncset.done $0x0  }
0xab: {  	[sflag:s0] =	ssyncadd.s32 $0xFFFFC000  }
0xac: {  	[spmem:s3] =	stream.indirect.scatter.add.f32 [tilespmem:s19], [sflag:$0x8], $0x80, s29, s14, $0xb8;
	[tilespmem:$0x1A000] =	vst v63  }
0xad: {  	_ =	swait.ge [sflag:s21], $0x4000  }
0xae: {  	[sflag:s21] =	ssyncset.done $0x0  }
0xaf: {  	[sflag:s21] =	ssyncadd.s32 $0xFFFFC000  }
0xb0: {  	_ =	swait.ge [sflag:s25], $0x4000  }
0xb1: {  	[sflag:s25] =	ssyncset.done $0x0  }
0xb2: {  	[sflag:s25] =	ssyncadd.s32 $0xFFFFC000  }
0xb3: {  	_ =	swait.ge [sflag:s30], $0x4000  }
0xb4: {  	[sflag:s30] =	ssyncset.done $0x0  }
0xb5: {  	[sflag:s30] =	ssyncadd.s32 $0xFFFFC000  }
0xb6: {  	s22 =	stileid.u32;
	_ =	swait.ge [sflag:s18], $0x4000  }
0xb7: {  	s31 =	sadd.s32 $0x1, s31;
	s2 =	sshll.u32 s22, $0x6;
	[sflag:s18] =	ssyncset.done $0x0  }
0xb8: {  	p0 =	sne.s32 s31, s10;
	s2 =	sor.u32 $0x1C09, s2;
	[sflag:s18] =	ssyncadd.s32 $0xFFFFC000  }
.Ltmp2:
0xb9: {  	s16 =	sshrl.u32 s6, $0x3;
	[bflag:$0x0] =	sbarrier.arrive $0xFFFF;
	(pc) =	sbr.rel @p0 .LBB2_1-.Ltmp2, $4  }
0xba: {  	[hbm:s9], [sflag:s2] =	dma.local [spmem:s16], $0x1000  }
0xbb: {  	_ =	swait.ge [sflag:s11], $0x1000  }
0xbc: {  	[sflag:s11] =	ssyncset.done $0x0  }
0xbd: {  	[sflag:s11] =	ssyncadd.s32 $0xFFFFF000  }
0xbe: {  	_ =	sfence.sel $0x180000  }
0xbf: {  	[bflag:$0x0] =	sbarrier.arrive $0xFFFF  }
0xc0: {  	_ =	strace $0x90000047  }
0xc1: {  	s0 =	stileid.u32;
	[bflag:$0x2] =	sbarrier.arrive $0xFFFF  }
0xc2: {  	p0 =	sne.s32 s0, $0x0;
	s0 =	rddreg [dreg:$0x5]  }
0xc3: {  	s0 =	sadd.s32 @!p0 $0x100000, s0  }
0xc4: {  	[sflag:s0] =	ssyncadd.tile.s32 @!p0 $0x1;
	_ =	shalt  }
.Lfunc_end2:
_tile_overlayer_lowered:
.L_overlay_start_2:
0xc5: {  	(tag) =	ssettag $0x2  }
0xc6: {  	s0 =	rddreg [dreg:$0x0];
	s2 =	stileid.u32  }
0xc7: {  	s1 =	rddreg [dreg:$0x1];
	p0 =	sne.s32 s2, $0x0  }
0xc8: {  	s3 =	rddreg [dreg:$0x2];
	[bflag:$0x3] =	sbarrier.arrive $0xFFFF;
	s2 =	simm.s32 @!p0 $0x1C09  }
0xc9: {  	[timem:s3], [sflag:s2] =	dma.local @!p0 [hbm:s0], s1  }
0xca: {  	s0 =	simm.s32 @!p0 $0x9  }
0xcb: {  	_ =	swait.ge @!p0 [sflag:s0], s1  }
0xcc: {  	s1 =	ssub.s32 @!p0 $0x0, s1;
	[sflag:s0] =	ssyncset.done @!p0 $0x0  }
0xcd: {  	[sflag:s0] =	ssyncadd.s32 @!p0 s1  }
0xce: {  	[bflag:$0x3] =	sbarrier.arrive $0xFFFF  }
0xcf: {  	_ =	shalt  }

</sc_bundles>
